<compile_context>
chip_gen: v7x
topology: tpu7x:2x2x1
jax: 0.10.2.dev20260603
libtpu: 0.0.44.dev20260713+nightly
codegen_flags: <defaults>
</compile_context>

<pallas_src>
import functools

import jax
import jax.numpy as jnp
from jax import lax
from jax.experimental import pallas as pl
from jax.experimental.pallas import tpu as pltpu
from jax.experimental.pallas import tpu_sc as plsc

_NUM_CLASSES = 5
_INNER = 256
_TEMP = 0.2
_QLEN = 64
_NC_PAD = 8
_SC_CORES = 2
_SC_SUBCORES = 16
_LANES = 16
_NW = _SC_CORES * _SC_SUBCORES
_FPW = _INNER // 4


def _labels_body(labelbs_ref, res_ref, gt_ref, lab_ref, cnt_ref):
    ii = pl.program_id(0)
    res = res_ref[0]
    gt_row = gt_ref[0]

    best_val = res[0:1, :]
    best_idx = jnp.zeros_like(gt_row)
    for c in range(1, _NUM_CLASSES):
        row = res[c:c + 1, :]
        upd = row > best_val
        best_val = jnp.where(upd, row, best_val)
        best_idx = jnp.where(upd, jnp.full_like(best_idx, c), best_idx)

    labels = jnp.where(ii < labelbs_ref[0, 0], gt_row, best_idx)
    lab_ref[0] = labels

    cls_iota = lax.broadcasted_iota(jnp.int32, (_NC_PAD, labels.shape[1]), 0)
    onehot = (cls_iota == labels).astype(jnp.float32)
    ones_row = jnp.ones((1, labels.shape[1]), jnp.float32)
    cnt_ref[0] = lax.dot_general(
        ones_row, onehot, (((1,), (1,)), ((), ())),
        preferred_element_type=jnp.float32)


def _gather16(v, idx):
    dnums = lax.GatherDimensionNumbers(
        offset_dims=(), collapsed_slice_dims=(0,), start_index_map=(0,))
    return lax.gather(v, idx.reshape(_LANES, 1), dnums, slice_sizes=(1,),
                      mode=lax.GatherScatterMode.PROMISE_IN_BOUNDS)


def _sc_body(fea_hbm, lab_hbm, out_hbm, lab_v, rb0, rb1, rb2, rb3, out_v,
             sem0, sem1, sem2, sem3, sem_l, *, p):
    nj = p // _LANES
    wid = lax.axis_index("s") * _SC_CORES + lax.axis_index("c")
    ii = wid // 4
    q = wid % 4
    fbase = q * _FPW
    row0 = ii * _INNER + fbase

    pltpu.async_copy(lab_hbm.at[pl.ds(ii * p, p)], lab_v, sem_l).wait()

    zerov = jnp.zeros((_LANES,), jnp.float32)
    for k in range(_NUM_CLASSES * _FPW // _LANES):
        out_v[pl.ds(k * _LANES, _LANES)] = zerov

    def start_row(r, rb, sem):
        pltpu.async_copy(fea_hbm.at[pl.ds((row0 + r) * p, p)], rb, sem)

    def wait_row(rb, sem):
        pltpu.make_async_copy(fea_hbm.at[pl.ds(row0 * p, p)], rb, sem).wait()

    def process_pair(rba, rbb, row_a):
        def jstep(j, carry):
            ta, a1, a2, a3, a4, tb, b1, b2, b3, b4 = carry
            for u in range(2):
                off = j * (2 * _LANES) + u * _LANES
                lab = lab_v[pl.ds(off, _LANES)]
                fa = rba[pl.ds(off, _LANES)]
                fb = rbb[pl.ds(off, _LANES)]
                m1 = lab == 1
                m2 = lab == 2
                m3 = lab == 3
                m4 = lab == 4
                ta = ta + fa
                tb = tb + fb
                a1 = a1 + jnp.where(m1, fa, zerov)
                b1 = b1 + jnp.where(m1, fb, zerov)
                a2 = a2 + jnp.where(m2, fa, zerov)
                b2 = b2 + jnp.where(m2, fb, zerov)
                a3 = a3 + jnp.where(m3, fa, zerov)
                b3 = b3 + jnp.where(m3, fb, zerov)
                a4 = a4 + jnp.where(m4, fa, zerov)
                b4 = b4 + jnp.where(m4, fb, zerov)
            return ta, a1, a2, a3, a4, tb, b1, b2, b3, b4

        z10 = (zerov,) * 10
        ta, a1, a2, a3, a4, tb, b1, b2, b3, b4 = lax.fori_loop(
            0, nj // 2, jstep, z10)
        iota = lax.broadcasted_iota(jnp.int32, (_LANES,), 0)
        for row_local, svs in (
                (row_a, (ta - a1 - a2 - a3 - a4, a1, a2, a3, a4)),
                (row_a + 1, (tb - b1 - b2 - b3 - b4, b1, b2, b3, b4))):
            chunk = row_local // _LANES
            lane = row_local % _LANES
            is_lane = iota == lane
            for c, sv in enumerate(svs):
                for sh in (8, 4, 2, 1):
                    sv = sv + _gather16(sv, iota ^ sh)
                st = c * _FPW + chunk * _LANES
                out_v[pl.ds(st, _LANES)] = (
                    out_v[pl.ds(st, _LANES)] + jnp.where(is_lane, sv, zerov))

    start_row(0, rb0, sem0)
    start_row(1, rb1, sem1)
    start_row(2, rb2, sem2)
    start_row(3, rb3, sem3)

    nk = _FPW // 4

    def gstep(k, carry):
        wait_row(rb0, sem0)
        wait_row(rb1, sem1)
        process_pair(rb0, rb1, 4 * k)

        @pl.when(k < nk - 1)
        def _issue_a():
            start_row(4 * k + 4, rb0, sem0)
            start_row(4 * k + 5, rb1, sem1)

        wait_row(rb2, sem2)
        wait_row(rb3, sem3)
        process_pair(rb2, rb3, 4 * k + 2)

        @pl.when(k < nk - 1)
        def _issue_b():
            start_row(4 * k + 6, rb2, sem2)
            start_row(4 * k + 7, rb3, sem3)
        return carry

    lax.fori_loop(0, nk, gstep, jnp.int32(0))

    for c in range(_NUM_CLASSES):
        base = (ii * _NUM_CLASSES + c) * _INNER + fbase
        pltpu.sync_copy(out_v.at[pl.ds(c * _FPW, _FPW)],
                        out_hbm.at[pl.ds(base, _FPW)])


def _loss_body(sums_ref, cnt_ref, q_ref, out_ref):
    sums = sums_ref[...]
    counts = cnt_ref[...]
    means = sums / counts
    norm = jnp.sqrt(jnp.sum(means * means, axis=1, keepdims=True))
    keys = means / jnp.maximum(norm, 1e-12)
    logits = lax.dot_general(
        keys, q_ref[...], (((1,), (0,)), ((), ())),
        preferred_element_type=jnp.float32)
    scaled = logits * (1.0 / _TEMP)
    expx = jnp.exp(scaled)
    bs = sums.shape[0] // _NUM_CLASSES
    total = jnp.zeros((), jnp.float32)
    for ii in range(bs):
        loss_s = jnp.zeros((), jnp.float32)
        for cls in range(1, _NUM_CLASSES):
            r = ii * _NUM_CLASSES + cls - 1
            row = scaled[r:r + 1, :]
            erow = expx[r:r + 1, :]
            l_pos = row[:, cls * _QLEN:(cls + 1) * _QLEN]
            e_pos = erow[:, cls * _QLEN:(cls + 1) * _QLEN]
            neg_base = jnp.sum(erow) - jnp.sum(e_pos)
            log_prob = l_pos - jnp.log(e_pos + neg_base)
            loss_s = loss_s + (-jnp.mean(log_prob))
        total = total + loss_s / (_NUM_CLASSES - 1)
    out_ref[...] = jnp.full((1, 1), total / bs, jnp.float32)


@jax.jit
def kernel(res1, fea1, label_bs, gt, queues):
    bs, nc, h, w = res1.shape
    inner = fea1.shape[1]
    p = h * w

    res_v = res1.reshape(bs, nc, p)
    gt_v = gt.reshape(bs, 1, p)
    q2d = jnp.transpose(queues, (1, 0, 2)).reshape(inner, nc * _QLEN)
    lbs = jnp.asarray(label_bs, jnp.int32).reshape(1, 1)

    labels, counts = pl.pallas_call(
        _labels_body,
        grid=(bs,),
        in_specs=[
            pl.BlockSpec(memory_space=pltpu.SMEM),
            pl.BlockSpec((1, nc, p), lambda i: (i, 0, 0)),
            pl.BlockSpec((1, 1, p), lambda i: (i, 0, 0)),
        ],
        out_specs=[
            pl.BlockSpec((1, 1, p), lambda i: (i, 0, 0)),
            pl.BlockSpec((1, 1, _NC_PAD), lambda i: (i, 0, 0)),
        ],
        out_shape=[
            jax.ShapeDtypeStruct((bs, 1, p), jnp.int32),
            jax.ShapeDtypeStruct((bs, 1, _NC_PAD), jnp.float32),
        ],
        compiler_params=pltpu.CompilerParams(
            dimension_semantics=("arbitrary",),
        ),
    )(lbs, res_v, gt_v)

    fea2 = fea1.reshape(bs * inner * p)
    lab2 = labels.reshape(bs * p)

    mesh = plsc.VectorSubcoreMesh(
        core_axis_name="c", subcore_axis_name="s",
        num_cores=_SC_CORES, num_subcores=_SC_SUBCORES)
    sums_flat = pl.kernel(
        functools.partial(_sc_body, p=p),
        out_type=jax.ShapeDtypeStruct((bs * _NUM_CLASSES * inner,), jnp.float32),
        mesh=mesh,
        scratch_types=[
            pltpu.VMEM((p,), jnp.int32),
            pltpu.VMEM((p,), jnp.float32),
            pltpu.VMEM((p,), jnp.float32),
            pltpu.VMEM((p,), jnp.float32),
            pltpu.VMEM((p,), jnp.float32),
            pltpu.VMEM((_NUM_CLASSES * _FPW,), jnp.float32),
            pltpu.SemaphoreType.DMA,
            pltpu.SemaphoreType.DMA,
            pltpu.SemaphoreType.DMA,
            pltpu.SemaphoreType.DMA,
            pltpu.SemaphoreType.DMA,
        ],
    )(fea2, lab2)

    sums2 = sums_flat.reshape(bs * _NUM_CLASSES, inner)
    cnt2 = counts.reshape(bs, _NC_PAD)[:, :_NUM_CLASSES].reshape(
        bs * _NUM_CLASSES, 1)

    out = pl.pallas_call(
        _loss_body,
        in_specs=[
            pl.BlockSpec((bs * _NUM_CLASSES, inner), lambda: (0, 0)),
            pl.BlockSpec((bs * _NUM_CLASSES, 1), lambda: (0, 0)),
            pl.BlockSpec((inner, _NUM_CLASSES * _QLEN), lambda: (0, 0)),
        ],
        out_specs=pl.BlockSpec((1, 1), lambda: (0, 0)),
        out_shape=jax.ShapeDtypeStruct((1, 1), jnp.float32),
    )(sums2, cnt2, q2d)
    return out[0, 0]

# --- scband reference (transcript-rebuilt; emitter-appended) ---
"""Pipeline reference for scband-contrast-loss-4269197492347 (READ-ONLY COPY).

The authoritative reference and input builder live on the scoring server;
editing this copy changes nothing except your own understanding.
"""

import jax, jax.numpy as jnp
import numpy as np

NUM_CLASSES = 5
INNER = 256
TEMP = 0.2
QLEN = 64
BS = 8
H = 128
W = 128


def setup_inputs(seed: int = 0) -> dict:
    key = jax.random.key(seed)
    k1, k2, k3, k4 = jax.random.split(key, 4)
    res1 = jax.random.normal(k1, (BS, NUM_CLASSES, H, W), dtype=jnp.float32)
    fea1 = jax.random.normal(k2, (BS, INNER, H, W), dtype=jnp.float32)
    gt = jax.random.randint(k3, (BS, H, W), 0, NUM_CLASSES, dtype=jnp.int32)
    # buffers queue0..queue4, each [INNER, QLEN], L2-normalized along INNER (dim 0)
    queues = jax.random.normal(k4, (NUM_CLASSES, INNER, QLEN), dtype=jnp.float32)
    queues = queues / jnp.maximum(jnp.linalg.norm(queues, axis=1, keepdims=True), 1e-12)
    return {"res1": res1, "fea1": fea1, "label_bs": 4, "gt": gt, "queues": queues}


def _sample_loss(fea, labels, queues):
    # fea: [INNER, P], labels: int[P] in [0, NUM_CLASSES)
    # With 16384 random-labelled pixels every class is present w.p. ~1, so
    # torch.unique(pred) == [0..NUM_CLASSES-1]; vals = val[1:] = [1..NUM_CLASSES-1].
    P = labels.shape[0]
    counts = jax.ops.segment_sum(jnp.ones((P,), jnp.float32), labels, num_segments=NUM_CLASSES)
    sums = jax.ops.segment_sum(fea.T, labels, num_segments=NUM_CLASSES)  # [NC, INNER]
    means = sums / counts[:, None]
    keys = means / jnp.maximum(jnp.linalg.norm(means, axis=1, keepdims=True), 1e-12)
    loss = jnp.float32(0.0)
    for cls_ind in range(1, NUM_CLASSES):
        # replicate original off-by-one: keys[list(vals).index(cls_ind)] == keys[cls_ind-1]
        query = keys[cls_ind - 1]
        l_pos = (query @ queues[cls_ind]) / TEMP  # [QLEN]
        l_neg = jnp.exp(l_pos)
        for c2 in range(NUM_CLASSES):
            if c2 == cls_ind:
                continue
            sim = query @ queues[c2]
            l_neg = l_neg + jnp.exp(sim / TEMP).sum()
        log_prob = (l_pos - jnp.log(l_neg)).mean()
        loss = loss + (-log_prob)
    return loss / (NUM_CLASSES - 1)  # len(vals)


def reference(res1, fea1, label_bs, gt, queues):
    queues = jax.lax.stop_gradient(queues)  # torch: .clone().detach()
    bs = res1.shape[0]
    total = jnp.float32(0.0)
    for ii in range(bs):
        fea = fea1[ii].reshape(INNER, -1)
        labels = jnp.where(
            ii < label_bs,
            gt[ii].reshape(-1),
            jnp.argmax(res1[ii], axis=0).reshape(-1),  # pred detached argmax
        )
        total = total + _sample_loss(fea, labels, queues)
    return total / bs

if __name__ == "__main__":
    import jax
    _d = setup_inputs()
    print(jax.jit(kernel)(*tuple(_d.values())))

</pallas_src>

<mosaic_0001>
#map = affine_map<(d0, d1) -> (0)>
module attributes {stable_mosaic.version = 14 : i64} {
  func.func @_sc_body(%arg0: i32, %arg1: i32, %arg2: memref<33554432xf32, #tpu.memory_space<hbm>>, %arg3: memref<131072xi32, #tpu.memory_space<hbm>>, %arg4: memref<10240xf32, #tpu.memory_space<hbm>>, %arg5: memref<16384xi32, #tpu.memory_space<vmem>>, %arg6: memref<16384xf32, #tpu.memory_space<vmem>>, %arg7: memref<16384xf32, #tpu.memory_space<vmem>>, %arg8: memref<16384xf32, #tpu.memory_space<vmem>>, %arg9: memref<16384xf32, #tpu.memory_space<vmem>>, %arg10: memref<320xf32, #tpu.memory_space<vmem>>, %arg11: memref<!tpu.dma_semaphore, #tpu.memory_space<semaphore_mem>>, %arg12: memref<!tpu.dma_semaphore, #tpu.memory_space<semaphore_mem>>, %arg13: memref<!tpu.dma_semaphore, #tpu.memory_space<semaphore_mem>>, %arg14: memref<!tpu.dma_semaphore, #tpu.memory_space<semaphore_mem>>, %arg15: memref<!tpu.dma_semaphore, #tpu.memory_space<semaphore_mem>>) attributes {dimension_semantics = [#tpu.dimension_semantics<core_parallel>, #tpu.dimension_semantics<subcore_parallel>], iteration_bounds = array<i64: 2, 16>, scalar_prefetch = 0 : i64, scratch_operands = 11 : i64, tpu.core_type = #tpu.core_type<sc_vector_subcore>, window_params = [{transform_indices = #map}, {transform_indices = #map}, {transform_indices = #map}]} {
    %mul3A = arith.constant 2 : i32
    %mul3A_0 = arith.muli %arg1, %mul3A : i32
    %add3A = arith.addi %mul3A_0, %arg0 : i32
    %jit3A = arith.constant 4 : i32
    %div3A = arith.divsi %add3A, %jit3A : i32
    %sign3A = arith.constant 0 : i32
    %sign3A_1 = arith.cmpi sgt, %add3A, %sign3A : i32
    %sign3A_2 = arith.extui %sign3A_1 : i1 to i32
    %sign3A_3 = arith.constant 0 : i32
    %sign3A_4 = arith.cmpi slt, %add3A, %sign3A_3 : i32
    %sign3A_5 = arith.extui %sign3A_4 : i1 to i32
    %sign3A_6 = arith.subi %sign3A_2, %sign3A_5 : i32
    %sign3A_7 = arith.constant 0 : i32
    %sign3A_8 = arith.cmpi sgt, %jit3A, %sign3A_7 : i32
    %sign3A_9 = arith.extui %sign3A_8 : i1 to i32
    %sign3A_10 = arith.constant 0 : i32
    %sign3A_11 = arith.cmpi slt, %jit3A, %sign3A_10 : i32
    %sign3A_12 = arith.extui %sign3A_11 : i1 to i32
    %sign3A_13 = arith.subi %sign3A_9, %sign3A_12 : i32
    %ne3A = arith.cmpi ne, %sign3A_6, %sign3A_13 : i32
    %rem3A = arith.remsi %add3A, %jit3A : i32
    %ne3A_14 = arith.constant 0 : i32
    %ne3A_15 = arith.cmpi ne, %rem3A, %ne3A_14 : i32
    %and3A = arith.andi %ne3A, %ne3A_15 : i1
    %sub3A = arith.constant 1 : i32
    %sub3A_16 = arith.subi %div3A, %sub3A : i32
    %select_n3A = arith.select %and3A, %sub3A_16, %div3A : i32
    %jit3A_17 = arith.constant 4 : i32
    %eq3A = arith.constant 0 : i32
    %eq3A_18 = arith.cmpi eq, %jit3A_17, %eq3A : i32
    %jit3A_19 = arith.constant 1 : i32
    %select_n3A_20 = arith.select %eq3A_18, %jit3A_19, %jit3A_17 : i32
    %rem3A_21 = arith.remsi %add3A, %select_n3A_20 : i32
    %ne3A_22 = arith.constant 0 : i32
    %ne3A_23 = arith.cmpi ne, %rem3A_21, %ne3A_22 : i32
    %lt3A = arith.constant 0 : i32
    %lt3A_24 = arith.cmpi slt, %rem3A_21, %lt3A : i32
    %lt3A_25 = arith.constant 0 : i32
    %lt3A_26 = arith.cmpi slt, %select_n3A_20, %lt3A_25 : i32
    %ne3A_27 = arith.xori %lt3A_24, %lt3A_26 : i1
    %and3A_28 = arith.andi %ne3A_27, %ne3A_23 : i1
    %add3A_29 = arith.addi %rem3A_21, %select_n3A_20 : i32
    %select_n3A_30 = arith.select %and3A_28, %add3A_29, %rem3A_21 : i32
    %mul3A_31 = arith.constant 64 : i32
    %mul3A_32 = arith.muli %select_n3A_30, %mul3A_31 : i32
    %mul3A_33 = arith.constant 256 : i32
    %mul3A_34 = arith.muli %select_n3A, %mul3A_33 : i32
    %add3A_35 = arith.addi %mul3A_34, %mul3A_32 : i32
    %mul3A_36 = arith.constant 16384 : i32
    %mul3A_37 = arith.muli %select_n3A, %mul3A_36 : i32
    %dma_start3A = tpu.memref_slice %arg3[%mul3A_37] : memref<131072xi32, #tpu.memory_space<hbm>> -> memref<16384xi32, #tpu.memory_space<hbm>>
    %dma_start3A_38 = tpu.memref_slice %arg3[%mul3A_37] : memref<131072xi32, #tpu.memory_space<hbm>> -> memref<16384xi32, #tpu.memory_space<hbm>>
    tpu.enqueue_dma source(%dma_start3A_38 : memref<16384xi32, #tpu.memory_space<hbm>>) target(%arg5 : memref<16384xi32, #tpu.memory_space<vmem>>) target_semaphore(%arg15 : memref<!tpu.dma_semaphore, #tpu.memory_space<semaphore_mem>>)
    %dma_wait3A = tpu.memref_slice %arg3[%mul3A_37] : memref<131072xi32, #tpu.memory_space<hbm>> -> memref<16384xi32, #tpu.memory_space<hbm>>
    %dma_wait3A_39 = tpu.memref_slice %arg3[%mul3A_37] : memref<131072xi32, #tpu.memory_space<hbm>> -> memref<16384xi32, #tpu.memory_space<hbm>>
    tpu.wait_dma2 semaphore(%arg15 : memref<!tpu.dma_semaphore, #tpu.memory_space<semaphore_mem>>) src(%dma_wait3A_39 : memref<16384xi32, #tpu.memory_space<hbm>>) dst(%arg5 : memref<16384xi32, #tpu.memory_space<vmem>>)
    %broadcast_in_dim3A = arith.constant 0.000000e+00 : f32
    %broadcast_in_dim3A_40 = vector.broadcast %broadcast_in_dim3A : f32 to vector<16xf32>
    %swap3A = arith.constant 0 : index
    %swap3A_41 = tpu.vector_load %arg10[%swap3A] {strides = array<i32>} : memref<320xf32, #tpu.memory_space<vmem>>, vector<16xf32>,
    %swap3A_42 = vector.shape_cast %swap3A_41 : vector<16xf32> to vector<16xf32>
    %swap3A_43 = vector.shape_cast %broadcast_in_dim3A_40 : vector<16xf32> to vector<16xf32>
    tpu.vector_store %arg10[%swap3A], %swap3A_43 {strides = array<i32>} : memref<320xf32, #tpu.memory_space<vmem>>, vector<16xf32>,
    %swap3A_44 = arith.constant 16 : index
    %swap3A_45 = tpu.vector_load %arg10[%swap3A_44] {strides = array<i32>} : memref<320xf32, #tpu.memory_space<vmem>>, vector<16xf32>,
    %swap3A_46 = vector.shape_cast %swap3A_45 : vector<16xf32> to vector<16xf32>
    %swap3A_47 = vector.shape_cast %broadcast_in_dim3A_40 : vector<16xf32> to vector<16xf32>
    tpu.vector_store %arg10[%swap3A_44], %swap3A_47 {strides = array<i32>} : memref<320xf32, #tpu.memory_space<vmem>>, vector<16xf32>,
    %swap3A_48 = arith.constant 32 : index
    %swap3A_49 = tpu.vector_load %arg10[%swap3A_48] {strides = array<i32>} : memref<320xf32, #tpu.memory_space<vmem>>, vector<16xf32>,
    %swap3A_50 = vector.shape_cast %swap3A_49 : vector<16xf32> to vector<16xf32>
    %swap3A_51 = vector.shape_cast %broadcast_in_dim3A_40 : vector<16xf32> to vector<16xf32>
    tpu.vector_store %arg10[%swap3A_48], %swap3A_51 {strides = array<i32>} : memref<320xf32, #tpu.memory_space<vmem>>, vector<16xf32>,
    %swap3A_52 = arith.constant 48 : index
    %swap3A_53 = tpu.vector_load %arg10[%swap3A_52] {strides = array<i32>} : memref<320xf32, #tpu.memory_space<vmem>>, vector<16xf32>,
    %swap3A_54 = vector.shape_cast %swap3A_53 : vector<16xf32> to vector<16xf32>
    %swap3A_55 = vector.shape_cast %broadcast_in_dim3A_40 : vector<16xf32> to vector<16xf32>
    tpu.vector_store %arg10[%swap3A_52], %swap3A_55 {strides = array<i32>} : memref<320xf32, #tpu.memory_space<vmem>>, vector<16xf32>,
    %swap3A_56 = arith.constant 64 : index
    %swap3A_57 = tpu.vector_load %arg10[%swap3A_56] {strides = array<i32>} : memref<320xf32, #tpu.memory_space<vmem>>, vector<16xf32>,
    %swap3A_58 = vector.shape_cast %swap3A_57 : vector<16xf32> to vector<16xf32>
    %swap3A_59 = vector.shape_cast %broadcast_in_dim3A_40 : vector<16xf32> to vector<16xf32>
    tpu.vector_store %arg10[%swap3A_56], %swap3A_59 {strides = array<i32>} : memref<320xf32, #tpu.memory_space<vmem>>, vector<16xf32>,
    %swap3A_60 = arith.constant 80 : index
    %swap3A_61 = tpu.vector_load %arg10[%swap3A_60] {strides = array<i32>} : memref<320xf32, #tpu.memory_space<vmem>>, vector<16xf32>,
    %swap3A_62 = vector.shape_cast %swap3A_61 : vector<16xf32> to vector<16xf32>
    %swap3A_63 = vector.shape_cast %broadcast_in_dim3A_40 : vector<16xf32> to vector<16xf32>
    tpu.vector_store %arg10[%swap3A_60], %swap3A_63 {strides = array<i32>} : memref<320xf32, #tpu.memory_space<vmem>>, vector<16xf32>,
    %swap3A_64 = arith.constant 96 : index
    %swap3A_65 = tpu.vector_load %arg10[%swap3A_64] {strides = array<i32>} : memref<320xf32, #tpu.memory_space<vmem>>, vector<16xf32>,
    %swap3A_66 = vector.shape_cast %swap3A_65 : vector<16xf32> to vector<16xf32>
    %swap3A_67 = vector.shape_cast %broadcast_in_dim3A_40 : vector<16xf32> to vector<16xf32>
    tpu.vector_store %arg10[%swap3A_64], %swap3A_67 {strides = array<i32>} : memref<320xf32, #tpu.memory_space<vmem>>, vector<16xf32>,
    %swap3A_68 = arith.constant 112 : index
    %swap3A_69 = tpu.vector_load %arg10[%swap3A_68] {strides = array<i32>} : memref<320xf32, #tpu.memory_space<vmem>>, vector<16xf32>,
    %swap3A_70 = vector.shape_cast %swap3A_69 : vector<16xf32> to vector<16xf32>
    %swap3A_71 = vector.shape_cast %broadcast_in_dim3A_40 : vector<16xf32> to vector<16xf32>
    tpu.vector_store %arg10[%swap3A_68], %swap3A_71 {strides = array<i32>} : memref<320xf32, #tpu.memory_space<vmem>>, vector<16xf32>,
    %swap3A_72 = arith.constant 128 : index
    %swap3A_73 = tpu.vector_load %arg10[%swap3A_72] {strides = array<i32>} : memref<320xf32, #tpu.memory_space<vmem>>, vector<16xf32>,
    %swap3A_74 = vector.shape_cast %swap3A_73 : vector<16xf32> to vector<16xf32>
    %swap3A_75 = vector.shape_cast %broadcast_in_dim3A_40 : vector<16xf32> to vector<16xf32>
    tpu.vector_store %arg10[%swap3A_72], %swap3A_75 {strides = array<i32>} : memref<320xf32, #tpu.memory_space<vmem>>, vector<16xf32>,
    %swap3A_76 = arith.constant 144 : index
    %swap3A_77 = tpu.vector_load %arg10[%swap3A_76] {strides = array<i32>} : memref<320xf32, #tpu.memory_space<vmem>>, vector<16xf32>,
    %swap3A_78 = vector.shape_cast %swap3A_77 : vector<16xf32> to vector<16xf32>
    %swap3A_79 = vector.shape_cast %broadcast_in_dim3A_40 : vector<16xf32> to vector<16xf32>
    tpu.vector_store %arg10[%swap3A_76], %swap3A_79 {strides = array<i32>} : memref<320xf32, #tpu.memory_space<vmem>>, vector<16xf32>,
    %swap3A_80 = arith.constant 160 : index
    %swap3A_81 = tpu.vector_load %arg10[%swap3A_80] {strides = array<i32>} : memref<320xf32, #tpu.memory_space<vmem>>, vector<16xf32>,
    %swap3A_82 = vector.shape_cast %swap3A_81 : vector<16xf32> to vector<16xf32>
    %swap3A_83 = vector.shape_cast %broadcast_in_dim3A_40 : vector<16xf32> to vector<16xf32>
    tpu.vector_store %arg10[%swap3A_80], %swap3A_83 {strides = array<i32>} : memref<320xf32, #tpu.memory_space<vmem>>, vector<16xf32>,
    %swap3A_84 = arith.constant 176 : index
    %swap3A_85 = tpu.vector_load %arg10[%swap3A_84] {strides = array<i32>} : memref<320xf32, #tpu.memory_space<vmem>>, vector<16xf32>,
    %swap3A_86 = vector.shape_cast %swap3A_85 : vector<16xf32> to vector<16xf32>
    %swap3A_87 = vector.shape_cast %broadcast_in_dim3A_40 : vector<16xf32> to vector<16xf32>
    tpu.vector_store %arg10[%swap3A_84], %swap3A_87 {strides = array<i32>} : memref<320xf32, #tpu.memory_space<vmem>>, vector<16xf32>,
    %swap3A_88 = arith.constant 192 : index
    %swap3A_89 = tpu.vector_load %arg10[%swap3A_88] {strides = array<i32>} : memref<320xf32, #tpu.memory_space<vmem>>, vector<16xf32>,
    %swap3A_90 = vector.shape_cast %swap3A_89 : vector<16xf32> to vector<16xf32>
    %swap3A_91 = vector.shape_cast %broadcast_in_dim3A_40 : vector<16xf32> to vector<16xf32>
    tpu.vector_store %arg10[%swap3A_88], %swap3A_91 {strides = array<i32>} : memref<320xf32, #tpu.memory_space<vmem>>, vector<16xf32>,
    %swap3A_92 = arith.constant 208 : index
    %swap3A_93 = tpu.vector_load %arg10[%swap3A_92] {strides = array<i32>} : memref<320xf32, #tpu.memory_space<vmem>>, vector<16xf32>,
    %swap3A_94 = vector.shape_cast %swap3A_93 : vector<16xf32> to vector<16xf32>
    %swap3A_95 = vector.shape_cast %broadcast_in_dim3A_40 : vector<16xf32> to vector<16xf32>
    tpu.vector_store %arg10[%swap3A_92], %swap3A_95 {strides = array<i32>} : memref<320xf32, #tpu.memory_space<vmem>>, vector<16xf32>,
    %swap3A_96 = arith.constant 224 : index
    %swap3A_97 = tpu.vector_load %arg10[%swap3A_96] {strides = array<i32>} : memref<320xf32, #tpu.memory_space<vmem>>, vector<16xf32>,
    %swap3A_98 = vector.shape_cast %swap3A_97 : vector<16xf32> to vector<16xf32>
    %swap3A_99 = vector.shape_cast %broadcast_in_dim3A_40 : vector<16xf32> to vector<16xf32>
    tpu.vector_store %arg10[%swap3A_96], %swap3A_99 {strides = array<i32>} : memref<320xf32, #tpu.memory_space<vmem>>, vector<16xf32>,
    %swap3A_100 = arith.constant 240 : index
    %swap3A_101 = tpu.vector_load %arg10[%swap3A_100] {strides = array<i32>} : memref<320xf32, #tpu.memory_space<vmem>>, vector<16xf32>,
    %swap3A_102 = vector.shape_cast %swap3A_101 : vector<16xf32> to vector<16xf32>
    %swap3A_103 = vector.shape_cast %broadcast_in_dim3A_40 : vector<16xf32> to vector<16xf32>
    tpu.vector_store %arg10[%swap3A_100], %swap3A_103 {strides = array<i32>} : memref<320xf32, #tpu.memory_space<vmem>>, vector<16xf32>,
    %swap3A_104 = arith.constant 256 : index
    %swap3A_105 = tpu.vector_load %arg10[%swap3A_104] {strides = array<i32>} : memref<320xf32, #tpu.memory_space<vmem>>, vector<16xf32>,
    %swap3A_106 = vector.shape_cast %swap3A_105 : vector<16xf32> to vector<16xf32>
    %swap3A_107 = vector.shape_cast %broadcast_in_dim3A_40 : vector<16xf32> to vector<16xf32>
    tpu.vector_store %arg10[%swap3A_104], %swap3A_107 {strides = array<i32>} : memref<320xf32, #tpu.memory_space<vmem>>, vector<16xf32>,
    %swap3A_108 = arith.constant 272 : index
    %swap3A_109 = tpu.vector_load %arg10[%swap3A_108] {strides = array<i32>} : memref<320xf32, #tpu.memory_space<vmem>>, vector<16xf32>,
    %swap3A_110 = vector.shape_cast %swap3A_109 : vector<16xf32> to vector<16xf32>
    %swap3A_111 = vector.shape_cast %broadcast_in_dim3A_40 : vector<16xf32> to vector<16xf32>
    tpu.vector_store %arg10[%swap3A_108], %swap3A_111 {strides = array<i32>} : memref<320xf32, #tpu.memory_space<vmem>>, vector<16xf32>,
    %swap3A_112 = arith.constant 288 : index
    %swap3A_113 = tpu.vector_load %arg10[%swap3A_112] {strides = array<i32>} : memref<320xf32, #tpu.memory_space<vmem>>, vector<16xf32>,
    %swap3A_114 = vector.shape_cast %swap3A_113 : vector<16xf32> to vector<16xf32>
    %swap3A_115 = vector.shape_cast %broadcast_in_dim3A_40 : vector<16xf32> to vector<16xf32>
    tpu.vector_store %arg10[%swap3A_112], %swap3A_115 {strides = array<i32>} : memref<320xf32, #tpu.memory_space<vmem>>, vector<16xf32>,
    %swap3A_116 = arith.constant 304 : index
    %swap3A_117 = tpu.vector_load %arg10[%swap3A_116] {strides = array<i32>} : memref<320xf32, #tpu.memory_space<vmem>>, vector<16xf32>,
    %swap3A_118 = vector.shape_cast %swap3A_117 : vector<16xf32> to vector<16xf32>
    %swap3A_119 = vector.shape_cast %broadcast_in_dim3A_40 : vector<16xf32> to vector<16xf32>
    tpu.vector_store %arg10[%swap3A_116], %swap3A_119 {strides = array<i32>} : memref<320xf32, #tpu.memory_space<vmem>>, vector<16xf32>,
    %add3A_120 = arith.constant 0 : i32
    %add3A_121 = arith.addi %add3A_35, %add3A_120 : i32
    %mul3A_122 = arith.constant 16384 : i32
    %mul3A_123 = arith.muli %add3A_121, %mul3A_122 : i32
    %dma_start3A_124 = tpu.memref_slice %arg2[%mul3A_123] : memref<33554432xf32, #tpu.memory_space<hbm>> -> memref<16384xf32, #tpu.memory_space<hbm>>
    %dma_start3A_125 = tpu.memref_slice %arg2[%mul3A_123] : memref<33554432xf32, #tpu.memory_space<hbm>> -> memref<16384xf32, #tpu.memory_space<hbm>>
    tpu.enqueue_dma source(%dma_start3A_125 : memref<16384xf32, #tpu.memory_space<hbm>>) target(%arg6 : memref<16384xf32, #tpu.memory_space<vmem>>) target_semaphore(%arg11 : memref<!tpu.dma_semaphore, #tpu.memory_space<semaphore_mem>>)
    %add3A_126 = arith.constant 1 : i32
    %add3A_127 = arith.addi %add3A_35, %add3A_126 : i32
    %mul3A_128 = arith.constant 16384 : i32
    %mul3A_129 = arith.muli %add3A_127, %mul3A_128 : i32
    %dma_start3A_130 = tpu.memref_slice %arg2[%mul3A_129] : memref<33554432xf32, #tpu.memory_space<hbm>> -> memref<16384xf32, #tpu.memory_space<hbm>>
    %dma_start3A_131 = tpu.memref_slice %arg2[%mul3A_129] : memref<33554432xf32, #tpu.memory_space<hbm>> -> memref<16384xf32, #tpu.memory_space<hbm>>
    tpu.enqueue_dma source(%dma_start3A_131 : memref<16384xf32, #tpu.memory_space<hbm>>) target(%arg7 : memref<16384xf32, #tpu.memory_space<vmem>>) target_semaphore(%arg12 : memref<!tpu.dma_semaphore, #tpu.memory_space<semaphore_mem>>)
    %add3A_132 = arith.constant 2 : i32
    %add3A_133 = arith.addi %add3A_35, %add3A_132 : i32
    %mul3A_134 = arith.constant 16384 : i32
    %mul3A_135 = arith.muli %add3A_133, %mul3A_134 : i32
    %dma_start3A_136 = tpu.memref_slice %arg2[%mul3A_135] : memref<33554432xf32, #tpu.memory_space<hbm>> -> memref<16384xf32, #tpu.memory_space<hbm>>
    %dma_start3A_137 = tpu.memref_slice %arg2[%mul3A_135] : memref<33554432xf32, #tpu.memory_space<hbm>> -> memref<16384xf32, #tpu.memory_space<hbm>>
    tpu.enqueue_dma source(%dma_start3A_137 : memref<16384xf32, #tpu.memory_space<hbm>>) target(%arg8 : memref<16384xf32, #tpu.memory_space<vmem>>) target_semaphore(%arg13 : memref<!tpu.dma_semaphore, #tpu.memory_space<semaphore_mem>>)
    %add3A_138 = arith.constant 3 : i32
    %add3A_139 = arith.addi %add3A_35, %add3A_138 : i32
    %mul3A_140 = arith.constant 16384 : i32
    %mul3A_141 = arith.muli %add3A_139, %mul3A_140 : i32
    %dma_start3A_142 = tpu.memref_slice %arg2[%mul3A_141] : memref<33554432xf32, #tpu.memory_space<hbm>> -> memref<16384xf32, #tpu.memory_space<hbm>>
    %dma_start3A_143 = tpu.memref_slice %arg2[%mul3A_141] : memref<33554432xf32, #tpu.memory_space<hbm>> -> memref<16384xf32, #tpu.memory_space<hbm>>
    tpu.enqueue_dma source(%dma_start3A_143 : memref<16384xf32, #tpu.memory_space<hbm>>) target(%arg9 : memref<16384xf32, #tpu.memory_space<vmem>>) target_semaphore(%arg14 : memref<!tpu.dma_semaphore, #tpu.memory_space<semaphore_mem>>)
    %scan3A = arith.constant 0 : i32
    %scan3A_144 = arith.constant 0 : i32
    %scan3A_145 = arith.constant 16 : i32
    %scan3A_146 = arith.addi %scan3A_144, %scan3A_145 : i32
    %scan3A_147 = arith.constant 1 : i32
    scf.for %scan3A_184 = %scan3A_144 to %scan3A_146 step %scan3A_147  : i32 {
      %mul3A_185 = arith.constant 16384 : i32
      %mul3A_186 = arith.muli %add3A_35, %mul3A_185 : i32
      %dma_wait3A_187 = tpu.memref_slice %arg2[%mul3A_186] : memref<33554432xf32, #tpu.memory_space<hbm>> -> memref<16384xf32, #tpu.memory_space<hbm>>
      %dma_wait3A_188 = tpu.memref_slice %arg2[%mul3A_186] : memref<33554432xf32, #tpu.memory_space<hbm>> -> memref<16384xf32, #tpu.memory_space<hbm>>
      tpu.wait_dma2 semaphore(%arg11 : memref<!tpu.dma_semaphore, #tpu.memory_space<semaphore_mem>>) src(%dma_wait3A_188 : memref<16384xf32, #tpu.memory_space<hbm>>) dst(%arg6 : memref<16384xf32, #tpu.memory_space<vmem>>)
      %mul3A_189 = arith.constant 16384 : i32
      %mul3A_190 = arith.muli %add3A_35, %mul3A_189 : i32
      %dma_wait3A_191 = tpu.memref_slice %arg2[%mul3A_190] : memref<33554432xf32, #tpu.memory_space<hbm>> -> memref<16384xf32, #tpu.memory_space<hbm>>
      %dma_wait3A_192 = tpu.memref_slice %arg2[%mul3A_190] : memref<33554432xf32, #tpu.memory_space<hbm>> -> memref<16384xf32, #tpu.memory_space<hbm>>
      tpu.wait_dma2 semaphore(%arg12 : memref<!tpu.dma_semaphore, #tpu.memory_space<semaphore_mem>>) src(%dma_wait3A_192 : memref<16384xf32, #tpu.memory_space<hbm>>) dst(%arg7 : memref<16384xf32, #tpu.memory_space<vmem>>)
      %mul3A_193 = arith.constant 4 : i32
      %mul3A_194 = arith.muli %mul3A_193, %scan3A_184 : i32
      %scan3A_195 = arith.constant 0 : i32
      %scan3A_196 = arith.constant 512 : i32
      %scan3A_197 = arith.addi %scan3A_195, %scan3A_196 : i32
      %scan3A_198 = arith.constant 1 : i32
      %scan3A_199:10 = scf.for %scan3A_1232 = %scan3A_195 to %scan3A_197 step %scan3A_198 iter_args(%scan3A_1233 = %broadcast_in_dim3A_40, %scan3A_1234 = %broadcast_in_dim3A_40, %scan3A_1235 = %broadcast_in_dim3A_40, %scan3A_1236 = %broadcast_in_dim3A_40, %scan3A_1237 = %broadcast_in_dim3A_40, %scan3A_1238 = %broadcast_in_dim3A_40, %scan3A_1239 = %broadcast_in_dim3A_40, %scan3A_1240 = %broadcast_in_dim3A_40, %scan3A_1241 = %broadcast_in_dim3A_40, %scan3A_1242 = %broadcast_in_dim3A_40) -> (vector<16xf32>, vector<16xf32>, vector<16xf32>, vector<16xf32>, vector<16xf32>, vector<16xf32>, vector<16xf32>, vector<16xf32>, vector<16xf32>, vector<16xf32>)  : i32 {
        %mul3A_1243 = arith.constant 32 : i32
        %mul3A_1244 = arith.muli %scan3A_1232, %mul3A_1243 : i32
        %add3A_1245 = arith.constant 0 : i32
        %add3A_1246 = arith.addi %mul3A_1244, %add3A_1245 : i32
        %get3A_1247 = arith.index_cast %add3A_1246 : i32 to index
        %get3A_1248 = tpu.vector_load %arg5[%get3A_1247] {strides = array<i32>} : memref<16384xi32, #tpu.memory_space<vmem>>, vector<16xi32>,
        %get3A_1249 = vector.shape_cast %get3A_1248 : vector<16xi32> to vector<16xi32>
        %get3A_1250 = arith.index_cast %add3A_1246 : i32 to index
        %get3A_1251 = tpu.vector_load %arg6[%get3A_1250] {strides = array<i32>} : memref<16384xf32, #tpu.memory_space<vmem>>, vector<16xf32>,
        %get3A_1252 = vector.shape_cast %get3A_1251 : vector<16xf32> to vector<16xf32>
        %get3A_1253 = arith.index_cast %add3A_1246 : i32 to index
        %get3A_1254 = tpu.vector_load %arg7[%get3A_1253] {strides = array<i32>} : memref<16384xf32, #tpu.memory_space<vmem>>, vector<16xf32>,
        %get3A_1255 = vector.shape_cast %get3A_1254 : vector<16xf32> to vector<16xf32>
        %eq3A_1256 = arith.constant 1 : i32
        %eq3A_1257 = vector.broadcast %eq3A_1256 : i32 to vector<16xi32>
        %eq3A_1258 = arith.cmpi eq, %get3A_1249, %eq3A_1257 : vector<16xi32>
        %eq3A_1259 = arith.constant 2 : i32
        %eq3A_1260 = vector.broadcast %eq3A_1259 : i32 to vector<16xi32>
        %eq3A_1261 = arith.cmpi eq, %get3A_1249, %eq3A_1260 : vector<16xi32>
        %eq3A_1262 = arith.constant 3 : i32
        %eq3A_1263 = vector.broadcast %eq3A_1262 : i32 to vector<16xi32>
        %eq3A_1264 = arith.cmpi eq, %get3A_1249, %eq3A_1263 : vector<16xi32>
        %eq3A_1265 = arith.constant 4 : i32
        %eq3A_1266 = vector.broadcast %eq3A_1265 : i32 to vector<16xi32>
        %eq3A_1267 = arith.cmpi eq, %get3A_1249, %eq3A_1266 : vector<16xi32>
        %add3A_1268 = arith.addf %scan3A_1233, %get3A_1252 : vector<16xf32>
        %add3A_1269 = arith.addf %scan3A_1238, %get3A_1255 : vector<16xf32>
        %select_n3A_1270 = arith.select %eq3A_1258, %get3A_1252, %broadcast_in_dim3A_40 : vector<16xi1>, vector<16xf32>
        %add3A_1271 = arith.addf %scan3A_1234, %select_n3A_1270 : vector<16xf32>
        %select_n3A_1272 = arith.select %eq3A_1258, %get3A_1255, %broadcast_in_dim3A_40 : vector<16xi1>, vector<16xf32>
        %add3A_1273 = arith.addf %scan3A_1239, %select_n3A_1272 : vector<16xf32>
        %select_n3A_1274 = arith.select %eq3A_1261, %get3A_1252, %broadcast_in_dim3A_40 : vector<16xi1>, vector<16xf32>
        %add3A_1275 = arith.addf %scan3A_1235, %select_n3A_1274 : vector<16xf32>
        %select_n3A_1276 = arith.select %eq3A_1261, %get3A_1255, %broadcast_in_dim3A_40 : vector<16xi1>, vector<16xf32>
        %add3A_1277 = arith.addf %scan3A_1240, %select_n3A_1276 : vector<16xf32>
        %select_n3A_1278 = arith.select %eq3A_1264, %get3A_1252, %broadcast_in_dim3A_40 : vector<16xi1>, vector<16xf32>
        %add3A_1279 = arith.addf %scan3A_1236, %select_n3A_1278 : vector<16xf32>
        %select_n3A_1280 = arith.select %eq3A_1264, %get3A_1255, %broadcast_in_dim3A_40 : vector<16xi1>, vector<16xf32>
        %add3A_1281 = arith.addf %scan3A_1241, %select_n3A_1280 : vector<16xf32>
        %select_n3A_1282 = arith.select %eq3A_1267, %get3A_1252, %broadcast_in_dim3A_40 : vector<16xi1>, vector<16xf32>
        %add3A_1283 = arith.addf %scan3A_1237, %select_n3A_1282 : vector<16xf32>
        %select_n3A_1284 = arith.select %eq3A_1267, %get3A_1255, %broadcast_in_dim3A_40 : vector<16xi1>, vector<16xf32>
        %add3A_1285 = arith.addf %scan3A_1242, %select_n3A_1284 : vector<16xf32>
        %mul3A_1286 = arith.constant 32 : i32
        %mul3A_1287 = arith.muli %scan3A_1232, %mul3A_1286 : i32
        %add3A_1288 = arith.constant 16 : i32
        %add3A_1289 = arith.addi %mul3A_1287, %add3A_1288 : i32
        %get3A_1290 = arith.index_cast %add3A_1289 : i32 to index
        %get3A_1291 = tpu.vector_load %arg5[%get3A_1290] {strides = array<i32>} : memref<16384xi32, #tpu.memory_space<vmem>>, vector<16xi32>,
        %get3A_1292 = vector.shape_cast %get3A_1291 : vector<16xi32> to vector<16xi32>
        %get3A_1293 = arith.index_cast %add3A_1289 : i32 to index
        %get3A_1294 = tpu.vector_load %arg6[%get3A_1293] {strides = array<i32>} : memref<16384xf32, #tpu.memory_space<vmem>>, vector<16xf32>,
        %get3A_1295 = vector.shape_cast %get3A_1294 : vector<16xf32> to vector<16xf32>
        %get3A_1296 = arith.index_cast %add3A_1289 : i32 to index
        %get3A_1297 = tpu.vector_load %arg7[%get3A_1296] {strides = array<i32>} : memref<16384xf32, #tpu.memory_space<vmem>>, vector<16xf32>,
        %get3A_1298 = vector.shape_cast %get3A_1297 : vector<16xf32> to vector<16xf32>
        %eq3A_1299 = arith.constant 1 : i32
        %eq3A_1300 = vector.broadcast %eq3A_1299 : i32 to vector<16xi32>
        %eq3A_1301 = arith.cmpi eq, %get3A_1292, %eq3A_1300 : vector<16xi32>
        %eq3A_1302 = arith.constant 2 : i32
        %eq3A_1303 = vector.broadcast %eq3A_1302 : i32 to vector<16xi32>
        %eq3A_1304 = arith.cmpi eq, %get3A_1292, %eq3A_1303 : vector<16xi32>
        %eq3A_1305 = arith.constant 3 : i32
        %eq3A_1306 = vector.broadcast %eq3A_1305 : i32 to vector<16xi32>
        %eq3A_1307 = arith.cmpi eq, %get3A_1292, %eq3A_1306 : vector<16xi32>
        %eq3A_1308 = arith.constant 4 : i32
        %eq3A_1309 = vector.broadcast %eq3A_1308 : i32 to vector<16xi32>
        %eq3A_1310 = arith.cmpi eq, %get3A_1292, %eq3A_1309 : vector<16xi32>
        %add3A_1311 = arith.addf %add3A_1268, %get3A_1295 : vector<16xf32>
        %add3A_1312 = arith.addf %add3A_1269, %get3A_1298 : vector<16xf32>
        %select_n3A_1313 = arith.select %eq3A_1301, %get3A_1295, %broadcast_in_dim3A_40 : vector<16xi1>, vector<16xf32>
        %add3A_1314 = arith.addf %add3A_1271, %select_n3A_1313 : vector<16xf32>
        %select_n3A_1315 = arith.select %eq3A_1301, %get3A_1298, %broadcast_in_dim3A_40 : vector<16xi1>, vector<16xf32>
        %add3A_1316 = arith.addf %add3A_1273, %select_n3A_1315 : vector<16xf32>
        %select_n3A_1317 = arith.select %eq3A_1304, %get3A_1295, %broadcast_in_dim3A_40 : vector<16xi1>, vector<16xf32>
        %add3A_1318 = arith.addf %add3A_1275, %select_n3A_1317 : vector<16xf32>
        %select_n3A_1319 = arith.select %eq3A_1304, %get3A_1298, %broadcast_in_dim3A_40 : vector<16xi1>, vector<16xf32>
        %add3A_1320 = arith.addf %add3A_1277, %select_n3A_1319 : vector<16xf32>
        %select_n3A_1321 = arith.select %eq3A_1307, %get3A_1295, %broadcast_in_dim3A_40 : vector<16xi1>, vector<16xf32>
        %add3A_1322 = arith.addf %add3A_1279, %select_n3A_1321 : vector<16xf32>
        %select_n3A_1323 = arith.select %eq3A_1307, %get3A_1298, %broadcast_in_dim3A_40 : vector<16xi1>, vector<16xf32>
        %add3A_1324 = arith.addf %add3A_1281, %select_n3A_1323 : vector<16xf32>
        %select_n3A_1325 = arith.select %eq3A_1310, %get3A_1295, %broadcast_in_dim3A_40 : vector<16xi1>, vector<16xf32>
        %add3A_1326 = arith.addf %add3A_1283, %select_n3A_1325 : vector<16xf32>
        %select_n3A_1327 = arith.select %eq3A_1310, %get3A_1298, %broadcast_in_dim3A_40 : vector<16xi1>, vector<16xf32>
        %add3A_1328 = arith.addf %add3A_1285, %select_n3A_1327 : vector<16xf32>
        scf.yield %add3A_1311, %add3A_1314, %add3A_1318, %add3A_1322, %add3A_1326, %add3A_1312, %add3A_1316, %add3A_1320, %add3A_1324, %add3A_1328 : vector<16xf32>, vector<16xf32>, vector<16xf32>, vector<16xf32>, vector<16xf32>, vector<16xf32>, vector<16xf32>, vector<16xf32>, vector<16xf32>, vector<16xf32>
      }
      %scan3A_200 = arith.constant 512 : i32
      %iota3A = tpu.iota {dimensions = array<i32: 0>} : vector<16xi32>
      %sub3A_201 = arith.subf %scan3A_199#0, %scan3A_199#1 : vector<16xf32>
      %sub3A_202 = arith.subf %sub3A_201, %scan3A_199#2 : vector<16xf32>
      %sub3A_203 = arith.subf %sub3A_202, %scan3A_199#3 : vector<16xf32>
      %sub3A_204 = arith.subf %sub3A_203, %scan3A_199#4 : vector<16xf32>
      %add3A_205 = arith.constant 1 : i32
      %add3A_206 = arith.addi %mul3A_194, %add3A_205 : i32
      %sub3A_207 = arith.subf %scan3A_199#5, %scan3A_199#6 : vector<16xf32>
      %sub3A_208 = arith.subf %sub3A_207, %scan3A_199#7 : vector<16xf32>
      %sub3A_209 = arith.subf %sub3A_208, %scan3A_199#8 : vector<16xf32>
      %sub3A_210 = arith.subf %sub3A_209, %scan3A_199#9 : vector<16xf32>
      %jit3A_211 = arith.constant 16 : i32
      %div3A_212 = arith.divsi %mul3A_194, %jit3A_211 : i32
      %sign3A_213 = arith.constant 0 : i32
      %sign3A_214 = arith.cmpi sgt, %mul3A_194, %sign3A_213 : i32
      %sign3A_215 = arith.extui %sign3A_214 : i1 to i32
      %sign3A_216 = arith.constant 0 : i32
      %sign3A_217 = arith.cmpi slt, %mul3A_194, %sign3A_216 : i32
      %sign3A_218 = arith.extui %sign3A_217 : i1 to i32
      %sign3A_219 = arith.subi %sign3A_215, %sign3A_218 : i32
      %sign3A_220 = arith.constant 0 : i32
      %sign3A_221 = arith.cmpi sgt, %jit3A_211, %sign3A_220 : i32
      %sign3A_222 = arith.extui %sign3A_221 : i1 to i32
      %sign3A_223 = arith.constant 0 : i32
      %sign3A_224 = arith.cmpi slt, %jit3A_211, %sign3A_223 : i32
      %sign3A_225 = arith.extui %sign3A_224 : i1 to i32
      %sign3A_226 = arith.subi %sign3A_222, %sign3A_225 : i32
      %ne3A_227 = arith.cmpi ne, %sign3A_219, %sign3A_226 : i32
      %rem3A_228 = arith.remsi %mul3A_194, %jit3A_211 : i32
      %ne3A_229 = arith.constant 0 : i32
      %ne3A_230 = arith.cmpi ne, %rem3A_228, %ne3A_229 : i32
      %and3A_231 = arith.andi %ne3A_227, %ne3A_230 : i1
      %sub3A_232 = arith.constant 1 : i32
      %sub3A_233 = arith.subi %div3A_212, %sub3A_232 : i32
      %select_n3A_234 = arith.select %and3A_231, %sub3A_233, %div3A_212 : i32
      %jit3A_235 = arith.constant 16 : i32
      %eq3A_236 = arith.constant 0 : i32
      %eq3A_237 = arith.cmpi eq, %jit3A_235, %eq3A_236 : i32
      %jit3A_238 = arith.constant 1 : i32
      %select_n3A_239 = arith.select %eq3A_237, %jit3A_238, %jit3A_235 : i32
      %rem3A_240 = arith.remsi %mul3A_194, %select_n3A_239 : i32
      %ne3A_241 = arith.constant 0 : i32
      %ne3A_242 = arith.cmpi ne, %rem3A_240, %ne3A_241 : i32
      %lt3A_243 = arith.constant 0 : i32
      %lt3A_244 = arith.cmpi slt, %rem3A_240, %lt3A_243 : i32
      %lt3A_245 = arith.constant 0 : i32
      %lt3A_246 = arith.cmpi slt, %select_n3A_239, %lt3A_245 : i32
      %ne3A_247 = arith.xori %lt3A_244, %lt3A_246 : i1
      %and3A_248 = arith.andi %ne3A_247, %ne3A_242 : i1
      %add3A_249 = arith.addi %rem3A_240, %select_n3A_239 : i32
      %select_n3A_250 = arith.select %and3A_248, %add3A_249, %rem3A_240 : i32
      %eq3A_251 = vector.broadcast %select_n3A_250 : i32 to vector<16xi32>
      %eq3A_252 = arith.cmpi eq, %iota3A, %eq3A_251 : vector<16xi32>
      %xor3A = arith.constant 8 : i32
      %xor3A_253 = vector.broadcast %xor3A : i32 to vector<16xi32>
      %xor3A_254 = arith.xori %iota3A, %xor3A_253 : vector<16xi32>
      %reshape3A = vector.shape_cast %xor3A_254 : vector<16xi32> to vector<16x1xi32>
      %gather3A = vector.shape_cast %reshape3A : vector<16x1xi32> to vector<16xi32>
      %gather3A_255 = tpu.dynamic_gather %sub3A_204[%gather3A] in [0] : vector<16xf32>, vector<16xi32> -> vector<16xf32>
      %add3A_256 = arith.addf %sub3A_204, %gather3A_255 : vector<16xf32>
      %xor3A_257 = arith.constant 4 : i32
      %xor3A_258 = vector.broadcast %xor3A_257 : i32 to vector<16xi32>
      %xor3A_259 = arith.xori %iota3A, %xor3A_258 : vector<16xi32>
      %reshape3A_260 = vector.shape_cast %xor3A_259 : vector<16xi32> to vector<16x1xi32>
      %gather3A_261 = vector.shape_cast %reshape3A_260 : vector<16x1xi32> to vector<16xi32>
      %gather3A_262 = tpu.dynamic_gather %add3A_256[%gather3A_261] in [0] : vector<16xf32>, vector<16xi32> -> vector<16xf32>
      %add3A_263 = arith.addf %add3A_256, %gather3A_262 : vector<16xf32>
      %xor3A_264 = arith.constant 2 : i32
      %xor3A_265 = vector.broadcast %xor3A_264 : i32 to vector<16xi32>
      %xor3A_266 = arith.xori %iota3A, %xor3A_265 : vector<16xi32>
      %reshape3A_267 = vector.shape_cast %xor3A_266 : vector<16xi32> to vector<16x1xi32>
      %gather3A_268 = vector.shape_cast %reshape3A_267 : vector<16x1xi32> to vector<16xi32>
      %gather3A_269 = tpu.dynamic_gather %add3A_263[%gather3A_268] in [0] : vector<16xf32>, vector<16xi32> -> vector<16xf32>
      %add3A_270 = arith.addf %add3A_263, %gather3A_269 : vector<16xf32>
      %xor3A_271 = arith.constant 1 : i32
      %xor3A_272 = vector.broadcast %xor3A_271 : i32 to vector<16xi32>
      %xor3A_273 = arith.xori %iota3A, %xor3A_272 : vector<16xi32>
      %reshape3A_274 = vector.shape_cast %xor3A_273 : vector<16xi32> to vector<16x1xi32>
      %gather3A_275 = vector.shape_cast %reshape3A_274 : vector<16x1xi32> to vector<16xi32>
      %gather3A_276 = tpu.dynamic_gather %add3A_270[%gather3A_275] in [0] : vector<16xf32>, vector<16xi32> -> vector<16xf32>
      %add3A_277 = arith.addf %add3A_270, %gather3A_276 : vector<16xf32>
      %mul3A_278 = arith.constant 16 : i32
      %mul3A_279 = arith.muli %select_n3A_234, %mul3A_278 : i32
      %add3A_280 = arith.constant 0 : i32
      %add3A_281 = arith.addi %add3A_280, %mul3A_279 : i32
      %get3A = arith.index_cast %add3A_281 : i32 to index
      %get3A_282 = tpu.vector_load %arg10[%get3A] {strides = array<i32>} : memref<320xf32, #tpu.memory_space<vmem>>, vector<16xf32>,
      %get3A_283 = vector.shape_cast %get3A_282 : vector<16xf32> to vector<16xf32>
      %select_n3A_284 = arith.select %eq3A_252, %add3A_277, %broadcast_in_dim3A_40 : vector<16xi1>, vector<16xf32>
      %add3A_285 = arith.addf %get3A_283, %select_n3A_284 : vector<16xf32>
      %swap3A_286 = arith.index_cast %add3A_281 : i32 to index
      %swap3A_287 = tpu.vector_load %arg10[%swap3A_286] {strides = array<i32>} : memref<320xf32, #tpu.memory_space<vmem>>, vector<16xf32>,
      %swap3A_288 = vector.shape_cast %swap3A_287 : vector<16xf32> to vector<16xf32>
      %swap3A_289 = vector.shape_cast %add3A_285 : vector<16xf32> to vector<16xf32>
      tpu.vector_store %arg10[%swap3A_286], %swap3A_289 {strides = array<i32>} : memref<320xf32, #tpu.memory_space<vmem>>, vector<16xf32>,
      %xor3A_290 = arith.constant 8 : i32
      %xor3A_291 = vector.broadcast %xor3A_290 : i32 to vector<16xi32>
      %xor3A_292 = arith.xori %iota3A, %xor3A_291 : vector<16xi32>
      %reshape3A_293 = vector.shape_cast %xor3A_292 : vector<16xi32> to vector<16x1xi32>
      %gather3A_294 = vector.shape_cast %reshape3A_293 : vector<16x1xi32> to vector<16xi32>
      %gather3A_295 = tpu.dynamic_gather %scan3A_199#1[%gather3A_294] in [0] : vector<16xf32>, vector<16xi32> -> vector<16xf32>
      %add3A_296 = arith.addf %scan3A_199#1, %gather3A_295 : vector<16xf32>
      %xor3A_297 = arith.constant 4 : i32
      %xor3A_298 = vector.broadcast %xor3A_297 : i32 to vector<16xi32>
      %xor3A_299 = arith.xori %iota3A, %xor3A_298 : vector<16xi32>
      %reshape3A_300 = vector.shape_cast %xor3A_299 : vector<16xi32> to vector<16x1xi32>
      %gather3A_301 = vector.shape_cast %reshape3A_300 : vector<16x1xi32> to vector<16xi32>
      %gather3A_302 = tpu.dynamic_gather %add3A_296[%gather3A_301] in [0] : vector<16xf32>, vector<16xi32> -> vector<16xf32>
      %add3A_303 = arith.addf %add3A_296, %gather3A_302 : vector<16xf32>
      %xor3A_304 = arith.constant 2 : i32
      %xor3A_305 = vector.broadcast %xor3A_304 : i32 to vector<16xi32>
      %xor3A_306 = arith.xori %iota3A, %xor3A_305 : vector<16xi32>
      %reshape3A_307 = vector.shape_cast %xor3A_306 : vector<16xi32> to vector<16x1xi32>
      %gather3A_308 = vector.shape_cast %reshape3A_307 : vector<16x1xi32> to vector<16xi32>
      %gather3A_309 = tpu.dynamic_gather %add3A_303[%gather3A_308] in [0] : vector<16xf32>, vector<16xi32> -> vector<16xf32>
      %add3A_310 = arith.addf %add3A_303, %gather3A_309 : vector<16xf32>
      %xor3A_311 = arith.constant 1 : i32
      %xor3A_312 = vector.broadcast %xor3A_311 : i32 to vector<16xi32>
      %xor3A_313 = arith.xori %iota3A, %xor3A_312 : vector<16xi32>
      %reshape3A_314 = vector.shape_cast %xor3A_313 : vector<16xi32> to vector<16x1xi32>
      %gather3A_315 = vector.shape_cast %reshape3A_314 : vector<16x1xi32> to vector<16xi32>
      %gather3A_316 = tpu.dynamic_gather %add3A_310[%gather3A_315] in [0] : vector<16xf32>, vector<16xi32> -> vector<16xf32>
      %add3A_317 = arith.addf %add3A_310, %gather3A_316 : vector<16xf32>
      %mul3A_318 = arith.constant 16 : i32
      %mul3A_319 = arith.muli %select_n3A_234, %mul3A_318 : i32
      %add3A_320 = arith.constant 64 : i32
      %add3A_321 = arith.addi %add3A_320, %mul3A_319 : i32
      %get3A_322 = arith.index_cast %add3A_321 : i32 to index
      %get3A_323 = tpu.vector_load %arg10[%get3A_322] {strides = array<i32>} : memref<320xf32, #tpu.memory_space<vmem>>, vector<16xf32>,
      %get3A_324 = vector.shape_cast %get3A_323 : vector<16xf32> to vector<16xf32>
      %select_n3A_325 = arith.select %eq3A_252, %add3A_317, %broadcast_in_dim3A_40 : vector<16xi1>, vector<16xf32>
      %add3A_326 = arith.addf %get3A_324, %select_n3A_325 : vector<16xf32>
      %swap3A_327 = arith.index_cast %add3A_321 : i32 to index
      %swap3A_328 = tpu.vector_load %arg10[%swap3A_327] {strides = array<i32>} : memref<320xf32, #tpu.memory_space<vmem>>, vector<16xf32>,
      %swap3A_329 = vector.shape_cast %swap3A_328 : vector<16xf32> to vector<16xf32>
      %swap3A_330 = vector.shape_cast %add3A_326 : vector<16xf32> to vector<16xf32>
      tpu.vector_store %arg10[%swap3A_327], %swap3A_330 {strides = array<i32>} : memref<320xf32, #tpu.memory_space<vmem>>, vector<16xf32>,
      %xor3A_331 = arith.constant 8 : i32
      %xor3A_332 = vector.broadcast %xor3A_331 : i32 to vector<16xi32>
      %xor3A_333 = arith.xori %iota3A, %xor3A_332 : vector<16xi32>
      %reshape3A_334 = vector.shape_cast %xor3A_333 : vector<16xi32> to vector<16x1xi32>
      %gather3A_335 = vector.shape_cast %reshape3A_334 : vector<16x1xi32> to vector<16xi32>
      %gather3A_336 = tpu.dynamic_gather %scan3A_199#2[%gather3A_335] in [0] : vector<16xf32>, vector<16xi32> -> vector<16xf32>
      %add3A_337 = arith.addf %scan3A_199#2, %gather3A_336 : vector<16xf32>
      %xor3A_338 = arith.constant 4 : i32
      %xor3A_339 = vector.broadcast %xor3A_338 : i32 to vector<16xi32>
      %xor3A_340 = arith.xori %iota3A, %xor3A_339 : vector<16xi32>
      %reshape3A_341 = vector.shape_cast %xor3A_340 : vector<16xi32> to vector<16x1xi32>
      %gather3A_342 = vector.shape_cast %reshape3A_341 : vector<16x1xi32> to vector<16xi32>
      %gather3A_343 = tpu.dynamic_gather %add3A_337[%gather3A_342] in [0] : vector<16xf32>, vector<16xi32> -> vector<16xf32>
      %add3A_344 = arith.addf %add3A_337, %gather3A_343 : vector<16xf32>
      %xor3A_345 = arith.constant 2 : i32
      %xor3A_346 = vector.broadcast %xor3A_345 : i32 to vector<16xi32>
      %xor3A_347 = arith.xori %iota3A, %xor3A_346 : vector<16xi32>
      %reshape3A_348 = vector.shape_cast %xor3A_347 : vector<16xi32> to vector<16x1xi32>
      %gather3A_349 = vector.shape_cast %reshape3A_348 : vector<16x1xi32> to vector<16xi32>
      %gather3A_350 = tpu.dynamic_gather %add3A_344[%gather3A_349] in [0] : vector<16xf32>, vector<16xi32> -> vector<16xf32>
      %add3A_351 = arith.addf %add3A_344, %gather3A_350 : vector<16xf32>
      %xor3A_352 = arith.constant 1 : i32
      %xor3A_353 = vector.broadcast %xor3A_352 : i32 to vector<16xi32>
      %xor3A_354 = arith.xori %iota3A, %xor3A_353 : vector<16xi32>
      %reshape3A_355 = vector.shape_cast %xor3A_354 : vector<16xi32> to vector<16x1xi32>
      %gather3A_356 = vector.shape_cast %reshape3A_355 : vector<16x1xi32> to vector<16xi32>
      %gather3A_357 = tpu.dynamic_gather %add3A_351[%gather3A_356] in [0] : vector<16xf32>, vector<16xi32> -> vector<16xf32>
      %add3A_358 = arith.addf %add3A_351, %gather3A_357 : vector<16xf32>
      %mul3A_359 = arith.constant 16 : i32
      %mul3A_360 = arith.muli %select_n3A_234, %mul3A_359 : i32
      %add3A_361 = arith.constant 128 : i32
      %add3A_362 = arith.addi %add3A_361, %mul3A_360 : i32
      %get3A_363 = arith.index_cast %add3A_362 : i32 to index
      %get3A_364 = tpu.vector_load %arg10[%get3A_363] {strides = array<i32>} : memref<320xf32, #tpu.memory_space<vmem>>, vector<16xf32>,
      %get3A_365 = vector.shape_cast %get3A_364 : vector<16xf32> to vector<16xf32>
      %select_n3A_366 = arith.select %eq3A_252, %add3A_358, %broadcast_in_dim3A_40 : vector<16xi1>, vector<16xf32>
      %add3A_367 = arith.addf %get3A_365, %select_n3A_366 : vector<16xf32>
      %swap3A_368 = arith.index_cast %add3A_362 : i32 to index
      %swap3A_369 = tpu.vector_load %arg10[%swap3A_368] {strides = array<i32>} : memref<320xf32, #tpu.memory_space<vmem>>, vector<16xf32>,
      %swap3A_370 = vector.shape_cast %swap3A_369 : vector<16xf32> to vector<16xf32>
      %swap3A_371 = vector.shape_cast %add3A_367 : vector<16xf32> to vector<16xf32>
      tpu.vector_store %arg10[%swap3A_368], %swap3A_371 {strides = array<i32>} : memref<320xf32, #tpu.memory_space<vmem>>, vector<16xf32>,
      %xor3A_372 = arith.constant 8 : i32
      %xor3A_373 = vector.broadcast %xor3A_372 : i32 to vector<16xi32>
      %xor3A_374 = arith.xori %iota3A, %xor3A_373 : vector<16xi32>
      %reshape3A_375 = vector.shape_cast %xor3A_374 : vector<16xi32> to vector<16x1xi32>
      %gather3A_376 = vector.shape_cast %reshape3A_375 : vector<16x1xi32> to vector<16xi32>
      %gather3A_377 = tpu.dynamic_gather %scan3A_199#3[%gather3A_376] in [0] : vector<16xf32>, vector<16xi32> -> vector<16xf32>
      %add3A_378 = arith.addf %scan3A_199#3, %gather3A_377 : vector<16xf32>
      %xor3A_379 = arith.constant 4 : i32
      %xor3A_380 = vector.broadcast %xor3A_379 : i32 to vector<16xi32>
      %xor3A_381 = arith.xori %iota3A, %xor3A_380 : vector<16xi32>
      %reshape3A_382 = vector.shape_cast %xor3A_381 : vector<16xi32> to vector<16x1xi32>
      %gather3A_383 = vector.shape_cast %reshape3A_382 : vector<16x1xi32> to vector<16xi32>
      %gather3A_384 = tpu.dynamic_gather %add3A_378[%gather3A_383] in [0] : vector<16xf32>, vector<16xi32> -> vector<16xf32>
      %add3A_385 = arith.addf %add3A_378, %gather3A_384 : vector<16xf32>
      %xor3A_386 = arith.constant 2 : i32
      %xor3A_387 = vector.broadcast %xor3A_386 : i32 to vector<16xi32>
      %xor3A_388 = arith.xori %iota3A, %xor3A_387 : vector<16xi32>
      %reshape3A_389 = vector.shape_cast %xor3A_388 : vector<16xi32> to vector<16x1xi32>
      %gather3A_390 = vector.shape_cast %reshape3A_389 : vector<16x1xi32> to vector<16xi32>
      %gather3A_391 = tpu.dynamic_gather %add3A_385[%gather3A_390] in [0] : vector<16xf32>, vector<16xi32> -> vector<16xf32>
      %add3A_392 = arith.addf %add3A_385, %gather3A_391 : vector<16xf32>
      %xor3A_393 = arith.constant 1 : i32
      %xor3A_394 = vector.broadcast %xor3A_393 : i32 to vector<16xi32>
      %xor3A_395 = arith.xori %iota3A, %xor3A_394 : vector<16xi32>
      %reshape3A_396 = vector.shape_cast %xor3A_395 : vector<16xi32> to vector<16x1xi32>
      %gather3A_397 = vector.shape_cast %reshape3A_396 : vector<16x1xi32> to vector<16xi32>
      %gather3A_398 = tpu.dynamic_gather %add3A_392[%gather3A_397] in [0] : vector<16xf32>, vector<16xi32> -> vector<16xf32>
      %add3A_399 = arith.addf %add3A_392, %gather3A_398 : vector<16xf32>
      %mul3A_400 = arith.constant 16 : i32
      %mul3A_401 = arith.muli %select_n3A_234, %mul3A_400 : i32
      %add3A_402 = arith.constant 192 : i32
      %add3A_403 = arith.addi %add3A_402, %mul3A_401 : i32
      %get3A_404 = arith.index_cast %add3A_403 : i32 to index
      %get3A_405 = tpu.vector_load %arg10[%get3A_404] {strides = array<i32>} : memref<320xf32, #tpu.memory_space<vmem>>, vector<16xf32>,
      %get3A_406 = vector.shape_cast %get3A_405 : vector<16xf32> to vector<16xf32>
      %select_n3A_407 = arith.select %eq3A_252, %add3A_399, %broadcast_in_dim3A_40 : vector<16xi1>, vector<16xf32>
      %add3A_408 = arith.addf %get3A_406, %select_n3A_407 : vector<16xf32>
      %swap3A_409 = arith.index_cast %add3A_403 : i32 to index
      %swap3A_410 = tpu.vector_load %arg10[%swap3A_409] {strides = array<i32>} : memref<320xf32, #tpu.memory_space<vmem>>, vector<16xf32>,
      %swap3A_411 = vector.shape_cast %swap3A_410 : vector<16xf32> to vector<16xf32>
      %swap3A_412 = vector.shape_cast %add3A_408 : vector<16xf32> to vector<16xf32>
      tpu.vector_store %arg10[%swap3A_409], %swap3A_412 {strides = array<i32>} : memref<320xf32, #tpu.memory_space<vmem>>, vector<16xf32>,
      %xor3A_413 = arith.constant 8 : i32
      %xor3A_414 = vector.broadcast %xor3A_413 : i32 to vector<16xi32>
      %xor3A_415 = arith.xori %iota3A, %xor3A_414 : vector<16xi32>
      %reshape3A_416 = vector.shape_cast %xor3A_415 : vector<16xi32> to vector<16x1xi32>
      %gather3A_417 = vector.shape_cast %reshape3A_416 : vector<16x1xi32> to vector<16xi32>
      %gather3A_418 = tpu.dynamic_gather %scan3A_199#4[%gather3A_417] in [0] : vector<16xf32>, vector<16xi32> -> vector<16xf32>
      %add3A_419 = arith.addf %scan3A_199#4, %gather3A_418 : vector<16xf32>
      %xor3A_420 = arith.constant 4 : i32
      %xor3A_421 = vector.broadcast %xor3A_420 : i32 to vector<16xi32>
      %xor3A_422 = arith.xori %iota3A, %xor3A_421 : vector<16xi32>
      %reshape3A_423 = vector.shape_cast %xor3A_422 : vector<16xi32> to vector<16x1xi32>
      %gather3A_424 = vector.shape_cast %reshape3A_423 : vector<16x1xi32> to vector<16xi32>
      %gather3A_425 = tpu.dynamic_gather %add3A_419[%gather3A_424] in [0] : vector<16xf32>, vector<16xi32> -> vector<16xf32>
      %add3A_426 = arith.addf %add3A_419, %gather3A_425 : vector<16xf32>
      %xor3A_427 = arith.constant 2 : i32
      %xor3A_428 = vector.broadcast %xor3A_427 : i32 to vector<16xi32>
      %xor3A_429 = arith.xori %iota3A, %xor3A_428 : vector<16xi32>
      %reshape3A_430 = vector.shape_cast %xor3A_429 : vector<16xi32> to vector<16x1xi32>
      %gather3A_431 = vector.shape_cast %reshape3A_430 : vector<16x1xi32> to vector<16xi32>
      %gather3A_432 = tpu.dynamic_gather %add3A_426[%gather3A_431] in [0] : vector<16xf32>, vector<16xi32> -> vector<16xf32>
      %add3A_433 = arith.addf %add3A_426, %gather3A_432 : vector<16xf32>
      %xor3A_434 = arith.constant 1 : i32
      %xor3A_435 = vector.broadcast %xor3A_434 : i32 to vector<16xi32>
      %xor3A_436 = arith.xori %iota3A, %xor3A_435 : vector<16xi32>
      %reshape3A_437 = vector.shape_cast %xor3A_436 : vector<16xi32> to vector<16x1xi32>
      %gather3A_438 = vector.shape_cast %reshape3A_437 : vector<16x1xi32> to vector<16xi32>
      %gather3A_439 = tpu.dynamic_gather %add3A_433[%gather3A_438] in [0] : vector<16xf32>, vector<16xi32> -> vector<16xf32>
      %add3A_440 = arith.addf %add3A_433, %gather3A_439 : vector<16xf32>
      %mul3A_441 = arith.constant 16 : i32
      %mul3A_442 = arith.muli %select_n3A_234, %mul3A_441 : i32
      %add3A_443 = arith.constant 256 : i32
      %add3A_444 = arith.addi %add3A_443, %mul3A_442 : i32
      %get3A_445 = arith.index_cast %add3A_444 : i32 to index
      %get3A_446 = tpu.vector_load %arg10[%get3A_445] {strides = array<i32>} : memref<320xf32, #tpu.memory_space<vmem>>, vector<16xf32>,
      %get3A_447 = vector.shape_cast %get3A_446 : vector<16xf32> to vector<16xf32>
      %select_n3A_448 = arith.select %eq3A_252, %add3A_440, %broadcast_in_dim3A_40 : vector<16xi1>, vector<16xf32>
      %add3A_449 = arith.addf %get3A_447, %select_n3A_448 : vector<16xf32>
      %swap3A_450 = arith.index_cast %add3A_444 : i32 to index
      %swap3A_451 = tpu.vector_load %arg10[%swap3A_450] {strides = array<i32>} : memref<320xf32, #tpu.memory_space<vmem>>, vector<16xf32>,
      %swap3A_452 = vector.shape_cast %swap3A_451 : vector<16xf32> to vector<16xf32>
      %swap3A_453 = vector.shape_cast %add3A_449 : vector<16xf32> to vector<16xf32>
      tpu.vector_store %arg10[%swap3A_450], %swap3A_453 {strides = array<i32>} : memref<320xf32, #tpu.memory_space<vmem>>, vector<16xf32>,
      %jit3A_454 = arith.constant 16 : i32
      %div3A_455 = arith.divsi %add3A_206, %jit3A_454 : i32
      %sign3A_456 = arith.constant 0 : i32
      %sign3A_457 = arith.cmpi sgt, %add3A_206, %sign3A_456 : i32
      %sign3A_458 = arith.extui %sign3A_457 : i1 to i32
      %sign3A_459 = arith.constant 0 : i32
      %sign3A_460 = arith.cmpi slt, %add3A_206, %sign3A_459 : i32
      %sign3A_461 = arith.extui %sign3A_460 : i1 to i32
      %sign3A_462 = arith.subi %sign3A_458, %sign3A_461 : i32
      %sign3A_463 = arith.constant 0 : i32
      %sign3A_464 = arith.cmpi sgt, %jit3A_454, %sign3A_463 : i32
      %sign3A_465 = arith.extui %sign3A_464 : i1 to i32
      %sign3A_466 = arith.constant 0 : i32
      %sign3A_467 = arith.cmpi slt, %jit3A_454, %sign3A_466 : i32
      %sign3A_468 = arith.extui %sign3A_467 : i1 to i32
      %sign3A_469 = arith.subi %sign3A_465, %sign3A_468 : i32
      %ne3A_470 = arith.cmpi ne, %sign3A_462, %sign3A_469 : i32
      %rem3A_471 = arith.remsi %add3A_206, %jit3A_454 : i32
      %ne3A_472 = arith.constant 0 : i32
      %ne3A_473 = arith.cmpi ne, %rem3A_471, %ne3A_472 : i32
      %and3A_474 = arith.andi %ne3A_470, %ne3A_473 : i1
      %sub3A_475 = arith.constant 1 : i32
      %sub3A_476 = arith.subi %div3A_455, %sub3A_475 : i32
      %select_n3A_477 = arith.select %and3A_474, %sub3A_476, %div3A_455 : i32
      %jit3A_478 = arith.constant 16 : i32
      %eq3A_479 = arith.constant 0 : i32
      %eq3A_480 = arith.cmpi eq, %jit3A_478, %eq3A_479 : i32
      %jit3A_481 = arith.constant 1 : i32
      %select_n3A_482 = arith.select %eq3A_480, %jit3A_481, %jit3A_478 : i32
      %rem3A_483 = arith.remsi %add3A_206, %select_n3A_482 : i32
      %ne3A_484 = arith.constant 0 : i32
      %ne3A_485 = arith.cmpi ne, %rem3A_483, %ne3A_484 : i32
      %lt3A_486 = arith.constant 0 : i32
      %lt3A_487 = arith.cmpi slt, %rem3A_483, %lt3A_486 : i32
      %lt3A_488 = arith.constant 0 : i32
      %lt3A_489 = arith.cmpi slt, %select_n3A_482, %lt3A_488 : i32
      %ne3A_490 = arith.xori %lt3A_487, %lt3A_489 : i1
      %and3A_491 = arith.andi %ne3A_490, %ne3A_485 : i1
      %add3A_492 = arith.addi %rem3A_483, %select_n3A_482 : i32
      %select_n3A_493 = arith.select %and3A_491, %add3A_492, %rem3A_483 : i32
      %eq3A_494 = vector.broadcast %select_n3A_493 : i32 to vector<16xi32>
      %eq3A_495 = arith.cmpi eq, %iota3A, %eq3A_494 : vector<16xi32>
      %xor3A_496 = arith.constant 8 : i32
      %xor3A_497 = vector.broadcast %xor3A_496 : i32 to vector<16xi32>
      %xor3A_498 = arith.xori %iota3A, %xor3A_497 : vector<16xi32>
      %reshape3A_499 = vector.shape_cast %xor3A_498 : vector<16xi32> to vector<16x1xi32>
      %gather3A_500 = vector.shape_cast %reshape3A_499 : vector<16x1xi32> to vector<16xi32>
      %gather3A_501 = tpu.dynamic_gather %sub3A_210[%gather3A_500] in [0] : vector<16xf32>, vector<16xi32> -> vector<16xf32>
      %add3A_502 = arith.addf %sub3A_210, %gather3A_501 : vector<16xf32>
      %xor3A_503 = arith.constant 4 : i32
      %xor3A_504 = vector.broadcast %xor3A_503 : i32 to vector<16xi32>
      %xor3A_505 = arith.xori %iota3A, %xor3A_504 : vector<16xi32>
      %reshape3A_506 = vector.shape_cast %xor3A_505 : vector<16xi32> to vector<16x1xi32>
      %gather3A_507 = vector.shape_cast %reshape3A_506 : vector<16x1xi32> to vector<16xi32>
      %gather3A_508 = tpu.dynamic_gather %add3A_502[%gather3A_507] in [0] : vector<16xf32>, vector<16xi32> -> vector<16xf32>
      %add3A_509 = arith.addf %add3A_502, %gather3A_508 : vector<16xf32>
      %xor3A_510 = arith.constant 2 : i32
      %xor3A_511 = vector.broadcast %xor3A_510 : i32 to vector<16xi32>
      %xor3A_512 = arith.xori %iota3A, %xor3A_511 : vector<16xi32>
      %reshape3A_513 = vector.shape_cast %xor3A_512 : vector<16xi32> to vector<16x1xi32>
      %gather3A_514 = vector.shape_cast %reshape3A_513 : vector<16x1xi32> to vector<16xi32>
      %gather3A_515 = tpu.dynamic_gather %add3A_509[%gather3A_514] in [0] : vector<16xf32>, vector<16xi32> -> vector<16xf32>
      %add3A_516 = arith.addf %add3A_509, %gather3A_515 : vector<16xf32>
      %xor3A_517 = arith.constant 1 : i32
      %xor3A_518 = vector.broadcast %xor3A_517 : i32 to vector<16xi32>
      %xor3A_519 = arith.xori %iota3A, %xor3A_518 : vector<16xi32>
      %reshape3A_520 = vector.shape_cast %xor3A_519 : vector<16xi32> to vector<16x1xi32>
      %gather3A_521 = vector.shape_cast %reshape3A_520 : vector<16x1xi32> to vector<16xi32>
      %gather3A_522 = tpu.dynamic_gather %add3A_516[%gather3A_521] in [0] : vector<16xf32>, vector<16xi32> -> vector<16xf32>
      %add3A_523 = arith.addf %add3A_516, %gather3A_522 : vector<16xf32>
      %mul3A_524 = arith.constant 16 : i32
      %mul3A_525 = arith.muli %select_n3A_477, %mul3A_524 : i32
      %add3A_526 = arith.constant 0 : i32
      %add3A_527 = arith.addi %add3A_526, %mul3A_525 : i32
      %get3A_528 = arith.index_cast %add3A_527 : i32 to index
      %get3A_529 = tpu.vector_load %arg10[%get3A_528] {strides = array<i32>} : memref<320xf32, #tpu.memory_space<vmem>>, vector<16xf32>,
      %get3A_530 = vector.shape_cast %get3A_529 : vector<16xf32> to vector<16xf32>
      %select_n3A_531 = arith.select %eq3A_495, %add3A_523, %broadcast_in_dim3A_40 : vector<16xi1>, vector<16xf32>
      %add3A_532 = arith.addf %get3A_530, %select_n3A_531 : vector<16xf32>
      %swap3A_533 = arith.index_cast %add3A_527 : i32 to index
      %swap3A_534 = tpu.vector_load %arg10[%swap3A_533] {strides = array<i32>} : memref<320xf32, #tpu.memory_space<vmem>>, vector<16xf32>,
      %swap3A_535 = vector.shape_cast %swap3A_534 : vector<16xf32> to vector<16xf32>
      %swap3A_536 = vector.shape_cast %add3A_532 : vector<16xf32> to vector<16xf32>
      tpu.vector_store %arg10[%swap3A_533], %swap3A_536 {strides = array<i32>} : memref<320xf32, #tpu.memory_space<vmem>>, vector<16xf32>,
      %xor3A_537 = arith.constant 8 : i32
      %xor3A_538 = vector.broadcast %xor3A_537 : i32 to vector<16xi32>
      %xor3A_539 = arith.xori %iota3A, %xor3A_538 : vector<16xi32>
      %reshape3A_540 = vector.shape_cast %xor3A_539 : vector<16xi32> to vector<16x1xi32>
      %gather3A_541 = vector.shape_cast %reshape3A_540 : vector<16x1xi32> to vector<16xi32>
      %gather3A_542 = tpu.dynamic_gather %scan3A_199#6[%gather3A_541] in [0] : vector<16xf32>, vector<16xi32> -> vector<16xf32>
      %add3A_543 = arith.addf %scan3A_199#6, %gather3A_542 : vector<16xf32>
      %xor3A_544 = arith.constant 4 : i32
      %xor3A_545 = vector.broadcast %xor3A_544 : i32 to vector<16xi32>
      %xor3A_546 = arith.xori %iota3A, %xor3A_545 : vector<16xi32>
      %reshape3A_547 = vector.shape_cast %xor3A_546 : vector<16xi32> to vector<16x1xi32>
      %gather3A_548 = vector.shape_cast %reshape3A_547 : vector<16x1xi32> to vector<16xi32>
      %gather3A_549 = tpu.dynamic_gather %add3A_543[%gather3A_548] in [0] : vector<16xf32>, vector<16xi32> -> vector<16xf32>
      %add3A_550 = arith.addf %add3A_543, %gather3A_549 : vector<16xf32>
      %xor3A_551 = arith.constant 2 : i32
      %xor3A_552 = vector.broadcast %xor3A_551 : i32 to vector<16xi32>
      %xor3A_553 = arith.xori %iota3A, %xor3A_552 : vector<16xi32>
      %reshape3A_554 = vector.shape_cast %xor3A_553 : vector<16xi32> to vector<16x1xi32>
      %gather3A_555 = vector.shape_cast %reshape3A_554 : vector<16x1xi32> to vector<16xi32>
      %gather3A_556 = tpu.dynamic_gather %add3A_550[%gather3A_555] in [0] : vector<16xf32>, vector<16xi32> -> vector<16xf32>
      %add3A_557 = arith.addf %add3A_550, %gather3A_556 : vector<16xf32>
      %xor3A_558 = arith.constant 1 : i32
      %xor3A_559 = vector.broadcast %xor3A_558 : i32 to vector<16xi32>
      %xor3A_560 = arith.xori %iota3A, %xor3A_559 : vector<16xi32>
      %reshape3A_561 = vector.shape_cast %xor3A_560 : vector<16xi32> to vector<16x1xi32>
      %gather3A_562 = vector.shape_cast %reshape3A_561 : vector<16x1xi32> to vector<16xi32>
      %gather3A_563 = tpu.dynamic_gather %add3A_557[%gather3A_562] in [0] : vector<16xf32>, vector<16xi32> -> vector<16xf32>
      %add3A_564 = arith.addf %add3A_557, %gather3A_563 : vector<16xf32>
      %mul3A_565 = arith.constant 16 : i32
      %mul3A_566 = arith.muli %select_n3A_477, %mul3A_565 : i32
      %add3A_567 = arith.constant 64 : i32
      %add3A_568 = arith.addi %add3A_567, %mul3A_566 : i32
      %get3A_569 = arith.index_cast %add3A_568 : i32 to index
      %get3A_570 = tpu.vector_load %arg10[%get3A_569] {strides = array<i32>} : memref<320xf32, #tpu.memory_space<vmem>>, vector<16xf32>,
      %get3A_571 = vector.shape_cast %get3A_570 : vector<16xf32> to vector<16xf32>
      %select_n3A_572 = arith.select %eq3A_495, %add3A_564, %broadcast_in_dim3A_40 : vector<16xi1>, vector<16xf32>
      %add3A_573 = arith.addf %get3A_571, %select_n3A_572 : vector<16xf32>
      %swap3A_574 = arith.index_cast %add3A_568 : i32 to index
      %swap3A_575 = tpu.vector_load %arg10[%swap3A_574] {strides = array<i32>} : memref<320xf32, #tpu.memory_space<vmem>>, vector<16xf32>,
      %swap3A_576 = vector.shape_cast %swap3A_575 : vector<16xf32> to vector<16xf32>
      %swap3A_577 = vector.shape_cast %add3A_573 : vector<16xf32> to vector<16xf32>
      tpu.vector_store %arg10[%swap3A_574], %swap3A_577 {strides = array<i32>} : memref<320xf32, #tpu.memory_space<vmem>>, vector<16xf32>,
      %xor3A_578 = arith.constant 8 : i32
      %xor3A_579 = vector.broadcast %xor3A_578 : i32 to vector<16xi32>
      %xor3A_580 = arith.xori %iota3A, %xor3A_579 : vector<16xi32>
      %reshape3A_581 = vector.shape_cast %xor3A_580 : vector<16xi32> to vector<16x1xi32>
      %gather3A_582 = vector.shape_cast %reshape3A_581 : vector<16x1xi32> to vector<16xi32>
      %gather3A_583 = tpu.dynamic_gather %scan3A_199#7[%gather3A_582] in [0] : vector<16xf32>, vector<16xi32> -> vector<16xf32>
      %add3A_584 = arith.addf %scan3A_199#7, %gather3A_583 : vector<16xf32>
      %xor3A_585 = arith.constant 4 : i32
      %xor3A_586 = vector.broadcast %xor3A_585 : i32 to vector<16xi32>
      %xor3A_587 = arith.xori %iota3A, %xor3A_586 : vector<16xi32>
      %reshape3A_588 = vector.shape_cast %xor3A_587 : vector<16xi32> to vector<16x1xi32>
      %gather3A_589 = vector.shape_cast %reshape3A_588 : vector<16x1xi32> to vector<16xi32>
      %gather3A_590 = tpu.dynamic_gather %add3A_584[%gather3A_589] in [0] : vector<16xf32>, vector<16xi32> -> vector<16xf32>
      %add3A_591 = arith.addf %add3A_584, %gather3A_590 : vector<16xf32>
      %xor3A_592 = arith.constant 2 : i32
      %xor3A_593 = vector.broadcast %xor3A_592 : i32 to vector<16xi32>
      %xor3A_594 = arith.xori %iota3A, %xor3A_593 : vector<16xi32>
      %reshape3A_595 = vector.shape_cast %xor3A_594 : vector<16xi32> to vector<16x1xi32>
      %gather3A_596 = vector.shape_cast %reshape3A_595 : vector<16x1xi32> to vector<16xi32>
      %gather3A_597 = tpu.dynamic_gather %add3A_591[%gather3A_596] in [0] : vector<16xf32>, vector<16xi32> -> vector<16xf32>
      %add3A_598 = arith.addf %add3A_591, %gather3A_597 : vector<16xf32>
      %xor3A_599 = arith.constant 1 : i32
      %xor3A_600 = vector.broadcast %xor3A_599 : i32 to vector<16xi32>
      %xor3A_601 = arith.xori %iota3A, %xor3A_600 : vector<16xi32>
      %reshape3A_602 = vector.shape_cast %xor3A_601 : vector<16xi32> to vector<16x1xi32>
      %gather3A_603 = vector.shape_cast %reshape3A_602 : vector<16x1xi32> to vector<16xi32>
      %gather3A_604 = tpu.dynamic_gather %add3A_598[%gather3A_603] in [0] : vector<16xf32>, vector<16xi32> -> vector<16xf32>
      %add3A_605 = arith.addf %add3A_598, %gather3A_604 : vector<16xf32>
      %mul3A_606 = arith.constant 16 : i32
      %mul3A_607 = arith.muli %select_n3A_477, %mul3A_606 : i32
      %add3A_608 = arith.constant 128 : i32
      %add3A_609 = arith.addi %add3A_608, %mul3A_607 : i32
      %get3A_610 = arith.index_cast %add3A_609 : i32 to index
      %get3A_611 = tpu.vector_load %arg10[%get3A_610] {strides = array<i32>} : memref<320xf32, #tpu.memory_space<vmem>>, vector<16xf32>,
      %get3A_612 = vector.shape_cast %get3A_611 : vector<16xf32> to vector<16xf32>
      %select_n3A_613 = arith.select %eq3A_495, %add3A_605, %broadcast_in_dim3A_40 : vector<16xi1>, vector<16xf32>
      %add3A_614 = arith.addf %get3A_612, %select_n3A_613 : vector<16xf32>
      %swap3A_615 = arith.index_cast %add3A_609 : i32 to index
      %swap3A_616 = tpu.vector_load %arg10[%swap3A_615] {strides = array<i32>} : memref<320xf32, #tpu.memory_space<vmem>>, vector<16xf32>,
      %swap3A_617 = vector.shape_cast %swap3A_616 : vector<16xf32> to vector<16xf32>
      %swap3A_618 = vector.shape_cast %add3A_614 : vector<16xf32> to vector<16xf32>
      tpu.vector_store %arg10[%swap3A_615], %swap3A_618 {strides = array<i32>} : memref<320xf32, #tpu.memory_space<vmem>>, vector<16xf32>,
      %xor3A_619 = arith.constant 8 : i32
      %xor3A_620 = vector.broadcast %xor3A_619 : i32 to vector<16xi32>
      %xor3A_621 = arith.xori %iota3A, %xor3A_620 : vector<16xi32>
      %reshape3A_622 = vector.shape_cast %xor3A_621 : vector<16xi32> to vector<16x1xi32>
      %gather3A_623 = vector.shape_cast %reshape3A_622 : vector<16x1xi32> to vector<16xi32>
      %gather3A_624 = tpu.dynamic_gather %scan3A_199#8[%gather3A_623] in [0] : vector<16xf32>, vector<16xi32> -> vector<16xf32>
      %add3A_625 = arith.addf %scan3A_199#8, %gather3A_624 : vector<16xf32>
      %xor3A_626 = arith.constant 4 : i32
      %xor3A_627 = vector.broadcast %xor3A_626 : i32 to vector<16xi32>
      %xor3A_628 = arith.xori %iota3A, %xor3A_627 : vector<16xi32>
      %reshape3A_629 = vector.shape_cast %xor3A_628 : vector<16xi32> to vector<16x1xi32>
      %gather3A_630 = vector.shape_cast %reshape3A_629 : vector<16x1xi32> to vector<16xi32>
      %gather3A_631 = tpu.dynamic_gather %add3A_625[%gather3A_630] in [0] : vector<16xf32>, vector<16xi32> -> vector<16xf32>
      %add3A_632 = arith.addf %add3A_625, %gather3A_631 : vector<16xf32>
      %xor3A_633 = arith.constant 2 : i32
      %xor3A_634 = vector.broadcast %xor3A_633 : i32 to vector<16xi32>
      %xor3A_635 = arith.xori %iota3A, %xor3A_634 : vector<16xi32>
      %reshape3A_636 = vector.shape_cast %xor3A_635 : vector<16xi32> to vector<16x1xi32>
      %gather3A_637 = vector.shape_cast %reshape3A_636 : vector<16x1xi32> to vector<16xi32>
      %gather3A_638 = tpu.dynamic_gather %add3A_632[%gather3A_637] in [0] : vector<16xf32>, vector<16xi32> -> vector<16xf32>
      %add3A_639 = arith.addf %add3A_632, %gather3A_638 : vector<16xf32>
      %xor3A_640 = arith.constant 1 : i32
      %xor3A_641 = vector.broadcast %xor3A_640 : i32 to vector<16xi32>
      %xor3A_642 = arith.xori %iota3A, %xor3A_641 : vector<16xi32>
      %reshape3A_643 = vector.shape_cast %xor3A_642 : vector<16xi32> to vector<16x1xi32>
      %gather3A_644 = vector.shape_cast %reshape3A_643 : vector<16x1xi32> to vector<16xi32>
      %gather3A_645 = tpu.dynamic_gather %add3A_639[%gather3A_644] in [0] : vector<16xf32>, vector<16xi32> -> vector<16xf32>
      %add3A_646 = arith.addf %add3A_639, %gather3A_645 : vector<16xf32>
      %mul3A_647 = arith.constant 16 : i32
      %mul3A_648 = arith.muli %select_n3A_477, %mul3A_647 : i32
      %add3A_649 = arith.constant 192 : i32
      %add3A_650 = arith.addi %add3A_649, %mul3A_648 : i32
      %get3A_651 = arith.index_cast %add3A_650 : i32 to index
      %get3A_652 = tpu.vector_load %arg10[%get3A_651] {strides = array<i32>} : memref<320xf32, #tpu.memory_space<vmem>>, vector<16xf32>,
      %get3A_653 = vector.shape_cast %get3A_652 : vector<16xf32> to vector<16xf32>
      %select_n3A_654 = arith.select %eq3A_495, %add3A_646, %broadcast_in_dim3A_40 : vector<16xi1>, vector<16xf32>
      %add3A_655 = arith.addf %get3A_653, %select_n3A_654 : vector<16xf32>
      %swap3A_656 = arith.index_cast %add3A_650 : i32 to index
      %swap3A_657 = tpu.vector_load %arg10[%swap3A_656] {strides = array<i32>} : memref<320xf32, #tpu.memory_space<vmem>>, vector<16xf32>,
      %swap3A_658 = vector.shape_cast %swap3A_657 : vector<16xf32> to vector<16xf32>
      %swap3A_659 = vector.shape_cast %add3A_655 : vector<16xf32> to vector<16xf32>
      tpu.vector_store %arg10[%swap3A_656], %swap3A_659 {strides = array<i32>} : memref<320xf32, #tpu.memory_space<vmem>>, vector<16xf32>,
      %xor3A_660 = arith.constant 8 : i32
      %xor3A_661 = vector.broadcast %xor3A_660 : i32 to vector<16xi32>
      %xor3A_662 = arith.xori %iota3A, %xor3A_661 : vector<16xi32>
      %reshape3A_663 = vector.shape_cast %xor3A_662 : vector<16xi32> to vector<16x1xi32>
      %gather3A_664 = vector.shape_cast %reshape3A_663 : vector<16x1xi32> to vector<16xi32>
      %gather3A_665 = tpu.dynamic_gather %scan3A_199#9[%gather3A_664] in [0] : vector<16xf32>, vector<16xi32> -> vector<16xf32>
      %add3A_666 = arith.addf %scan3A_199#9, %gather3A_665 : vector<16xf32>
      %xor3A_667 = arith.constant 4 : i32
      %xor3A_668 = vector.broadcast %xor3A_667 : i32 to vector<16xi32>
      %xor3A_669 = arith.xori %iota3A, %xor3A_668 : vector<16xi32>
      %reshape3A_670 = vector.shape_cast %xor3A_669 : vector<16xi32> to vector<16x1xi32>
      %gather3A_671 = vector.shape_cast %reshape3A_670 : vector<16x1xi32> to vector<16xi32>
      %gather3A_672 = tpu.dynamic_gather %add3A_666[%gather3A_671] in [0] : vector<16xf32>, vector<16xi32> -> vector<16xf32>
      %add3A_673 = arith.addf %add3A_666, %gather3A_672 : vector<16xf32>
      %xor3A_674 = arith.constant 2 : i32
      %xor3A_675 = vector.broadcast %xor3A_674 : i32 to vector<16xi32>
      %xor3A_676 = arith.xori %iota3A, %xor3A_675 : vector<16xi32>
      %reshape3A_677 = vector.shape_cast %xor3A_676 : vector<16xi32> to vector<16x1xi32>
      %gather3A_678 = vector.shape_cast %reshape3A_677 : vector<16x1xi32> to vector<16xi32>
      %gather3A_679 = tpu.dynamic_gather %add3A_673[%gather3A_678] in [0] : vector<16xf32>, vector<16xi32> -> vector<16xf32>
      %add3A_680 = arith.addf %add3A_673, %gather3A_679 : vector<16xf32>
      %xor3A_681 = arith.constant 1 : i32
      %xor3A_682 = vector.broadcast %xor3A_681 : i32 to vector<16xi32>
      %xor3A_683 = arith.xori %iota3A, %xor3A_682 : vector<16xi32>
      %reshape3A_684 = vector.shape_cast %xor3A_683 : vector<16xi32> to vector<16x1xi32>
      %gather3A_685 = vector.shape_cast %reshape3A_684 : vector<16x1xi32> to vector<16xi32>
      %gather3A_686 = tpu.dynamic_gather %add3A_680[%gather3A_685] in [0] : vector<16xf32>, vector<16xi32> -> vector<16xf32>
      %add3A_687 = arith.addf %add3A_680, %gather3A_686 : vector<16xf32>
      %mul3A_688 = arith.constant 16 : i32
      %mul3A_689 = arith.muli %select_n3A_477, %mul3A_688 : i32
      %add3A_690 = arith.constant 256 : i32
      %add3A_691 = arith.addi %add3A_690, %mul3A_689 : i32
      %get3A_692 = arith.index_cast %add3A_691 : i32 to index
      %get3A_693 = tpu.vector_load %arg10[%get3A_692] {strides = array<i32>} : memref<320xf32, #tpu.memory_space<vmem>>, vector<16xf32>,
      %get3A_694 = vector.shape_cast %get3A_693 : vector<16xf32> to vector<16xf32>
      %select_n3A_695 = arith.select %eq3A_495, %add3A_687, %broadcast_in_dim3A_40 : vector<16xi1>, vector<16xf32>
      %add3A_696 = arith.addf %get3A_694, %select_n3A_695 : vector<16xf32>
      %swap3A_697 = arith.index_cast %add3A_691 : i32 to index
      %swap3A_698 = tpu.vector_load %arg10[%swap3A_697] {strides = array<i32>} : memref<320xf32, #tpu.memory_space<vmem>>, vector<16xf32>,
      %swap3A_699 = vector.shape_cast %swap3A_698 : vector<16xf32> to vector<16xf32>
      %swap3A_700 = vector.shape_cast %add3A_696 : vector<16xf32> to vector<16xf32>
      tpu.vector_store %arg10[%swap3A_697], %swap3A_700 {strides = array<i32>} : memref<320xf32, #tpu.memory_space<vmem>>, vector<16xf32>,
      %lt3A_701 = arith.constant 15 : i32
      %lt3A_702 = arith.cmpi slt, %scan3A_184, %lt3A_701 : i32
      %convert_element_type3A = arith.extui %lt3A_702 : i1 to i32
      %cond3A = arith.constant 0 : i32
      %cond3A_703 = arith.cmpi ne, %convert_element_type3A, %cond3A : i32
      scf.if %cond3A_703 {
        %mul3A_1232 = arith.constant 4 : i32
        %mul3A_1233 = arith.muli %mul3A_1232, %scan3A_184 : i32
        %add3A_1234 = arith.constant 4 : i32
        %add3A_1235 = arith.addi %mul3A_1233, %add3A_1234 : i32
        %add3A_1236 = arith.addi %add3A_35, %add3A_1235 : i32
        %mul3A_1237 = arith.constant 16384 : i32
        %mul3A_1238 = arith.muli %add3A_1236, %mul3A_1237 : i32
        %dma_start3A_1239 = tpu.memref_slice %arg2[%mul3A_1238] : memref<33554432xf32, #tpu.memory_space<hbm>> -> memref<16384xf32, #tpu.memory_space<hbm>>
        %dma_start3A_1240 = tpu.memref_slice %arg2[%mul3A_1238] : memref<33554432xf32, #tpu.memory_space<hbm>> -> memref<16384xf32, #tpu.memory_space<hbm>>
        tpu.enqueue_dma source(%dma_start3A_1240 : memref<16384xf32, #tpu.memory_space<hbm>>) target(%arg6 : memref<16384xf32, #tpu.memory_space<vmem>>) target_semaphore(%arg11 : memref<!tpu.dma_semaphore, #tpu.memory_space<semaphore_mem>>)
        %mul3A_1241 = arith.constant 4 : i32
        %mul3A_1242 = arith.muli %mul3A_1241, %scan3A_184 : i32
        %add3A_1243 = arith.constant 5 : i32
        %add3A_1244 = arith.addi %mul3A_1242, %add3A_1243 : i32
        %add3A_1245 = arith.addi %add3A_35, %add3A_1244 : i32
        %mul3A_1246 = arith.constant 16384 : i32
        %mul3A_1247 = arith.muli %add3A_1245, %mul3A_1246 : i32
        %dma_start3A_1248 = tpu.memref_slice %arg2[%mul3A_1247] : memref<33554432xf32, #tpu.memory_space<hbm>> -> memref<16384xf32, #tpu.memory_space<hbm>>
        %dma_start3A_1249 = tpu.memref_slice %arg2[%mul3A_1247] : memref<33554432xf32, #tpu.memory_space<hbm>> -> memref<16384xf32, #tpu.memory_space<hbm>>
        tpu.enqueue_dma source(%dma_start3A_1249 : memref<16384xf32, #tpu.memory_space<hbm>>) target(%arg7 : memref<16384xf32, #tpu.memory_space<vmem>>) target_semaphore(%arg12 : memref<!tpu.dma_semaphore, #tpu.memory_space<semaphore_mem>>)
      } else {
      }
      %mul3A_704 = arith.constant 16384 : i32
      %mul3A_705 = arith.muli %add3A_35, %mul3A_704 : i32
      %dma_wait3A_706 = tpu.memref_slice %arg2[%mul3A_705] : memref<33554432xf32, #tpu.memory_space<hbm>> -> memref<16384xf32, #tpu.memory_space<hbm>>
      %dma_wait3A_707 = tpu.memref_slice %arg2[%mul3A_705] : memref<33554432xf32, #tpu.memory_space<hbm>> -> memref<16384xf32, #tpu.memory_space<hbm>>
      tpu.wait_dma2 semaphore(%arg13 : memref<!tpu.dma_semaphore, #tpu.memory_space<semaphore_mem>>) src(%dma_wait3A_707 : memref<16384xf32, #tpu.memory_space<hbm>>) dst(%arg8 : memref<16384xf32, #tpu.memory_space<vmem>>)
      %mul3A_708 = arith.constant 16384 : i32
      %mul3A_709 = arith.muli %add3A_35, %mul3A_708 : i32
      %dma_wait3A_710 = tpu.memref_slice %arg2[%mul3A_709] : memref<33554432xf32, #tpu.memory_space<hbm>> -> memref<16384xf32, #tpu.memory_space<hbm>>
      %dma_wait3A_711 = tpu.memref_slice %arg2[%mul3A_709] : memref<33554432xf32, #tpu.memory_space<hbm>> -> memref<16384xf32, #tpu.memory_space<hbm>>
      tpu.wait_dma2 semaphore(%arg14 : memref<!tpu.dma_semaphore, #tpu.memory_space<semaphore_mem>>) src(%dma_wait3A_711 : memref<16384xf32, #tpu.memory_space<hbm>>) dst(%arg9 : memref<16384xf32, #tpu.memory_space<vmem>>)
      %mul3A_712 = arith.constant 4 : i32
      %mul3A_713 = arith.muli %mul3A_712, %scan3A_184 : i32
      %add3A_714 = arith.constant 2 : i32
      %add3A_715 = arith.addi %mul3A_713, %add3A_714 : i32
      %scan3A_716 = arith.constant 0 : i32
      %scan3A_717 = arith.constant 512 : i32
      %scan3A_718 = arith.addi %scan3A_716, %scan3A_717 : i32
      %scan3A_719 = arith.constant 1 : i32
      %scan3A_720:10 = scf.for %scan3A_1232 = %scan3A_716 to %scan3A_718 step %scan3A_719 iter_args(%scan3A_1233 = %broadcast_in_dim3A_40, %scan3A_1234 = %broadcast_in_dim3A_40, %scan3A_1235 = %broadcast_in_dim3A_40, %scan3A_1236 = %broadcast_in_dim3A_40, %scan3A_1237 = %broadcast_in_dim3A_40, %scan3A_1238 = %broadcast_in_dim3A_40, %scan3A_1239 = %broadcast_in_dim3A_40, %scan3A_1240 = %broadcast_in_dim3A_40, %scan3A_1241 = %broadcast_in_dim3A_40, %scan3A_1242 = %broadcast_in_dim3A_40) -> (vector<16xf32>, vector<16xf32>, vector<16xf32>, vector<16xf32>, vector<16xf32>, vector<16xf32>, vector<16xf32>, vector<16xf32>, vector<16xf32>, vector<16xf32>)  : i32 {
        %mul3A_1243 = arith.constant 32 : i32
        %mul3A_1244 = arith.muli %scan3A_1232, %mul3A_1243 : i32
        %add3A_1245 = arith.constant 0 : i32
        %add3A_1246 = arith.addi %mul3A_1244, %add3A_1245 : i32
        %get3A_1247 = arith.index_cast %add3A_1246 : i32 to index
        %get3A_1248 = tpu.vector_load %arg5[%get3A_1247] {strides = array<i32>} : memref<16384xi32, #tpu.memory_space<vmem>>, vector<16xi32>,
        %get3A_1249 = vector.shape_cast %get3A_1248 : vector<16xi32> to vector<16xi32>
        %get3A_1250 = arith.index_cast %add3A_1246 : i32 to index
        %get3A_1251 = tpu.vector_load %arg8[%get3A_1250] {strides = array<i32>} : memref<16384xf32, #tpu.memory_space<vmem>>, vector<16xf32>,
        %get3A_1252 = vector.shape_cast %get3A_1251 : vector<16xf32> to vector<16xf32>
        %get3A_1253 = arith.index_cast %add3A_1246 : i32 to index
        %get3A_1254 = tpu.vector_load %arg9[%get3A_1253] {strides = array<i32>} : memref<16384xf32, #tpu.memory_space<vmem>>, vector<16xf32>,
        %get3A_1255 = vector.shape_cast %get3A_1254 : vector<16xf32> to vector<16xf32>
        %eq3A_1256 = arith.constant 1 : i32
        %eq3A_1257 = vector.broadcast %eq3A_1256 : i32 to vector<16xi32>
        %eq3A_1258 = arith.cmpi eq, %get3A_1249, %eq3A_1257 : vector<16xi32>
        %eq3A_1259 = arith.constant 2 : i32
        %eq3A_1260 = vector.broadcast %eq3A_1259 : i32 to vector<16xi32>
        %eq3A_1261 = arith.cmpi eq, %get3A_1249, %eq3A_1260 : vector<16xi32>
        %eq3A_1262 = arith.constant 3 : i32
        %eq3A_1263 = vector.broadcast %eq3A_1262 : i32 to vector<16xi32>
        %eq3A_1264 = arith.cmpi eq, %get3A_1249, %eq3A_1263 : vector<16xi32>
        %eq3A_1265 = arith.constant 4 : i32
        %eq3A_1266 = vector.broadcast %eq3A_1265 : i32 to vector<16xi32>
        %eq3A_1267 = arith.cmpi eq, %get3A_1249, %eq3A_1266 : vector<16xi32>
        %add3A_1268 = arith.addf %scan3A_1233, %get3A_1252 : vector<16xf32>
        %add3A_1269 = arith.addf %scan3A_1238, %get3A_1255 : vector<16xf32>
        %select_n3A_1270 = arith.select %eq3A_1258, %get3A_1252, %broadcast_in_dim3A_40 : vector<16xi1>, vector<16xf32>
        %add3A_1271 = arith.addf %scan3A_1234, %select_n3A_1270 : vector<16xf32>
        %select_n3A_1272 = arith.select %eq3A_1258, %get3A_1255, %broadcast_in_dim3A_40 : vector<16xi1>, vector<16xf32>
        %add3A_1273 = arith.addf %scan3A_1239, %select_n3A_1272 : vector<16xf32>
        %select_n3A_1274 = arith.select %eq3A_1261, %get3A_1252, %broadcast_in_dim3A_40 : vector<16xi1>, vector<16xf32>
        %add3A_1275 = arith.addf %scan3A_1235, %select_n3A_1274 : vector<16xf32>
        %select_n3A_1276 = arith.select %eq3A_1261, %get3A_1255, %broadcast_in_dim3A_40 : vector<16xi1>, vector<16xf32>
        %add3A_1277 = arith.addf %scan3A_1240, %select_n3A_1276 : vector<16xf32>
        %select_n3A_1278 = arith.select %eq3A_1264, %get3A_1252, %broadcast_in_dim3A_40 : vector<16xi1>, vector<16xf32>
        %add3A_1279 = arith.addf %scan3A_1236, %select_n3A_1278 : vector<16xf32>
        %select_n3A_1280 = arith.select %eq3A_1264, %get3A_1255, %broadcast_in_dim3A_40 : vector<16xi1>, vector<16xf32>
        %add3A_1281 = arith.addf %scan3A_1241, %select_n3A_1280 : vector<16xf32>
        %select_n3A_1282 = arith.select %eq3A_1267, %get3A_1252, %broadcast_in_dim3A_40 : vector<16xi1>, vector<16xf32>
        %add3A_1283 = arith.addf %scan3A_1237, %select_n3A_1282 : vector<16xf32>
        %select_n3A_1284 = arith.select %eq3A_1267, %get3A_1255, %broadcast_in_dim3A_40 : vector<16xi1>, vector<16xf32>
        %add3A_1285 = arith.addf %scan3A_1242, %select_n3A_1284 : vector<16xf32>
        %mul3A_1286 = arith.constant 32 : i32
        %mul3A_1287 = arith.muli %scan3A_1232, %mul3A_1286 : i32
        %add3A_1288 = arith.constant 16 : i32
        %add3A_1289 = arith.addi %mul3A_1287, %add3A_1288 : i32
        %get3A_1290 = arith.index_cast %add3A_1289 : i32 to index
        %get3A_1291 = tpu.vector_load %arg5[%get3A_1290] {strides = array<i32>} : memref<16384xi32, #tpu.memory_space<vmem>>, vector<16xi32>,
        %get3A_1292 = vector.shape_cast %get3A_1291 : vector<16xi32> to vector<16xi32>
        %get3A_1293 = arith.index_cast %add3A_1289 : i32 to index
        %get3A_1294 = tpu.vector_load %arg8[%get3A_1293] {strides = array<i32>} : memref<16384xf32, #tpu.memory_space<vmem>>, vector<16xf32>,
        %get3A_1295 = vector.shape_cast %get3A_1294 : vector<16xf32> to vector<16xf32>
        %get3A_1296 = arith.index_cast %add3A_1289 : i32 to index
        %get3A_1297 = tpu.vector_load %arg9[%get3A_1296] {strides = array<i32>} : memref<16384xf32, #tpu.memory_space<vmem>>, vector<16xf32>,
        %get3A_1298 = vector.shape_cast %get3A_1297 : vector<16xf32> to vector<16xf32>
        %eq3A_1299 = arith.constant 1 : i32
        %eq3A_1300 = vector.broadcast %eq3A_1299 : i32 to vector<16xi32>
        %eq3A_1301 = arith.cmpi eq, %get3A_1292, %eq3A_1300 : vector<16xi32>
        %eq3A_1302 = arith.constant 2 : i32
        %eq3A_1303 = vector.broadcast %eq3A_1302 : i32 to vector<16xi32>
        %eq3A_1304 = arith.cmpi eq, %get3A_1292, %eq3A_1303 : vector<16xi32>
        %eq3A_1305 = arith.constant 3 : i32
        %eq3A_1306 = vector.broadcast %eq3A_1305 : i32 to vector<16xi32>
        %eq3A_1307 = arith.cmpi eq, %get3A_1292, %eq3A_1306 : vector<16xi32>
        %eq3A_1308 = arith.constant 4 : i32
        %eq3A_1309 = vector.broadcast %eq3A_1308 : i32 to vector<16xi32>
        %eq3A_1310 = arith.cmpi eq, %get3A_1292, %eq3A_1309 : vector<16xi32>
        %add3A_1311 = arith.addf %add3A_1268, %get3A_1295 : vector<16xf32>
        %add3A_1312 = arith.addf %add3A_1269, %get3A_1298 : vector<16xf32>
        %select_n3A_1313 = arith.select %eq3A_1301, %get3A_1295, %broadcast_in_dim3A_40 : vector<16xi1>, vector<16xf32>
        %add3A_1314 = arith.addf %add3A_1271, %select_n3A_1313 : vector<16xf32>
        %select_n3A_1315 = arith.select %eq3A_1301, %get3A_1298, %broadcast_in_dim3A_40 : vector<16xi1>, vector<16xf32>
        %add3A_1316 = arith.addf %add3A_1273, %select_n3A_1315 : vector<16xf32>
        %select_n3A_1317 = arith.select %eq3A_1304, %get3A_1295, %broadcast_in_dim3A_40 : vector<16xi1>, vector<16xf32>
        %add3A_1318 = arith.addf %add3A_1275, %select_n3A_1317 : vector<16xf32>
        %select_n3A_1319 = arith.select %eq3A_1304, %get3A_1298, %broadcast_in_dim3A_40 : vector<16xi1>, vector<16xf32>
        %add3A_1320 = arith.addf %add3A_1277, %select_n3A_1319 : vector<16xf32>
        %select_n3A_1321 = arith.select %eq3A_1307, %get3A_1295, %broadcast_in_dim3A_40 : vector<16xi1>, vector<16xf32>
        %add3A_1322 = arith.addf %add3A_1279, %select_n3A_1321 : vector<16xf32>
        %select_n3A_1323 = arith.select %eq3A_1307, %get3A_1298, %broadcast_in_dim3A_40 : vector<16xi1>, vector<16xf32>
        %add3A_1324 = arith.addf %add3A_1281, %select_n3A_1323 : vector<16xf32>
        %select_n3A_1325 = arith.select %eq3A_1310, %get3A_1295, %broadcast_in_dim3A_40 : vector<16xi1>, vector<16xf32>
        %add3A_1326 = arith.addf %add3A_1283, %select_n3A_1325 : vector<16xf32>
        %select_n3A_1327 = arith.select %eq3A_1310, %get3A_1298, %broadcast_in_dim3A_40 : vector<16xi1>, vector<16xf32>
        %add3A_1328 = arith.addf %add3A_1285, %select_n3A_1327 : vector<16xf32>
        scf.yield %add3A_1311, %add3A_1314, %add3A_1318, %add3A_1322, %add3A_1326, %add3A_1312, %add3A_1316, %add3A_1320, %add3A_1324, %add3A_1328 : vector<16xf32>, vector<16xf32>, vector<16xf32>, vector<16xf32>, vector<16xf32>, vector<16xf32>, vector<16xf32>, vector<16xf32>, vector<16xf32>, vector<16xf32>
      }
      %scan3A_721 = arith.constant 512 : i32
      %iota3A_722 = tpu.iota {dimensions = array<i32: 0>} : vector<16xi32>
      %sub3A_723 = arith.subf %scan3A_720#0, %scan3A_720#1 : vector<16xf32>
      %sub3A_724 = arith.subf %sub3A_723, %scan3A_720#2 : vector<16xf32>
      %sub3A_725 = arith.subf %sub3A_724, %scan3A_720#3 : vector<16xf32>
      %sub3A_726 = arith.subf %sub3A_725, %scan3A_720#4 : vector<16xf32>
      %add3A_727 = arith.constant 1 : i32
      %add3A_728 = arith.addi %add3A_715, %add3A_727 : i32
      %sub3A_729 = arith.subf %scan3A_720#5, %scan3A_720#6 : vector<16xf32>
      %sub3A_730 = arith.subf %sub3A_729, %scan3A_720#7 : vector<16xf32>
      %sub3A_731 = arith.subf %sub3A_730, %scan3A_720#8 : vector<16xf32>
      %sub3A_732 = arith.subf %sub3A_731, %scan3A_720#9 : vector<16xf32>
      %jit3A_733 = arith.constant 16 : i32
      %div3A_734 = arith.divsi %add3A_715, %jit3A_733 : i32
      %sign3A_735 = arith.constant 0 : i32
      %sign3A_736 = arith.cmpi sgt, %add3A_715, %sign3A_735 : i32
      %sign3A_737 = arith.extui %sign3A_736 : i1 to i32
      %sign3A_738 = arith.constant 0 : i32
      %sign3A_739 = arith.cmpi slt, %add3A_715, %sign3A_738 : i32
      %sign3A_740 = arith.extui %sign3A_739 : i1 to i32
      %sign3A_741 = arith.subi %sign3A_737, %sign3A_740 : i32
      %sign3A_742 = arith.constant 0 : i32
      %sign3A_743 = arith.cmpi sgt, %jit3A_733, %sign3A_742 : i32
      %sign3A_744 = arith.extui %sign3A_743 : i1 to i32
      %sign3A_745 = arith.constant 0 : i32
      %sign3A_746 = arith.cmpi slt, %jit3A_733, %sign3A_745 : i32
      %sign3A_747 = arith.extui %sign3A_746 : i1 to i32
      %sign3A_748 = arith.subi %sign3A_744, %sign3A_747 : i32
      %ne3A_749 = arith.cmpi ne, %sign3A_741, %sign3A_748 : i32
      %rem3A_750 = arith.remsi %add3A_715, %jit3A_733 : i32
      %ne3A_751 = arith.constant 0 : i32
      %ne3A_752 = arith.cmpi ne, %rem3A_750, %ne3A_751 : i32
      %and3A_753 = arith.andi %ne3A_749, %ne3A_752 : i1
      %sub3A_754 = arith.constant 1 : i32
      %sub3A_755 = arith.subi %div3A_734, %sub3A_754 : i32
      %select_n3A_756 = arith.select %and3A_753, %sub3A_755, %div3A_734 : i32
      %jit3A_757 = arith.constant 16 : i32
      %eq3A_758 = arith.constant 0 : i32
      %eq3A_759 = arith.cmpi eq, %jit3A_757, %eq3A_758 : i32
      %jit3A_760 = arith.constant 1 : i32
      %select_n3A_761 = arith.select %eq3A_759, %jit3A_760, %jit3A_757 : i32
      %rem3A_762 = arith.remsi %add3A_715, %select_n3A_761 : i32
      %ne3A_763 = arith.constant 0 : i32
      %ne3A_764 = arith.cmpi ne, %rem3A_762, %ne3A_763 : i32
      %lt3A_765 = arith.constant 0 : i32
      %lt3A_766 = arith.cmpi slt, %rem3A_762, %lt3A_765 : i32
      %lt3A_767 = arith.constant 0 : i32
      %lt3A_768 = arith.cmpi slt, %select_n3A_761, %lt3A_767 : i32
      %ne3A_769 = arith.xori %lt3A_766, %lt3A_768 : i1
      %and3A_770 = arith.andi %ne3A_769, %ne3A_764 : i1
      %add3A_771 = arith.addi %rem3A_762, %select_n3A_761 : i32
      %select_n3A_772 = arith.select %and3A_770, %add3A_771, %rem3A_762 : i32
      %eq3A_773 = vector.broadcast %select_n3A_772 : i32 to vector<16xi32>
      %eq3A_774 = arith.cmpi eq, %iota3A_722, %eq3A_773 : vector<16xi32>
      %xor3A_775 = arith.constant 8 : i32
      %xor3A_776 = vector.broadcast %xor3A_775 : i32 to vector<16xi32>
      %xor3A_777 = arith.xori %iota3A_722, %xor3A_776 : vector<16xi32>
      %reshape3A_778 = vector.shape_cast %xor3A_777 : vector<16xi32> to vector<16x1xi32>
      %gather3A_779 = vector.shape_cast %reshape3A_778 : vector<16x1xi32> to vector<16xi32>
      %gather3A_780 = tpu.dynamic_gather %sub3A_726[%gather3A_779] in [0] : vector<16xf32>, vector<16xi32> -> vector<16xf32>
      %add3A_781 = arith.addf %sub3A_726, %gather3A_780 : vector<16xf32>
      %xor3A_782 = arith.constant 4 : i32
      %xor3A_783 = vector.broadcast %xor3A_782 : i32 to vector<16xi32>
      %xor3A_784 = arith.xori %iota3A_722, %xor3A_783 : vector<16xi32>
      %reshape3A_785 = vector.shape_cast %xor3A_784 : vector<16xi32> to vector<16x1xi32>
      %gather3A_786 = vector.shape_cast %reshape3A_785 : vector<16x1xi32> to vector<16xi32>
      %gather3A_787 = tpu.dynamic_gather %add3A_781[%gather3A_786] in [0] : vector<16xf32>, vector<16xi32> -> vector<16xf32>
      %add3A_788 = arith.addf %add3A_781, %gather3A_787 : vector<16xf32>
      %xor3A_789 = arith.constant 2 : i32
      %xor3A_790 = vector.broadcast %xor3A_789 : i32 to vector<16xi32>
      %xor3A_791 = arith.xori %iota3A_722, %xor3A_790 : vector<16xi32>
      %reshape3A_792 = vector.shape_cast %xor3A_791 : vector<16xi32> to vector<16x1xi32>
      %gather3A_793 = vector.shape_cast %reshape3A_792 : vector<16x1xi32> to vector<16xi32>
      %gather3A_794 = tpu.dynamic_gather %add3A_788[%gather3A_793] in [0] : vector<16xf32>, vector<16xi32> -> vector<16xf32>
      %add3A_795 = arith.addf %add3A_788, %gather3A_794 : vector<16xf32>
      %xor3A_796 = arith.constant 1 : i32
      %xor3A_797 = vector.broadcast %xor3A_796 : i32 to vector<16xi32>
      %xor3A_798 = arith.xori %iota3A_722, %xor3A_797 : vector<16xi32>
      %reshape3A_799 = vector.shape_cast %xor3A_798 : vector<16xi32> to vector<16x1xi32>
      %gather3A_800 = vector.shape_cast %reshape3A_799 : vector<16x1xi32> to vector<16xi32>
      %gather3A_801 = tpu.dynamic_gather %add3A_795[%gather3A_800] in [0] : vector<16xf32>, vector<16xi32> -> vector<16xf32>
      %add3A_802 = arith.addf %add3A_795, %gather3A_801 : vector<16xf32>
      %mul3A_803 = arith.constant 16 : i32
      %mul3A_804 = arith.muli %select_n3A_756, %mul3A_803 : i32
      %add3A_805 = arith.constant 0 : i32
      %add3A_806 = arith.addi %add3A_805, %mul3A_804 : i32
      %get3A_807 = arith.index_cast %add3A_806 : i32 to index
      %get3A_808 = tpu.vector_load %arg10[%get3A_807] {strides = array<i32>} : memref<320xf32, #tpu.memory_space<vmem>>, vector<16xf32>,
      %get3A_809 = vector.shape_cast %get3A_808 : vector<16xf32> to vector<16xf32>
      %select_n3A_810 = arith.select %eq3A_774, %add3A_802, %broadcast_in_dim3A_40 : vector<16xi1>, vector<16xf32>
      %add3A_811 = arith.addf %get3A_809, %select_n3A_810 : vector<16xf32>
      %swap3A_812 = arith.index_cast %add3A_806 : i32 to index
      %swap3A_813 = tpu.vector_load %arg10[%swap3A_812] {strides = array<i32>} : memref<320xf32, #tpu.memory_space<vmem>>, vector<16xf32>,
      %swap3A_814 = vector.shape_cast %swap3A_813 : vector<16xf32> to vector<16xf32>
      %swap3A_815 = vector.shape_cast %add3A_811 : vector<16xf32> to vector<16xf32>
      tpu.vector_store %arg10[%swap3A_812], %swap3A_815 {strides = array<i32>} : memref<320xf32, #tpu.memory_space<vmem>>, vector<16xf32>,
      %xor3A_816 = arith.constant 8 : i32
      %xor3A_817 = vector.broadcast %xor3A_816 : i32 to vector<16xi32>
      %xor3A_818 = arith.xori %iota3A_722, %xor3A_817 : vector<16xi32>
      %reshape3A_819 = vector.shape_cast %xor3A_818 : vector<16xi32> to vector<16x1xi32>
      %gather3A_820 = vector.shape_cast %reshape3A_819 : vector<16x1xi32> to vector<16xi32>
      %gather3A_821 = tpu.dynamic_gather %scan3A_720#1[%gather3A_820] in [0] : vector<16xf32>, vector<16xi32> -> vector<16xf32>
      %add3A_822 = arith.addf %scan3A_720#1, %gather3A_821 : vector<16xf32>
      %xor3A_823 = arith.constant 4 : i32
      %xor3A_824 = vector.broadcast %xor3A_823 : i32 to vector<16xi32>
      %xor3A_825 = arith.xori %iota3A_722, %xor3A_824 : vector<16xi32>
      %reshape3A_826 = vector.shape_cast %xor3A_825 : vector<16xi32> to vector<16x1xi32>
      %gather3A_827 = vector.shape_cast %reshape3A_826 : vector<16x1xi32> to vector<16xi32>
      %gather3A_828 = tpu.dynamic_gather %add3A_822[%gather3A_827] in [0] : vector<16xf32>, vector<16xi32> -> vector<16xf32>
      %add3A_829 = arith.addf %add3A_822, %gather3A_828 : vector<16xf32>
      %xor3A_830 = arith.constant 2 : i32
      %xor3A_831 = vector.broadcast %xor3A_830 : i32 to vector<16xi32>
      %xor3A_832 = arith.xori %iota3A_722, %xor3A_831 : vector<16xi32>
      %reshape3A_833 = vector.shape_cast %xor3A_832 : vector<16xi32> to vector<16x1xi32>
      %gather3A_834 = vector.shape_cast %reshape3A_833 : vector<16x1xi32> to vector<16xi32>
      %gather3A_835 = tpu.dynamic_gather %add3A_829[%gather3A_834] in [0] : vector<16xf32>, vector<16xi32> -> vector<16xf32>
      %add3A_836 = arith.addf %add3A_829, %gather3A_835 : vector<16xf32>
      %xor3A_837 = arith.constant 1 : i32
      %xor3A_838 = vector.broadcast %xor3A_837 : i32 to vector<16xi32>
      %xor3A_839 = arith.xori %iota3A_722, %xor3A_838 : vector<16xi32>
      %reshape3A_840 = vector.shape_cast %xor3A_839 : vector<16xi32> to vector<16x1xi32>
      %gather3A_841 = vector.shape_cast %reshape3A_840 : vector<16x1xi32> to vector<16xi32>
      %gather3A_842 = tpu.dynamic_gather %add3A_836[%gather3A_841] in [0] : vector<16xf32>, vector<16xi32> -> vector<16xf32>
      %add3A_843 = arith.addf %add3A_836, %gather3A_842 : vector<16xf32>
      %mul3A_844 = arith.constant 16 : i32
      %mul3A_845 = arith.muli %select_n3A_756, %mul3A_844 : i32
      %add3A_846 = arith.constant 64 : i32
      %add3A_847 = arith.addi %add3A_846, %mul3A_845 : i32
      %get3A_848 = arith.index_cast %add3A_847 : i32 to index
      %get3A_849 = tpu.vector_load %arg10[%get3A_848] {strides = array<i32>} : memref<320xf32, #tpu.memory_space<vmem>>, vector<16xf32>,
      %get3A_850 = vector.shape_cast %get3A_849 : vector<16xf32> to vector<16xf32>
      %select_n3A_851 = arith.select %eq3A_774, %add3A_843, %broadcast_in_dim3A_40 : vector<16xi1>, vector<16xf32>
      %add3A_852 = arith.addf %get3A_850, %select_n3A_851 : vector<16xf32>
      %swap3A_853 = arith.index_cast %add3A_847 : i32 to index
      %swap3A_854 = tpu.vector_load %arg10[%swap3A_853] {strides = array<i32>} : memref<320xf32, #tpu.memory_space<vmem>>, vector<16xf32>,
      %swap3A_855 = vector.shape_cast %swap3A_854 : vector<16xf32> to vector<16xf32>
      %swap3A_856 = vector.shape_cast %add3A_852 : vector<16xf32> to vector<16xf32>
      tpu.vector_store %arg10[%swap3A_853], %swap3A_856 {strides = array<i32>} : memref<320xf32, #tpu.memory_space<vmem>>, vector<16xf32>,
      %xor3A_857 = arith.constant 8 : i32
      %xor3A_858 = vector.broadcast %xor3A_857 : i32 to vector<16xi32>
      %xor3A_859 = arith.xori %iota3A_722, %xor3A_858 : vector<16xi32>
      %reshape3A_860 = vector.shape_cast %xor3A_859 : vector<16xi32> to vector<16x1xi32>
      %gather3A_861 = vector.shape_cast %reshape3A_860 : vector<16x1xi32> to vector<16xi32>
      %gather3A_862 = tpu.dynamic_gather %scan3A_720#2[%gather3A_861] in [0] : vector<16xf32>, vector<16xi32> -> vector<16xf32>
      %add3A_863 = arith.addf %scan3A_720#2, %gather3A_862 : vector<16xf32>
      %xor3A_864 = arith.constant 4 : i32
      %xor3A_865 = vector.broadcast %xor3A_864 : i32 to vector<16xi32>
      %xor3A_866 = arith.xori %iota3A_722, %xor3A_865 : vector<16xi32>
      %reshape3A_867 = vector.shape_cast %xor3A_866 : vector<16xi32> to vector<16x1xi32>
      %gather3A_868 = vector.shape_cast %reshape3A_867 : vector<16x1xi32> to vector<16xi32>
      %gather3A_869 = tpu.dynamic_gather %add3A_863[%gather3A_868] in [0] : vector<16xf32>, vector<16xi32> -> vector<16xf32>
      %add3A_870 = arith.addf %add3A_863, %gather3A_869 : vector<16xf32>
      %xor3A_871 = arith.constant 2 : i32
      %xor3A_872 = vector.broadcast %xor3A_871 : i32 to vector<16xi32>
      %xor3A_873 = arith.xori %iota3A_722, %xor3A_872 : vector<16xi32>
      %reshape3A_874 = vector.shape_cast %xor3A_873 : vector<16xi32> to vector<16x1xi32>
      %gather3A_875 = vector.shape_cast %reshape3A_874 : vector<16x1xi32> to vector<16xi32>
      %gather3A_876 = tpu.dynamic_gather %add3A_870[%gather3A_875] in [0] : vector<16xf32>, vector<16xi32> -> vector<16xf32>
      %add3A_877 = arith.addf %add3A_870, %gather3A_876 : vector<16xf32>
      %xor3A_878 = arith.constant 1 : i32
      %xor3A_879 = vector.broadcast %xor3A_878 : i32 to vector<16xi32>
      %xor3A_880 = arith.xori %iota3A_722, %xor3A_879 : vector<16xi32>
      %reshape3A_881 = vector.shape_cast %xor3A_880 : vector<16xi32> to vector<16x1xi32>
      %gather3A_882 = vector.shape_cast %reshape3A_881 : vector<16x1xi32> to vector<16xi32>
      %gather3A_883 = tpu.dynamic_gather %add3A_877[%gather3A_882] in [0] : vector<16xf32>, vector<16xi32> -> vector<16xf32>
      %add3A_884 = arith.addf %add3A_877, %gather3A_883 : vector<16xf32>
      %mul3A_885 = arith.constant 16 : i32
      %mul3A_886 = arith.muli %select_n3A_756, %mul3A_885 : i32
      %add3A_887 = arith.constant 128 : i32
      %add3A_888 = arith.addi %add3A_887, %mul3A_886 : i32
      %get3A_889 = arith.index_cast %add3A_888 : i32 to index
      %get3A_890 = tpu.vector_load %arg10[%get3A_889] {strides = array<i32>} : memref<320xf32, #tpu.memory_space<vmem>>, vector<16xf32>,
      %get3A_891 = vector.shape_cast %get3A_890 : vector<16xf32> to vector<16xf32>
      %select_n3A_892 = arith.select %eq3A_774, %add3A_884, %broadcast_in_dim3A_40 : vector<16xi1>, vector<16xf32>
      %add3A_893 = arith.addf %get3A_891, %select_n3A_892 : vector<16xf32>
      %swap3A_894 = arith.index_cast %add3A_888 : i32 to index
      %swap3A_895 = tpu.vector_load %arg10[%swap3A_894] {strides = array<i32>} : memref<320xf32, #tpu.memory_space<vmem>>, vector<16xf32>,
      %swap3A_896 = vector.shape_cast %swap3A_895 : vector<16xf32> to vector<16xf32>
      %swap3A_897 = vector.shape_cast %add3A_893 : vector<16xf32> to vector<16xf32>
      tpu.vector_store %arg10[%swap3A_894], %swap3A_897 {strides = array<i32>} : memref<320xf32, #tpu.memory_space<vmem>>, vector<16xf32>,
      %xor3A_898 = arith.constant 8 : i32
      %xor3A_899 = vector.broadcast %xor3A_898 : i32 to vector<16xi32>
      %xor3A_900 = arith.xori %iota3A_722, %xor3A_899 : vector<16xi32>
      %reshape3A_901 = vector.shape_cast %xor3A_900 : vector<16xi32> to vector<16x1xi32>
      %gather3A_902 = vector.shape_cast %reshape3A_901 : vector<16x1xi32> to vector<16xi32>
      %gather3A_903 = tpu.dynamic_gather %scan3A_720#3[%gather3A_902] in [0] : vector<16xf32>, vector<16xi32> -> vector<16xf32>
      %add3A_904 = arith.addf %scan3A_720#3, %gather3A_903 : vector<16xf32>
      %xor3A_905 = arith.constant 4 : i32
      %xor3A_906 = vector.broadcast %xor3A_905 : i32 to vector<16xi32>
      %xor3A_907 = arith.xori %iota3A_722, %xor3A_906 : vector<16xi32>
      %reshape3A_908 = vector.shape_cast %xor3A_907 : vector<16xi32> to vector<16x1xi32>
      %gather3A_909 = vector.shape_cast %reshape3A_908 : vector<16x1xi32> to vector<16xi32>
      %gather3A_910 = tpu.dynamic_gather %add3A_904[%gather3A_909] in [0] : vector<16xf32>, vector<16xi32> -> vector<16xf32>
      %add3A_911 = arith.addf %add3A_904, %gather3A_910 : vector<16xf32>
      %xor3A_912 = arith.constant 2 : i32
      %xor3A_913 = vector.broadcast %xor3A_912 : i32 to vector<16xi32>
      %xor3A_914 = arith.xori %iota3A_722, %xor3A_913 : vector<16xi32>
      %reshape3A_915 = vector.shape_cast %xor3A_914 : vector<16xi32> to vector<16x1xi32>
      %gather3A_916 = vector.shape_cast %reshape3A_915 : vector<16x1xi32> to vector<16xi32>
      %gather3A_917 = tpu.dynamic_gather %add3A_911[%gather3A_916] in [0] : vector<16xf32>, vector<16xi32> -> vector<16xf32>
      %add3A_918 = arith.addf %add3A_911, %gather3A_917 : vector<16xf32>
      %xor3A_919 = arith.constant 1 : i32
      %xor3A_920 = vector.broadcast %xor3A_919 : i32 to vector<16xi32>
      %xor3A_921 = arith.xori %iota3A_722, %xor3A_920 : vector<16xi32>
      %reshape3A_922 = vector.shape_cast %xor3A_921 : vector<16xi32> to vector<16x1xi32>
      %gather3A_923 = vector.shape_cast %reshape3A_922 : vector<16x1xi32> to vector<16xi32>
      %gather3A_924 = tpu.dynamic_gather %add3A_918[%gather3A_923] in [0] : vector<16xf32>, vector<16xi32> -> vector<16xf32>
      %add3A_925 = arith.addf %add3A_918, %gather3A_924 : vector<16xf32>
      %mul3A_926 = arith.constant 16 : i32
      %mul3A_927 = arith.muli %select_n3A_756, %mul3A_926 : i32
      %add3A_928 = arith.constant 192 : i32
      %add3A_929 = arith.addi %add3A_928, %mul3A_927 : i32
      %get3A_930 = arith.index_cast %add3A_929 : i32 to index
      %get3A_931 = tpu.vector_load %arg10[%get3A_930] {strides = array<i32>} : memref<320xf32, #tpu.memory_space<vmem>>, vector<16xf32>,
      %get3A_932 = vector.shape_cast %get3A_931 : vector<16xf32> to vector<16xf32>
      %select_n3A_933 = arith.select %eq3A_774, %add3A_925, %broadcast_in_dim3A_40 : vector<16xi1>, vector<16xf32>
      %add3A_934 = arith.addf %get3A_932, %select_n3A_933 : vector<16xf32>
      %swap3A_935 = arith.index_cast %add3A_929 : i32 to index
      %swap3A_936 = tpu.vector_load %arg10[%swap3A_935] {strides = array<i32>} : memref<320xf32, #tpu.memory_space<vmem>>, vector<16xf32>,
      %swap3A_937 = vector.shape_cast %swap3A_936 : vector<16xf32> to vector<16xf32>
      %swap3A_938 = vector.shape_cast %add3A_934 : vector<16xf32> to vector<16xf32>
      tpu.vector_store %arg10[%swap3A_935], %swap3A_938 {strides = array<i32>} : memref<320xf32, #tpu.memory_space<vmem>>, vector<16xf32>,
      %xor3A_939 = arith.constant 8 : i32
      %xor3A_940 = vector.broadcast %xor3A_939 : i32 to vector<16xi32>
      %xor3A_941 = arith.xori %iota3A_722, %xor3A_940 : vector<16xi32>
      %reshape3A_942 = vector.shape_cast %xor3A_941 : vector<16xi32> to vector<16x1xi32>
      %gather3A_943 = vector.shape_cast %reshape3A_942 : vector<16x1xi32> to vector<16xi32>
      %gather3A_944 = tpu.dynamic_gather %scan3A_720#4[%gather3A_943] in [0] : vector<16xf32>, vector<16xi32> -> vector<16xf32>
      %add3A_945 = arith.addf %scan3A_720#4, %gather3A_944 : vector<16xf32>
      %xor3A_946 = arith.constant 4 : i32
      %xor3A_947 = vector.broadcast %xor3A_946 : i32 to vector<16xi32>
      %xor3A_948 = arith.xori %iota3A_722, %xor3A_947 : vector<16xi32>
      %reshape3A_949 = vector.shape_cast %xor3A_948 : vector<16xi32> to vector<16x1xi32>
      %gather3A_950 = vector.shape_cast %reshape3A_949 : vector<16x1xi32> to vector<16xi32>
      %gather3A_951 = tpu.dynamic_gather %add3A_945[%gather3A_950] in [0] : vector<16xf32>, vector<16xi32> -> vector<16xf32>
      %add3A_952 = arith.addf %add3A_945, %gather3A_951 : vector<16xf32>
      %xor3A_953 = arith.constant 2 : i32
      %xor3A_954 = vector.broadcast %xor3A_953 : i32 to vector<16xi32>
      %xor3A_955 = arith.xori %iota3A_722, %xor3A_954 : vector<16xi32>
      %reshape3A_956 = vector.shape_cast %xor3A_955 : vector<16xi32> to vector<16x1xi32>
      %gather3A_957 = vector.shape_cast %reshape3A_956 : vector<16x1xi32> to vector<16xi32>
      %gather3A_958 = tpu.dynamic_gather %add3A_952[%gather3A_957] in [0] : vector<16xf32>, vector<16xi32> -> vector<16xf32>
      %add3A_959 = arith.addf %add3A_952, %gather3A_958 : vector<16xf32>
      %xor3A_960 = arith.constant 1 : i32
      %xor3A_961 = vector.broadcast %xor3A_960 : i32 to vector<16xi32>
      %xor3A_962 = arith.xori %iota3A_722, %xor3A_961 : vector<16xi32>
      %reshape3A_963 = vector.shape_cast %xor3A_962 : vector<16xi32> to vector<16x1xi32>
      %gather3A_964 = vector.shape_cast %reshape3A_963 : vector<16x1xi32> to vector<16xi32>
      %gather3A_965 = tpu.dynamic_gather %add3A_959[%gather3A_964] in [0] : vector<16xf32>, vector<16xi32> -> vector<16xf32>
      %add3A_966 = arith.addf %add3A_959, %gather3A_965 : vector<16xf32>
      %mul3A_967 = arith.constant 16 : i32
      %mul3A_968 = arith.muli %select_n3A_756, %mul3A_967 : i32
      %add3A_969 = arith.constant 256 : i32
      %add3A_970 = arith.addi %add3A_969, %mul3A_968 : i32
      %get3A_971 = arith.index_cast %add3A_970 : i32 to index
      %get3A_972 = tpu.vector_load %arg10[%get3A_971] {strides = array<i32>} : memref<320xf32, #tpu.memory_space<vmem>>, vector<16xf32>,
      %get3A_973 = vector.shape_cast %get3A_972 : vector<16xf32> to vector<16xf32>
      %select_n3A_974 = arith.select %eq3A_774, %add3A_966, %broadcast_in_dim3A_40 : vector<16xi1>, vector<16xf32>
      %add3A_975 = arith.addf %get3A_973, %select_n3A_974 : vector<16xf32>
      %swap3A_976 = arith.index_cast %add3A_970 : i32 to index
      %swap3A_977 = tpu.vector_load %arg10[%swap3A_976] {strides = array<i32>} : memref<320xf32, #tpu.memory_space<vmem>>, vector<16xf32>,
      %swap3A_978 = vector.shape_cast %swap3A_977 : vector<16xf32> to vector<16xf32>
      %swap3A_979 = vector.shape_cast %add3A_975 : vector<16xf32> to vector<16xf32>
      tpu.vector_store %arg10[%swap3A_976], %swap3A_979 {strides = array<i32>} : memref<320xf32, #tpu.memory_space<vmem>>, vector<16xf32>,
      %jit3A_980 = arith.constant 16 : i32
      %div3A_981 = arith.divsi %add3A_728, %jit3A_980 : i32
      %sign3A_982 = arith.constant 0 : i32
      %sign3A_983 = arith.cmpi sgt, %add3A_728, %sign3A_982 : i32
      %sign3A_984 = arith.extui %sign3A_983 : i1 to i32
      %sign3A_985 = arith.constant 0 : i32
      %sign3A_986 = arith.cmpi slt, %add3A_728, %sign3A_985 : i32
      %sign3A_987 = arith.extui %sign3A_986 : i1 to i32
      %sign3A_988 = arith.subi %sign3A_984, %sign3A_987 : i32
      %sign3A_989 = arith.constant 0 : i32
      %sign3A_990 = arith.cmpi sgt, %jit3A_980, %sign3A_989 : i32
      %sign3A_991 = arith.extui %sign3A_990 : i1 to i32
      %sign3A_992 = arith.constant 0 : i32
      %sign3A_993 = arith.cmpi slt, %jit3A_980, %sign3A_992 : i32
      %sign3A_994 = arith.extui %sign3A_993 : i1 to i32
      %sign3A_995 = arith.subi %sign3A_991, %sign3A_994 : i32
      %ne3A_996 = arith.cmpi ne, %sign3A_988, %sign3A_995 : i32
      %rem3A_997 = arith.remsi %add3A_728, %jit3A_980 : i32
      %ne3A_998 = arith.constant 0 : i32
      %ne3A_999 = arith.cmpi ne, %rem3A_997, %ne3A_998 : i32
      %and3A_1000 = arith.andi %ne3A_996, %ne3A_999 : i1
      %sub3A_1001 = arith.constant 1 : i32
      %sub3A_1002 = arith.subi %div3A_981, %sub3A_1001 : i32
      %select_n3A_1003 = arith.select %and3A_1000, %sub3A_1002, %div3A_981 : i32
      %jit3A_1004 = arith.constant 16 : i32
      %eq3A_1005 = arith.constant 0 : i32
      %eq3A_1006 = arith.cmpi eq, %jit3A_1004, %eq3A_1005 : i32
      %jit3A_1007 = arith.constant 1 : i32
      %select_n3A_1008 = arith.select %eq3A_1006, %jit3A_1007, %jit3A_1004 : i32
      %rem3A_1009 = arith.remsi %add3A_728, %select_n3A_1008 : i32
      %ne3A_1010 = arith.constant 0 : i32
      %ne3A_1011 = arith.cmpi ne, %rem3A_1009, %ne3A_1010 : i32
      %lt3A_1012 = arith.constant 0 : i32
      %lt3A_1013 = arith.cmpi slt, %rem3A_1009, %lt3A_1012 : i32
      %lt3A_1014 = arith.constant 0 : i32
      %lt3A_1015 = arith.cmpi slt, %select_n3A_1008, %lt3A_1014 : i32
      %ne3A_1016 = arith.xori %lt3A_1013, %lt3A_1015 : i1
      %and3A_1017 = arith.andi %ne3A_1016, %ne3A_1011 : i1
      %add3A_1018 = arith.addi %rem3A_1009, %select_n3A_1008 : i32
      %select_n3A_1019 = arith.select %and3A_1017, %add3A_1018, %rem3A_1009 : i32
      %eq3A_1020 = vector.broadcast %select_n3A_1019 : i32 to vector<16xi32>
      %eq3A_1021 = arith.cmpi eq, %iota3A_722, %eq3A_1020 : vector<16xi32>
      %xor3A_1022 = arith.constant 8 : i32
      %xor3A_1023 = vector.broadcast %xor3A_1022 : i32 to vector<16xi32>
      %xor3A_1024 = arith.xori %iota3A_722, %xor3A_1023 : vector<16xi32>
      %reshape3A_1025 = vector.shape_cast %xor3A_1024 : vector<16xi32> to vector<16x1xi32>
      %gather3A_1026 = vector.shape_cast %reshape3A_1025 : vector<16x1xi32> to vector<16xi32>
      %gather3A_1027 = tpu.dynamic_gather %sub3A_732[%gather3A_1026] in [0] : vector<16xf32>, vector<16xi32> -> vector<16xf32>
      %add3A_1028 = arith.addf %sub3A_732, %gather3A_1027 : vector<16xf32>
      %xor3A_1029 = arith.constant 4 : i32
      %xor3A_1030 = vector.broadcast %xor3A_1029 : i32 to vector<16xi32>
      %xor3A_1031 = arith.xori %iota3A_722, %xor3A_1030 : vector<16xi32>
      %reshape3A_1032 = vector.shape_cast %xor3A_1031 : vector<16xi32> to vector<16x1xi32>
      %gather3A_1033 = vector.shape_cast %reshape3A_1032 : vector<16x1xi32> to vector<16xi32>
      %gather3A_1034 = tpu.dynamic_gather %add3A_1028[%gather3A_1033] in [0] : vector<16xf32>, vector<16xi32> -> vector<16xf32>
      %add3A_1035 = arith.addf %add3A_1028, %gather3A_1034 : vector<16xf32>
      %xor3A_1036 = arith.constant 2 : i32
      %xor3A_1037 = vector.broadcast %xor3A_1036 : i32 to vector<16xi32>
      %xor3A_1038 = arith.xori %iota3A_722, %xor3A_1037 : vector<16xi32>
      %reshape3A_1039 = vector.shape_cast %xor3A_1038 : vector<16xi32> to vector<16x1xi32>
      %gather3A_1040 = vector.shape_cast %reshape3A_1039 : vector<16x1xi32> to vector<16xi32>
      %gather3A_1041 = tpu.dynamic_gather %add3A_1035[%gather3A_1040] in [0] : vector<16xf32>, vector<16xi32> -> vector<16xf32>
      %add3A_1042 = arith.addf %add3A_1035, %gather3A_1041 : vector<16xf32>
      %xor3A_1043 = arith.constant 1 : i32
      %xor3A_1044 = vector.broadcast %xor3A_1043 : i32 to vector<16xi32>
      %xor3A_1045 = arith.xori %iota3A_722, %xor3A_1044 : vector<16xi32>
      %reshape3A_1046 = vector.shape_cast %xor3A_1045 : vector<16xi32> to vector<16x1xi32>
      %gather3A_1047 = vector.shape_cast %reshape3A_1046 : vector<16x1xi32> to vector<16xi32>
      %gather3A_1048 = tpu.dynamic_gather %add3A_1042[%gather3A_1047] in [0] : vector<16xf32>, vector<16xi32> -> vector<16xf32>
      %add3A_1049 = arith.addf %add3A_1042, %gather3A_1048 : vector<16xf32>
      %mul3A_1050 = arith.constant 16 : i32
      %mul3A_1051 = arith.muli %select_n3A_1003, %mul3A_1050 : i32
      %add3A_1052 = arith.constant 0 : i32
      %add3A_1053 = arith.addi %add3A_1052, %mul3A_1051 : i32
      %get3A_1054 = arith.index_cast %add3A_1053 : i32 to index
      %get3A_1055 = tpu.vector_load %arg10[%get3A_1054] {strides = array<i32>} : memref<320xf32, #tpu.memory_space<vmem>>, vector<16xf32>,
      %get3A_1056 = vector.shape_cast %get3A_1055 : vector<16xf32> to vector<16xf32>
      %select_n3A_1057 = arith.select %eq3A_1021, %add3A_1049, %broadcast_in_dim3A_40 : vector<16xi1>, vector<16xf32>
      %add3A_1058 = arith.addf %get3A_1056, %select_n3A_1057 : vector<16xf32>
      %swap3A_1059 = arith.index_cast %add3A_1053 : i32 to index
      %swap3A_1060 = tpu.vector_load %arg10[%swap3A_1059] {strides = array<i32>} : memref<320xf32, #tpu.memory_space<vmem>>, vector<16xf32>,
      %swap3A_1061 = vector.shape_cast %swap3A_1060 : vector<16xf32> to vector<16xf32>
      %swap3A_1062 = vector.shape_cast %add3A_1058 : vector<16xf32> to vector<16xf32>
      tpu.vector_store %arg10[%swap3A_1059], %swap3A_1062 {strides = array<i32>} : memref<320xf32, #tpu.memory_space<vmem>>, vector<16xf32>,
      %xor3A_1063 = arith.constant 8 : i32
      %xor3A_1064 = vector.broadcast %xor3A_1063 : i32 to vector<16xi32>
      %xor3A_1065 = arith.xori %iota3A_722, %xor3A_1064 : vector<16xi32>
      %reshape3A_1066 = vector.shape_cast %xor3A_1065 : vector<16xi32> to vector<16x1xi32>
      %gather3A_1067 = vector.shape_cast %reshape3A_1066 : vector<16x1xi32> to vector<16xi32>
      %gather3A_1068 = tpu.dynamic_gather %scan3A_720#6[%gather3A_1067] in [0] : vector<16xf32>, vector<16xi32> -> vector<16xf32>
      %add3A_1069 = arith.addf %scan3A_720#6, %gather3A_1068 : vector<16xf32>
      %xor3A_1070 = arith.constant 4 : i32
      %xor3A_1071 = vector.broadcast %xor3A_1070 : i32 to vector<16xi32>
      %xor3A_1072 = arith.xori %iota3A_722, %xor3A_1071 : vector<16xi32>
      %reshape3A_1073 = vector.shape_cast %xor3A_1072 : vector<16xi32> to vector<16x1xi32>
      %gather3A_1074 = vector.shape_cast %reshape3A_1073 : vector<16x1xi32> to vector<16xi32>
      %gather3A_1075 = tpu.dynamic_gather %add3A_1069[%gather3A_1074] in [0] : vector<16xf32>, vector<16xi32> -> vector<16xf32>
      %add3A_1076 = arith.addf %add3A_1069, %gather3A_1075 : vector<16xf32>
      %xor3A_1077 = arith.constant 2 : i32
      %xor3A_1078 = vector.broadcast %xor3A_1077 : i32 to vector<16xi32>
      %xor3A_1079 = arith.xori %iota3A_722, %xor3A_1078 : vector<16xi32>
      %reshape3A_1080 = vector.shape_cast %xor3A_1079 : vector<16xi32> to vector<16x1xi32>
      %gather3A_1081 = vector.shape_cast %reshape3A_1080 : vector<16x1xi32> to vector<16xi32>
      %gather3A_1082 = tpu.dynamic_gather %add3A_1076[%gather3A_1081] in [0] : vector<16xf32>, vector<16xi32> -> vector<16xf32>
      %add3A_1083 = arith.addf %add3A_1076, %gather3A_1082 : vector<16xf32>
      %xor3A_1084 = arith.constant 1 : i32
      %xor3A_1085 = vector.broadcast %xor3A_1084 : i32 to vector<16xi32>
      %xor3A_1086 = arith.xori %iota3A_722, %xor3A_1085 : vector<16xi32>
      %reshape3A_1087 = vector.shape_cast %xor3A_1086 : vector<16xi32> to vector<16x1xi32>
      %gather3A_1088 = vector.shape_cast %reshape3A_1087 : vector<16x1xi32> to vector<16xi32>
      %gather3A_1089 = tpu.dynamic_gather %add3A_1083[%gather3A_1088] in [0] : vector<16xf32>, vector<16xi32> -> vector<16xf32>
      %add3A_1090 = arith.addf %add3A_1083, %gather3A_1089 : vector<16xf32>
      %mul3A_1091 = arith.constant 16 : i32
      %mul3A_1092 = arith.muli %select_n3A_1003, %mul3A_1091 : i32
      %add3A_1093 = arith.constant 64 : i32
      %add3A_1094 = arith.addi %add3A_1093, %mul3A_1092 : i32
      %get3A_1095 = arith.index_cast %add3A_1094 : i32 to index
      %get3A_1096 = tpu.vector_load %arg10[%get3A_1095] {strides = array<i32>} : memref<320xf32, #tpu.memory_space<vmem>>, vector<16xf32>,
      %get3A_1097 = vector.shape_cast %get3A_1096 : vector<16xf32> to vector<16xf32>
      %select_n3A_1098 = arith.select %eq3A_1021, %add3A_1090, %broadcast_in_dim3A_40 : vector<16xi1>, vector<16xf32>
      %add3A_1099 = arith.addf %get3A_1097, %select_n3A_1098 : vector<16xf32>
      %swap3A_1100 = arith.index_cast %add3A_1094 : i32 to index
      %swap3A_1101 = tpu.vector_load %arg10[%swap3A_1100] {strides = array<i32>} : memref<320xf32, #tpu.memory_space<vmem>>, vector<16xf32>,
      %swap3A_1102 = vector.shape_cast %swap3A_1101 : vector<16xf32> to vector<16xf32>
      %swap3A_1103 = vector.shape_cast %add3A_1099 : vector<16xf32> to vector<16xf32>
      tpu.vector_store %arg10[%swap3A_1100], %swap3A_1103 {strides = array<i32>} : memref<320xf32, #tpu.memory_space<vmem>>, vector<16xf32>,
      %xor3A_1104 = arith.constant 8 : i32
      %xor3A_1105 = vector.broadcast %xor3A_1104 : i32 to vector<16xi32>
      %xor3A_1106 = arith.xori %iota3A_722, %xor3A_1105 : vector<16xi32>
      %reshape3A_1107 = vector.shape_cast %xor3A_1106 : vector<16xi32> to vector<16x1xi32>
      %gather3A_1108 = vector.shape_cast %reshape3A_1107 : vector<16x1xi32> to vector<16xi32>
      %gather3A_1109 = tpu.dynamic_gather %scan3A_720#7[%gather3A_1108] in [0] : vector<16xf32>, vector<16xi32> -> vector<16xf32>
      %add3A_1110 = arith.addf %scan3A_720#7, %gather3A_1109 : vector<16xf32>
      %xor3A_1111 = arith.constant 4 : i32
      %xor3A_1112 = vector.broadcast %xor3A_1111 : i32 to vector<16xi32>
      %xor3A_1113 = arith.xori %iota3A_722, %xor3A_1112 : vector<16xi32>
      %reshape3A_1114 = vector.shape_cast %xor3A_1113 : vector<16xi32> to vector<16x1xi32>
      %gather3A_1115 = vector.shape_cast %reshape3A_1114 : vector<16x1xi32> to vector<16xi32>
      %gather3A_1116 = tpu.dynamic_gather %add3A_1110[%gather3A_1115] in [0] : vector<16xf32>, vector<16xi32> -> vector<16xf32>
      %add3A_1117 = arith.addf %add3A_1110, %gather3A_1116 : vector<16xf32>
      %xor3A_1118 = arith.constant 2 : i32
      %xor3A_1119 = vector.broadcast %xor3A_1118 : i32 to vector<16xi32>
      %xor3A_1120 = arith.xori %iota3A_722, %xor3A_1119 : vector<16xi32>
      %reshape3A_1121 = vector.shape_cast %xor3A_1120 : vector<16xi32> to vector<16x1xi32>
      %gather3A_1122 = vector.shape_cast %reshape3A_1121 : vector<16x1xi32> to vector<16xi32>
      %gather3A_1123 = tpu.dynamic_gather %add3A_1117[%gather3A_1122] in [0] : vector<16xf32>, vector<16xi32> -> vector<16xf32>
      %add3A_1124 = arith.addf %add3A_1117, %gather3A_1123 : vector<16xf32>
      %xor3A_1125 = arith.constant 1 : i32
      %xor3A_1126 = vector.broadcast %xor3A_1125 : i32 to vector<16xi32>
      %xor3A_1127 = arith.xori %iota3A_722, %xor3A_1126 : vector<16xi32>
      %reshape3A_1128 = vector.shape_cast %xor3A_1127 : vector<16xi32> to vector<16x1xi32>
      %gather3A_1129 = vector.shape_cast %reshape3A_1128 : vector<16x1xi32> to vector<16xi32>
      %gather3A_1130 = tpu.dynamic_gather %add3A_1124[%gather3A_1129] in [0] : vector<16xf32>, vector<16xi32> -> vector<16xf32>
      %add3A_1131 = arith.addf %add3A_1124, %gather3A_1130 : vector<16xf32>
      %mul3A_1132 = arith.constant 16 : i32
      %mul3A_1133 = arith.muli %select_n3A_1003, %mul3A_1132 : i32
      %add3A_1134 = arith.constant 128 : i32
      %add3A_1135 = arith.addi %add3A_1134, %mul3A_1133 : i32
      %get3A_1136 = arith.index_cast %add3A_1135 : i32 to index
      %get3A_1137 = tpu.vector_load %arg10[%get3A_1136] {strides = array<i32>} : memref<320xf32, #tpu.memory_space<vmem>>, vector<16xf32>,
      %get3A_1138 = vector.shape_cast %get3A_1137 : vector<16xf32> to vector<16xf32>
      %select_n3A_1139 = arith.select %eq3A_1021, %add3A_1131, %broadcast_in_dim3A_40 : vector<16xi1>, vector<16xf32>
      %add3A_1140 = arith.addf %get3A_1138, %select_n3A_1139 : vector<16xf32>
      %swap3A_1141 = arith.index_cast %add3A_1135 : i32 to index
      %swap3A_1142 = tpu.vector_load %arg10[%swap3A_1141] {strides = array<i32>} : memref<320xf32, #tpu.memory_space<vmem>>, vector<16xf32>,
      %swap3A_1143 = vector.shape_cast %swap3A_1142 : vector<16xf32> to vector<16xf32>
      %swap3A_1144 = vector.shape_cast %add3A_1140 : vector<16xf32> to vector<16xf32>
      tpu.vector_store %arg10[%swap3A_1141], %swap3A_1144 {strides = array<i32>} : memref<320xf32, #tpu.memory_space<vmem>>, vector<16xf32>,
      %xor3A_1145 = arith.constant 8 : i32
      %xor3A_1146 = vector.broadcast %xor3A_1145 : i32 to vector<16xi32>
      %xor3A_1147 = arith.xori %iota3A_722, %xor3A_1146 : vector<16xi32>
      %reshape3A_1148 = vector.shape_cast %xor3A_1147 : vector<16xi32> to vector<16x1xi32>
      %gather3A_1149 = vector.shape_cast %reshape3A_1148 : vector<16x1xi32> to vector<16xi32>
      %gather3A_1150 = tpu.dynamic_gather %scan3A_720#8[%gather3A_1149] in [0] : vector<16xf32>, vector<16xi32> -> vector<16xf32>
      %add3A_1151 = arith.addf %scan3A_720#8, %gather3A_1150 : vector<16xf32>
      %xor3A_1152 = arith.constant 4 : i32
      %xor3A_1153 = vector.broadcast %xor3A_1152 : i32 to vector<16xi32>
      %xor3A_1154 = arith.xori %iota3A_722, %xor3A_1153 : vector<16xi32>
      %reshape3A_1155 = vector.shape_cast %xor3A_1154 : vector<16xi32> to vector<16x1xi32>
      %gather3A_1156 = vector.shape_cast %reshape3A_1155 : vector<16x1xi32> to vector<16xi32>
      %gather3A_1157 = tpu.dynamic_gather %add3A_1151[%gather3A_1156] in [0] : vector<16xf32>, vector<16xi32> -> vector<16xf32>
      %add3A_1158 = arith.addf %add3A_1151, %gather3A_1157 : vector<16xf32>
      %xor3A_1159 = arith.constant 2 : i32
      %xor3A_1160 = vector.broadcast %xor3A_1159 : i32 to vector<16xi32>
      %xor3A_1161 = arith.xori %iota3A_722, %xor3A_1160 : vector<16xi32>
      %reshape3A_1162 = vector.shape_cast %xor3A_1161 : vector<16xi32> to vector<16x1xi32>
      %gather3A_1163 = vector.shape_cast %reshape3A_1162 : vector<16x1xi32> to vector<16xi32>
      %gather3A_1164 = tpu.dynamic_gather %add3A_1158[%gather3A_1163] in [0] : vector<16xf32>, vector<16xi32> -> vector<16xf32>
      %add3A_1165 = arith.addf %add3A_1158, %gather3A_1164 : vector<16xf32>
      %xor3A_1166 = arith.constant 1 : i32
      %xor3A_1167 = vector.broadcast %xor3A_1166 : i32 to vector<16xi32>
      %xor3A_1168 = arith.xori %iota3A_722, %xor3A_1167 : vector<16xi32>
      %reshape3A_1169 = vector.shape_cast %xor3A_1168 : vector<16xi32> to vector<16x1xi32>
      %gather3A_1170 = vector.shape_cast %reshape3A_1169 : vector<16x1xi32> to vector<16xi32>
      %gather3A_1171 = tpu.dynamic_gather %add3A_1165[%gather3A_1170] in [0] : vector<16xf32>, vector<16xi32> -> vector<16xf32>
      %add3A_1172 = arith.addf %add3A_1165, %gather3A_1171 : vector<16xf32>
      %mul3A_1173 = arith.constant 16 : i32
      %mul3A_1174 = arith.muli %select_n3A_1003, %mul3A_1173 : i32
      %add3A_1175 = arith.constant 192 : i32
      %add3A_1176 = arith.addi %add3A_1175, %mul3A_1174 : i32
      %get3A_1177 = arith.index_cast %add3A_1176 : i32 to index
      %get3A_1178 = tpu.vector_load %arg10[%get3A_1177] {strides = array<i32>} : memref<320xf32, #tpu.memory_space<vmem>>, vector<16xf32>,
      %get3A_1179 = vector.shape_cast %get3A_1178 : vector<16xf32> to vector<16xf32>
      %select_n3A_1180 = arith.select %eq3A_1021, %add3A_1172, %broadcast_in_dim3A_40 : vector<16xi1>, vector<16xf32>
      %add3A_1181 = arith.addf %get3A_1179, %select_n3A_1180 : vector<16xf32>
      %swap3A_1182 = arith.index_cast %add3A_1176 : i32 to index
      %swap3A_1183 = tpu.vector_load %arg10[%swap3A_1182] {strides = array<i32>} : memref<320xf32, #tpu.memory_space<vmem>>, vector<16xf32>,
      %swap3A_1184 = vector.shape_cast %swap3A_1183 : vector<16xf32> to vector<16xf32>
      %swap3A_1185 = vector.shape_cast %add3A_1181 : vector<16xf32> to vector<16xf32>
      tpu.vector_store %arg10[%swap3A_1182], %swap3A_1185 {strides = array<i32>} : memref<320xf32, #tpu.memory_space<vmem>>, vector<16xf32>,
      %xor3A_1186 = arith.constant 8 : i32
      %xor3A_1187 = vector.broadcast %xor3A_1186 : i32 to vector<16xi32>
      %xor3A_1188 = arith.xori %iota3A_722, %xor3A_1187 : vector<16xi32>
      %reshape3A_1189 = vector.shape_cast %xor3A_1188 : vector<16xi32> to vector<16x1xi32>
      %gather3A_1190 = vector.shape_cast %reshape3A_1189 : vector<16x1xi32> to vector<16xi32>
      %gather3A_1191 = tpu.dynamic_gather %scan3A_720#9[%gather3A_1190] in [0] : vector<16xf32>, vector<16xi32> -> vector<16xf32>
      %add3A_1192 = arith.addf %scan3A_720#9, %gather3A_1191 : vector<16xf32>
      %xor3A_1193 = arith.constant 4 : i32
      %xor3A_1194 = vector.broadcast %xor3A_1193 : i32 to vector<16xi32>
      %xor3A_1195 = arith.xori %iota3A_722, %xor3A_1194 : vector<16xi32>
      %reshape3A_1196 = vector.shape_cast %xor3A_1195 : vector<16xi32> to vector<16x1xi32>
      %gather3A_1197 = vector.shape_cast %reshape3A_1196 : vector<16x1xi32> to vector<16xi32>
      %gather3A_1198 = tpu.dynamic_gather %add3A_1192[%gather3A_1197] in [0] : vector<16xf32>, vector<16xi32> -> vector<16xf32>
      %add3A_1199 = arith.addf %add3A_1192, %gather3A_1198 : vector<16xf32>
      %xor3A_1200 = arith.constant 2 : i32
      %xor3A_1201 = vector.broadcast %xor3A_1200 : i32 to vector<16xi32>
      %xor3A_1202 = arith.xori %iota3A_722, %xor3A_1201 : vector<16xi32>
      %reshape3A_1203 = vector.shape_cast %xor3A_1202 : vector<16xi32> to vector<16x1xi32>
      %gather3A_1204 = vector.shape_cast %reshape3A_1203 : vector<16x1xi32> to vector<16xi32>
      %gather3A_1205 = tpu.dynamic_gather %add3A_1199[%gather3A_1204] in [0] : vector<16xf32>, vector<16xi32> -> vector<16xf32>
      %add3A_1206 = arith.addf %add3A_1199, %gather3A_1205 : vector<16xf32>
      %xor3A_1207 = arith.constant 1 : i32
      %xor3A_1208 = vector.broadcast %xor3A_1207 : i32 to vector<16xi32>
      %xor3A_1209 = arith.xori %iota3A_722, %xor3A_1208 : vector<16xi32>
      %reshape3A_1210 = vector.shape_cast %xor3A_1209 : vector<16xi32> to vector<16x1xi32>
      %gather3A_1211 = vector.shape_cast %reshape3A_1210 : vector<16x1xi32> to vector<16xi32>
      %gather3A_1212 = tpu.dynamic_gather %add3A_1206[%gather3A_1211] in [0] : vector<16xf32>, vector<16xi32> -> vector<16xf32>
      %add3A_1213 = arith.addf %add3A_1206, %gather3A_1212 : vector<16xf32>
      %mul3A_1214 = arith.constant 16 : i32
      %mul3A_1215 = arith.muli %select_n3A_1003, %mul3A_1214 : i32
      %add3A_1216 = arith.constant 256 : i32
      %add3A_1217 = arith.addi %add3A_1216, %mul3A_1215 : i32
      %get3A_1218 = arith.index_cast %add3A_1217 : i32 to index
      %get3A_1219 = tpu.vector_load %arg10[%get3A_1218] {strides = array<i32>} : memref<320xf32, #tpu.memory_space<vmem>>, vector<16xf32>,
      %get3A_1220 = vector.shape_cast %get3A_1219 : vector<16xf32> to vector<16xf32>
      %select_n3A_1221 = arith.select %eq3A_1021, %add3A_1213, %broadcast_in_dim3A_40 : vector<16xi1>, vector<16xf32>
      %add3A_1222 = arith.addf %get3A_1220, %select_n3A_1221 : vector<16xf32>
      %swap3A_1223 = arith.index_cast %add3A_1217 : i32 to index
      %swap3A_1224 = tpu.vector_load %arg10[%swap3A_1223] {strides = array<i32>} : memref<320xf32, #tpu.memory_space<vmem>>, vector<16xf32>,
      %swap3A_1225 = vector.shape_cast %swap3A_1224 : vector<16xf32> to vector<16xf32>
      %swap3A_1226 = vector.shape_cast %add3A_1222 : vector<16xf32> to vector<16xf32>
      tpu.vector_store %arg10[%swap3A_1223], %swap3A_1226 {strides = array<i32>} : memref<320xf32, #tpu.memory_space<vmem>>, vector<16xf32>,
      %lt3A_1227 = arith.constant 15 : i32
      %lt3A_1228 = arith.cmpi slt, %scan3A_184, %lt3A_1227 : i32
      %convert_element_type3A_1229 = arith.extui %lt3A_1228 : i1 to i32
      %cond3A_1230 = arith.constant 0 : i32
      %cond3A_1231 = arith.cmpi ne, %convert_element_type3A_1229, %cond3A_1230 : i32
      scf.if %cond3A_1231 {
        %mul3A_1232 = arith.constant 4 : i32
        %mul3A_1233 = arith.muli %mul3A_1232, %scan3A_184 : i32
        %add3A_1234 = arith.constant 6 : i32
        %add3A_1235 = arith.addi %mul3A_1233, %add3A_1234 : i32
        %add3A_1236 = arith.addi %add3A_35, %add3A_1235 : i32
        %mul3A_1237 = arith.constant 16384 : i32
        %mul3A_1238 = arith.muli %add3A_1236, %mul3A_1237 : i32
        %dma_start3A_1239 = tpu.memref_slice %arg2[%mul3A_1238] : memref<33554432xf32, #tpu.memory_space<hbm>> -> memref<16384xf32, #tpu.memory_space<hbm>>
        %dma_start3A_1240 = tpu.memref_slice %arg2[%mul3A_1238] : memref<33554432xf32, #tpu.memory_space<hbm>> -> memref<16384xf32, #tpu.memory_space<hbm>>
        tpu.enqueue_dma source(%dma_start3A_1240 : memref<16384xf32, #tpu.memory_space<hbm>>) target(%arg8 : memref<16384xf32, #tpu.memory_space<vmem>>) target_semaphore(%arg13 : memref<!tpu.dma_semaphore, #tpu.memory_space<semaphore_mem>>)
        %mul3A_1241 = arith.constant 4 : i32
        %mul3A_1242 = arith.muli %mul3A_1241, %scan3A_184 : i32
        %add3A_1243 = arith.constant 7 : i32
        %add3A_1244 = arith.addi %mul3A_1242, %add3A_1243 : i32
        %add3A_1245 = arith.addi %add3A_35, %add3A_1244 : i32
        %mul3A_1246 = arith.constant 16384 : i32
        %mul3A_1247 = arith.muli %add3A_1245, %mul3A_1246 : i32
        %dma_start3A_1248 = tpu.memref_slice %arg2[%mul3A_1247] : memref<33554432xf32, #tpu.memory_space<hbm>> -> memref<16384xf32, #tpu.memory_space<hbm>>
        %dma_start3A_1249 = tpu.memref_slice %arg2[%mul3A_1247] : memref<33554432xf32, #tpu.memory_space<hbm>> -> memref<16384xf32, #tpu.memory_space<hbm>>
        tpu.enqueue_dma source(%dma_start3A_1249 : memref<16384xf32, #tpu.memory_space<hbm>>) target(%arg9 : memref<16384xf32, #tpu.memory_space<vmem>>) target_semaphore(%arg14 : memref<!tpu.dma_semaphore, #tpu.memory_space<semaphore_mem>>)
      } else {
      }
    }
    %scan3A_148 = arith.constant 16 : i32
    %mul3A_149 = arith.constant 5 : i32
    %mul3A_150 = arith.muli %select_n3A, %mul3A_149 : i32
    %add3A_151 = arith.constant 0 : i32
    %add3A_152 = arith.addi %mul3A_150, %add3A_151 : i32
    %mul3A_153 = arith.constant 256 : i32
    %mul3A_154 = arith.muli %add3A_152, %mul3A_153 : i32
    %add3A_155 = arith.addi %mul3A_154, %mul3A_32 : i32
    "tpu.region"() ({
      %run_scoped3A = tpu.sem_alloc : memref<!tpu.dma_semaphore, #tpu.memory_space<semaphore_mem>>
      %dma_start3A_184 = arith.constant 0 : i32
      %dma_start3A_185 = tpu.memref_slice %arg10[%dma_start3A_184] : memref<320xf32, #tpu.memory_space<vmem>> -> memref<64xf32, #tpu.memory_space<vmem>>
      %dma_start3A_186 = tpu.memref_slice %arg4[%add3A_155] : memref<10240xf32, #tpu.memory_space<hbm>> -> memref<64xf32, #tpu.memory_space<hbm>>
      %dma_start3A_187 = tpu.memref_slice %arg4[%add3A_155] : memref<10240xf32, #tpu.memory_space<hbm>> -> memref<64xf32, #tpu.memory_space<hbm>>
      %dma_start3A_188 = arith.constant 0 : i32
      %dma_start3A_189 = tpu.memref_slice %arg10[%dma_start3A_188] : memref<320xf32, #tpu.memory_space<vmem>> -> memref<64xf32, #tpu.memory_space<vmem>>
      tpu.enqueue_dma source(%dma_start3A_189 : memref<64xf32, #tpu.memory_space<vmem>>) target(%dma_start3A_187 : memref<64xf32, #tpu.memory_space<hbm>>) target_semaphore(%run_scoped3A : memref<!tpu.dma_semaphore, #tpu.memory_space<semaphore_mem>>)
      %dma_wait3A_190 = arith.constant 0 : i32
      %dma_wait3A_191 = tpu.memref_slice %arg10[%dma_wait3A_190] : memref<320xf32, #tpu.memory_space<vmem>> -> memref<64xf32, #tpu.memory_space<vmem>>
      %dma_wait3A_192 = tpu.memref_slice %arg4[%add3A_155] : memref<10240xf32, #tpu.memory_space<hbm>> -> memref<64xf32, #tpu.memory_space<hbm>>
      %dma_wait3A_193 = tpu.memref_slice %arg4[%add3A_155] : memref<10240xf32, #tpu.memory_space<hbm>> -> memref<64xf32, #tpu.memory_space<hbm>>
      %dma_wait3A_194 = arith.constant 0 : i32
      %dma_wait3A_195 = tpu.memref_slice %arg10[%dma_wait3A_194] : memref<320xf32, #tpu.memory_space<vmem>> -> memref<64xf32, #tpu.memory_space<vmem>>
      tpu.wait_dma2 semaphore(%run_scoped3A : memref<!tpu.dma_semaphore, #tpu.memory_space<semaphore_mem>>) src(%dma_wait3A_195 : memref<64xf32, #tpu.memory_space<vmem>>) dst(%dma_wait3A_193 : memref<64xf32, #tpu.memory_space<hbm>>)
      tpu.yield
    }) : () -> ()
    %mul3A_156 = arith.constant 5 : i32
    %mul3A_157 = arith.muli %select_n3A, %mul3A_156 : i32
    %add3A_158 = arith.constant 1 : i32
    %add3A_159 = arith.addi %mul3A_157, %add3A_158 : i32
    %mul3A_160 = arith.constant 256 : i32
    %mul3A_161 = arith.muli %add3A_159, %mul3A_160 : i32
    %add3A_162 = arith.addi %mul3A_161, %mul3A_32 : i32
    "tpu.region"() ({
      %run_scoped3A = tpu.sem_alloc : memref<!tpu.dma_semaphore, #tpu.memory_space<semaphore_mem>>
      %dma_start3A_184 = arith.constant 64 : i32
      %dma_start3A_185 = tpu.memref_slice %arg10[%dma_start3A_184] : memref<320xf32, #tpu.memory_space<vmem>> -> memref<64xf32, #tpu.memory_space<vmem>>
      %dma_start3A_186 = tpu.memref_slice %arg4[%add3A_162] : memref<10240xf32, #tpu.memory_space<hbm>> -> memref<64xf32, #tpu.memory_space<hbm>>
      %dma_start3A_187 = tpu.memref_slice %arg4[%add3A_162] : memref<10240xf32, #tpu.memory_space<hbm>> -> memref<64xf32, #tpu.memory_space<hbm>>
      %dma_start3A_188 = arith.constant 64 : i32
      %dma_start3A_189 = tpu.memref_slice %arg10[%dma_start3A_188] : memref<320xf32, #tpu.memory_space<vmem>> -> memref<64xf32, #tpu.memory_space<vmem>>
      tpu.enqueue_dma source(%dma_start3A_189 : memref<64xf32, #tpu.memory_space<vmem>>) target(%dma_start3A_187 : memref<64xf32, #tpu.memory_space<hbm>>) target_semaphore(%run_scoped3A : memref<!tpu.dma_semaphore, #tpu.memory_space<semaphore_mem>>)
      %dma_wait3A_190 = arith.constant 64 : i32
      %dma_wait3A_191 = tpu.memref_slice %arg10[%dma_wait3A_190] : memref<320xf32, #tpu.memory_space<vmem>> -> memref<64xf32, #tpu.memory_space<vmem>>
      %dma_wait3A_192 = tpu.memref_slice %arg4[%add3A_162] : memref<10240xf32, #tpu.memory_space<hbm>> -> memref<64xf32, #tpu.memory_space<hbm>>
      %dma_wait3A_193 = tpu.memref_slice %arg4[%add3A_162] : memref<10240xf32, #tpu.memory_space<hbm>> -> memref<64xf32, #tpu.memory_space<hbm>>
      %dma_wait3A_194 = arith.constant 64 : i32
      %dma_wait3A_195 = tpu.memref_slice %arg10[%dma_wait3A_194] : memref<320xf32, #tpu.memory_space<vmem>> -> memref<64xf32, #tpu.memory_space<vmem>>
      tpu.wait_dma2 semaphore(%run_scoped3A : memref<!tpu.dma_semaphore, #tpu.memory_space<semaphore_mem>>) src(%dma_wait3A_195 : memref<64xf32, #tpu.memory_space<vmem>>) dst(%dma_wait3A_193 : memref<64xf32, #tpu.memory_space<hbm>>)
      tpu.yield
    }) : () -> ()
    %mul3A_163 = arith.constant 5 : i32
    %mul3A_164 = arith.muli %select_n3A, %mul3A_163 : i32
    %add3A_165 = arith.constant 2 : i32
    %add3A_166 = arith.addi %mul3A_164, %add3A_165 : i32
    %mul3A_167 = arith.constant 256 : i32
    %mul3A_168 = arith.muli %add3A_166, %mul3A_167 : i32
    %add3A_169 = arith.addi %mul3A_168, %mul3A_32 : i32
    "tpu.region"() ({
      %run_scoped3A = tpu.sem_alloc : memref<!tpu.dma_semaphore, #tpu.memory_space<semaphore_mem>>
      %dma_start3A_184 = arith.constant 128 : i32
      %dma_start3A_185 = tpu.memref_slice %arg10[%dma_start3A_184] : memref<320xf32, #tpu.memory_space<vmem>> -> memref<64xf32, #tpu.memory_space<vmem>>
      %dma_start3A_186 = tpu.memref_slice %arg4[%add3A_169] : memref<10240xf32, #tpu.memory_space<hbm>> -> memref<64xf32, #tpu.memory_space<hbm>>
      %dma_start3A_187 = tpu.memref_slice %arg4[%add3A_169] : memref<10240xf32, #tpu.memory_space<hbm>> -> memref<64xf32, #tpu.memory_space<hbm>>
      %dma_start3A_188 = arith.constant 128 : i32
      %dma_start3A_189 = tpu.memref_slice %arg10[%dma_start3A_188] : memref<320xf32, #tpu.memory_space<vmem>> -> memref<64xf32, #tpu.memory_space<vmem>>
      tpu.enqueue_dma source(%dma_start3A_189 : memref<64xf32, #tpu.memory_space<vmem>>) target(%dma_start3A_187 : memref<64xf32, #tpu.memory_space<hbm>>) target_semaphore(%run_scoped3A : memref<!tpu.dma_semaphore, #tpu.memory_space<semaphore_mem>>)
      %dma_wait3A_190 = arith.constant 128 : i32
      %dma_wait3A_191 = tpu.memref_slice %arg10[%dma_wait3A_190] : memref<320xf32, #tpu.memory_space<vmem>> -> memref<64xf32, #tpu.memory_space<vmem>>
      %dma_wait3A_192 = tpu.memref_slice %arg4[%add3A_169] : memref<10240xf32, #tpu.memory_space<hbm>> -> memref<64xf32, #tpu.memory_space<hbm>>
      %dma_wait3A_193 = tpu.memref_slice %arg4[%add3A_169] : memref<10240xf32, #tpu.memory_space<hbm>> -> memref<64xf32, #tpu.memory_space<hbm>>
      %dma_wait3A_194 = arith.constant 128 : i32
      %dma_wait3A_195 = tpu.memref_slice %arg10[%dma_wait3A_194] : memref<320xf32, #tpu.memory_space<vmem>> -> memref<64xf32, #tpu.memory_space<vmem>>
      tpu.wait_dma2 semaphore(%run_scoped3A : memref<!tpu.dma_semaphore, #tpu.memory_space<semaphore_mem>>) src(%dma_wait3A_195 : memref<64xf32, #tpu.memory_space<vmem>>) dst(%dma_wait3A_193 : memref<64xf32, #tpu.memory_space<hbm>>)
      tpu.yield
    }) : () -> ()
    %mul3A_170 = arith.constant 5 : i32
    %mul3A_171 = arith.muli %select_n3A, %mul3A_170 : i32
    %add3A_172 = arith.constant 3 : i32
    %add3A_173 = arith.addi %mul3A_171, %add3A_172 : i32
    %mul3A_174 = arith.constant 256 : i32
    %mul3A_175 = arith.muli %add3A_173, %mul3A_174 : i32
    %add3A_176 = arith.addi %mul3A_175, %mul3A_32 : i32
    "tpu.region"() ({
      %run_scoped3A = tpu.sem_alloc : memref<!tpu.dma_semaphore, #tpu.memory_space<semaphore_mem>>
      %dma_start3A_184 = arith.constant 192 : i32
      %dma_start3A_185 = tpu.memref_slice %arg10[%dma_start3A_184] : memref<320xf32, #tpu.memory_space<vmem>> -> memref<64xf32, #tpu.memory_space<vmem>>
      %dma_start3A_186 = tpu.memref_slice %arg4[%add3A_176] : memref<10240xf32, #tpu.memory_space<hbm>> -> memref<64xf32, #tpu.memory_space<hbm>>
      %dma_start3A_187 = tpu.memref_slice %arg4[%add3A_176] : memref<10240xf32, #tpu.memory_space<hbm>> -> memref<64xf32, #tpu.memory_space<hbm>>
      %dma_start3A_188 = arith.constant 192 : i32
      %dma_start3A_189 = tpu.memref_slice %arg10[%dma_start3A_188] : memref<320xf32, #tpu.memory_space<vmem>> -> memref<64xf32, #tpu.memory_space<vmem>>
      tpu.enqueue_dma source(%dma_start3A_189 : memref<64xf32, #tpu.memory_space<vmem>>) target(%dma_start3A_187 : memref<64xf32, #tpu.memory_space<hbm>>) target_semaphore(%run_scoped3A : memref<!tpu.dma_semaphore, #tpu.memory_space<semaphore_mem>>)
      %dma_wait3A_190 = arith.constant 192 : i32
      %dma_wait3A_191 = tpu.memref_slice %arg10[%dma_wait3A_190] : memref<320xf32, #tpu.memory_space<vmem>> -> memref<64xf32, #tpu.memory_space<vmem>>
      %dma_wait3A_192 = tpu.memref_slice %arg4[%add3A_176] : memref<10240xf32, #tpu.memory_space<hbm>> -> memref<64xf32, #tpu.memory_space<hbm>>
      %dma_wait3A_193 = tpu.memref_slice %arg4[%add3A_176] : memref<10240xf32, #tpu.memory_space<hbm>> -> memref<64xf32, #tpu.memory_space<hbm>>
      %dma_wait3A_194 = arith.constant 192 : i32
      %dma_wait3A_195 = tpu.memref_slice %arg10[%dma_wait3A_194] : memref<320xf32, #tpu.memory_space<vmem>> -> memref<64xf32, #tpu.memory_space<vmem>>
      tpu.wait_dma2 semaphore(%run_scoped3A : memref<!tpu.dma_semaphore, #tpu.memory_space<semaphore_mem>>) src(%dma_wait3A_195 : memref<64xf32, #tpu.memory_space<vmem>>) dst(%dma_wait3A_193 : memref<64xf32, #tpu.memory_space<hbm>>)
      tpu.yield
    }) : () -> ()
    %mul3A_177 = arith.constant 5 : i32
    %mul3A_178 = arith.muli %select_n3A, %mul3A_177 : i32
    %add3A_179 = arith.constant 4 : i32
    %add3A_180 = arith.addi %mul3A_178, %add3A_179 : i32
    %mul3A_181 = arith.constant 256 : i32
    %mul3A_182 = arith.muli %add3A_180, %mul3A_181 : i32
    %add3A_183 = arith.addi %mul3A_182, %mul3A_32 : i32
    "tpu.region"() ({
      %run_scoped3A = tpu.sem_alloc : memref<!tpu.dma_semaphore, #tpu.memory_space<semaphore_mem>>
      %dma_start3A_184 = arith.constant 256 : i32
      %dma_start3A_185 = tpu.memref_slice %arg10[%dma_start3A_184] : memref<320xf32, #tpu.memory_space<vmem>> -> memref<64xf32, #tpu.memory_space<vmem>>
      %dma_start3A_186 = tpu.memref_slice %arg4[%add3A_183] : memref<10240xf32, #tpu.memory_space<hbm>> -> memref<64xf32, #tpu.memory_space<hbm>>
      %dma_start3A_187 = tpu.memref_slice %arg4[%add3A_183] : memref<10240xf32, #tpu.memory_space<hbm>> -> memref<64xf32, #tpu.memory_space<hbm>>
      %dma_start3A_188 = arith.constant 256 : i32
      %dma_start3A_189 = tpu.memref_slice %arg10[%dma_start3A_188] : memref<320xf32, #tpu.memory_space<vmem>> -> memref<64xf32, #tpu.memory_space<vmem>>
      tpu.enqueue_dma source(%dma_start3A_189 : memref<64xf32, #tpu.memory_space<vmem>>) target(%dma_start3A_187 : memref<64xf32, #tpu.memory_space<hbm>>) target_semaphore(%run_scoped3A : memref<!tpu.dma_semaphore, #tpu.memory_space<semaphore_mem>>)
      %dma_wait3A_190 = arith.constant 256 : i32
      %dma_wait3A_191 = tpu.memref_slice %arg10[%dma_wait3A_190] : memref<320xf32, #tpu.memory_space<vmem>> -> memref<64xf32, #tpu.memory_space<vmem>>
      %dma_wait3A_192 = tpu.memref_slice %arg4[%add3A_183] : memref<10240xf32, #tpu.memory_space<hbm>> -> memref<64xf32, #tpu.memory_space<hbm>>
      %dma_wait3A_193 = tpu.memref_slice %arg4[%add3A_183] : memref<10240xf32, #tpu.memory_space<hbm>> -> memref<64xf32, #tpu.memory_space<hbm>>
      %dma_wait3A_194 = arith.constant 256 : i32
      %dma_wait3A_195 = tpu.memref_slice %arg10[%dma_wait3A_194] : memref<320xf32, #tpu.memory_space<vmem>> -> memref<64xf32, #tpu.memory_space<vmem>>
      tpu.wait_dma2 semaphore(%run_scoped3A : memref<!tpu.dma_semaphore, #tpu.memory_space<semaphore_mem>>) src(%dma_wait3A_195 : memref<64xf32, #tpu.memory_space<vmem>>) dst(%dma_wait3A_193 : memref<64xf32, #tpu.memory_space<hbm>>)
      tpu.yield
    }) : () -> ()
    return
  }
}

module attributes {stable_mosaic.version = 14 : i64} {
  func.func @_labels_body(%arg0: i32, %arg1: memref<1x1xi32, #tpu.memory_space<smem>>, %arg2: memref<1x5x16384xf32, #tpu.memory_space<vmem>>, %arg3: memref<1x1x16384xi32, #tpu.memory_space<vmem>>, %arg4: memref<1x1x16384xi32, #tpu.memory_space<vmem>>, %arg5: memref<1x1x8xf32, #tpu.memory_space<vmem>>) attributes {dimension_semantics = [#tpu.dimension_semantics<arbitrary>], iteration_bounds = array<i64: 8>, scalar_prefetch = 0 : i64, scratch_operands = 0 : i64, tpu.core_type = #tpu.core_type<tc>, window_params = [{transform_indices = @transform_0, window_bounds = array<i64: 1, 1>}, {transform_indices = @transform_1, window_bounds = array<i64: 1, 5, 16384>}, {transform_indices = @transform_2, window_bounds = array<i64: 1, 1, 16384>}, {transform_indices = @transform_3, window_bounds = array<i64: 1, 1, 16384>}, {transform_indices = @transform_4, window_bounds = array<i64: 1, 1, 8>}]} {
    %get3A = arith.constant 0 : index
    %get3A_0 = arith.constant 0 : index
    %get3A_1 = arith.constant 0 : index
    %get3A_2 = vector.load %arg2[%get3A, %get3A_0, %get3A_1] : memref<1x5x16384xf32, #tpu.memory_space<vmem>>, vector<1x5x16384xf32>
    %get3A_3 = vector.shape_cast %get3A_2 : vector<1x5x16384xf32> to vector<5x16384xf32>
    %get3A_4 = arith.constant 0 : index
    %get3A_5 = arith.constant 0 : index
    %get3A_6 = arith.constant 0 : index
    %get3A_7 = vector.load %arg3[%get3A_4, %get3A_5, %get3A_6] : memref<1x1x16384xi32, #tpu.memory_space<vmem>>, vector<1x1x16384xi32>
    %get3A_8 = vector.shape_cast %get3A_7 : vector<1x1x16384xi32> to vector<1x16384xi32>
    %slice3A = vector.extract_strided_slice %get3A_3 {offsets = [0, 0], sizes = [1, 16384], strides = [1, 1]} : vector<5x16384xf32> to vector<1x16384xf32>
    %broadcast_in_dim3A = arith.constant 0 : i32
    %broadcast_in_dim3A_9 = vector.broadcast %broadcast_in_dim3A : i32 to vector<1x16384xi32>
    %slice3A_10 = vector.extract_strided_slice %get3A_3 {offsets = [1, 0], sizes = [1, 16384], strides = [1, 1]} : vector<5x16384xf32> to vector<1x16384xf32>
    %gt3A = arith.cmpf ogt, %slice3A_10, %slice3A : vector<1x16384xf32>
    %select_n3A = arith.select %gt3A, %slice3A_10, %slice3A : vector<1x16384xi1>, vector<1x16384xf32>
    %broadcast_in_dim3A_11 = arith.constant 1 : i32
    %broadcast_in_dim3A_12 = vector.broadcast %broadcast_in_dim3A_11 : i32 to vector<1x16384xi32>
    %select_n3A_13 = arith.select %gt3A, %broadcast_in_dim3A_12, %broadcast_in_dim3A_9 : vector<1x16384xi1>, vector<1x16384xi32>
    %slice3A_14 = vector.extract_strided_slice %get3A_3 {offsets = [2, 0], sizes = [1, 16384], strides = [1, 1]} : vector<5x16384xf32> to vector<1x16384xf32>
    %gt3A_15 = arith.cmpf ogt, %slice3A_14, %select_n3A : vector<1x16384xf32>
    %select_n3A_16 = arith.select %gt3A_15, %slice3A_14, %select_n3A : vector<1x16384xi1>, vector<1x16384xf32>
    %broadcast_in_dim3A_17 = arith.constant 2 : i32
    %broadcast_in_dim3A_18 = vector.broadcast %broadcast_in_dim3A_17 : i32 to vector<1x16384xi32>
    %select_n3A_19 = arith.select %gt3A_15, %broadcast_in_dim3A_18, %select_n3A_13 : vector<1x16384xi1>, vector<1x16384xi32>
    %slice3A_20 = vector.extract_strided_slice %get3A_3 {offsets = [3, 0], sizes = [1, 16384], strides = [1, 1]} : vector<5x16384xf32> to vector<1x16384xf32>
    %gt3A_21 = arith.cmpf ogt, %slice3A_20, %select_n3A_16 : vector<1x16384xf32>
    %select_n3A_22 = arith.select %gt3A_21, %slice3A_20, %select_n3A_16 : vector<1x16384xi1>, vector<1x16384xf32>
    %broadcast_in_dim3A_23 = arith.constant 3 : i32
    %broadcast_in_dim3A_24 = vector.broadcast %broadcast_in_dim3A_23 : i32 to vector<1x16384xi32>
    %select_n3A_25 = arith.select %gt3A_21, %broadcast_in_dim3A_24, %select_n3A_19 : vector<1x16384xi1>, vector<1x16384xi32>
    %slice3A_26 = vector.extract_strided_slice %get3A_3 {offsets = [4, 0], sizes = [1, 16384], strides = [1, 1]} : vector<5x16384xf32> to vector<1x16384xf32>
    %gt3A_27 = arith.cmpf ogt, %slice3A_26, %select_n3A_22 : vector<1x16384xf32>
    %broadcast_in_dim3A_28 = arith.constant 4 : i32
    %broadcast_in_dim3A_29 = vector.broadcast %broadcast_in_dim3A_28 : i32 to vector<1x16384xi32>
    %select_n3A_30 = arith.select %gt3A_27, %broadcast_in_dim3A_29, %select_n3A_25 : vector<1x16384xi1>, vector<1x16384xi32>
    %get3A_31 = arith.constant 0 : index
    %get3A_32 = arith.constant 0 : index
    %get3A_33 = memref.load %arg1[%get3A_31, %get3A_32] : memref<1x1xi32, #tpu.memory_space<smem>>
    %lt3A = arith.cmpi slt, %arg0, %get3A_33 : i32
    %select_n3A_34 = arith.select %lt3A, %get3A_8, %select_n3A_30 : vector<1x16384xi32>
    %swap3A = arith.constant 0 : index
    %swap3A_35 = arith.constant 0 : index
    %swap3A_36 = arith.constant 0 : index
    %swap3A_37 = vector.load %arg4[%swap3A, %swap3A_35, %swap3A_36] : memref<1x1x16384xi32, #tpu.memory_space<vmem>>, vector<1x1x16384xi32>
    %swap3A_38 = vector.shape_cast %swap3A_37 : vector<1x1x16384xi32> to vector<1x16384xi32>
    %swap3A_39 = vector.shape_cast %select_n3A_34 : vector<1x16384xi32> to vector<1x1x16384xi32>
    tpu.vector_store %arg4[%swap3A, %swap3A_35, %swap3A_36], %swap3A_39 {strides = array<i32>} : memref<1x1x16384xi32, #tpu.memory_space<vmem>>, vector<1x1x16384xi32>,
    %iota3A = tpu.iota {dimensions = array<i32: 0>} : vector<8x16384xi32>
    %eq3A = vector.broadcast %select_n3A_34 : vector<1x16384xi32> to vector<8x16384xi32>
    %eq3A_40 = arith.cmpi eq, %iota3A, %eq3A : vector<8x16384xi32>
    %convert_element_type3A = arith.extui %eq3A_40 : vector<8x16384xi1> to vector<8x16384xi32>
    %convert_element_type3A_41 = arith.sitofp %convert_element_type3A : vector<8x16384xi32> to vector<8x16384xf32>
    %broadcast_in_dim3A_42 = arith.constant 1.000000e+00 : f32
    %broadcast_in_dim3A_43 = vector.broadcast %broadcast_in_dim3A_42 : f32 to vector<1x16384xf32>
    %dot_general3A = arith.constant dense<0.000000e+00> : vector<1x8xf32>
    %dot_general3A_44 = tpu.matmul %broadcast_in_dim3A_43, %convert_element_type3A_41, %dot_general3A {dimension_numbers = #tpu.dot_dimension_numbers<[1], [1], [0], [0], [0, 0, 1, 0], [], []>, transpose_lhs_hint = false} : vector<1x16384xf32>, vector<8x16384xf32>, vector<1x8xf32> -> vector<1x8xf32>
    %swap3A_45 = arith.constant 0 : index
    %swap3A_46 = arith.constant 0 : index
    %swap3A_47 = arith.constant 0 : index
    %swap3A_48 = vector.load %arg5[%swap3A_45, %swap3A_46, %swap3A_47] : memref<1x1x8xf32, #tpu.memory_space<vmem>>, vector<1x1x8xf32>
    %swap3A_49 = vector.shape_cast %swap3A_48 : vector<1x1x8xf32> to vector<1x8xf32>
    %swap3A_50 = vector.shape_cast %dot_general3A_44 : vector<1x8xf32> to vector<1x1x8xf32>
    tpu.vector_store %arg5[%swap3A_45, %swap3A_46, %swap3A_47], %swap3A_50 {strides = array<i32>} : memref<1x1x8xf32, #tpu.memory_space<vmem>>, vector<1x1x8xf32>,
    return
  }
  func.func @transform_0(%arg0: i32) -> (i32, i32) {
    %c0_i32 = arith.constant 0 : i32
    %c0_i32_0 = arith.constant 0 : i32
    %c0_i32_1 = arith.constant 0 : i32
    return %c0_i32, %c0_i32_0 : i32, i32
  }
  func.func @transform_1(%arg0: i32) -> (i32, i32, i32) {
    %c0_i32 = arith.constant 0 : i32
    %c0_i32_0 = arith.constant 0 : i32
    %c0_i32_1 = arith.constant 0 : i32
    return %arg0, %c0_i32, %c0_i32_0 : i32, i32, i32
  }
  func.func @transform_2(%arg0: i32) -> (i32, i32, i32) {
    %c0_i32 = arith.constant 0 : i32
    %c0_i32_0 = arith.constant 0 : i32
    %c0_i32_1 = arith.constant 0 : i32
    return %arg0, %c0_i32, %c0_i32_0 : i32, i32, i32
  }
  func.func @transform_3(%arg0: i32) -> (i32, i32, i32) {
    %c0_i32 = arith.constant 0 : i32
    %c0_i32_0 = arith.constant 0 : i32
    %c0_i32_1 = arith.constant 0 : i32
    return %arg0, %c0_i32, %c0_i32_0 : i32, i32, i32
  }
  func.func @transform_4(%arg0: i32) -> (i32, i32, i32) {
    %c0_i32 = arith.constant 0 : i32
    %c0_i32_0 = arith.constant 0 : i32
    %c0_i32_1 = arith.constant 0 : i32
    return %arg0, %c0_i32, %c0_i32_0 : i32, i32, i32
  }
}

module attributes {stable_mosaic.version = 14 : i64} {
  func.func @_loss_body(%arg0: memref<40x256xf32, #tpu.memory_space<vmem>>, %arg1: memref<40x1xf32, #tpu.memory_space<vmem>>, %arg2: memref<256x320xf32, #tpu.memory_space<vmem>>, %arg3: memref<1x1xf32, #tpu.memory_space<vmem>>) attributes {dimension_semantics = [], scalar_prefetch = 0 : i64, scratch_operands = 0 : i64, tpu.core_type = #tpu.core_type<tc>} {
    %get3A = arith.constant 0 : index
    %get3A_0 = arith.constant 0 : index
    %get3A_1 = vector.load %arg0[%get3A, %get3A_0] : memref<40x256xf32, #tpu.memory_space<vmem>>, vector<40x256xf32>
    %get3A_2 = arith.constant 0 : index
    %get3A_3 = arith.constant 0 : index
    %get3A_4 = vector.load %arg1[%get3A_2, %get3A_3] : memref<40x1xf32, #tpu.memory_space<vmem>>, vector<40x1xf32>
    %div3A = vector.broadcast %get3A_4 : vector<40x1xf32> to vector<40x256xf32>
    %div3A_5 = arith.divf %get3A_1, %div3A : vector<40x256xf32>
    %mul3A = arith.mulf %div3A_5, %div3A_5 : vector<40x256xf32>
    %reduce_sum3A = arith.constant dense<0.000000e+00> : vector<40xf32>
    %reduce_sum3A_6 = vector.multi_reduction <add>, %mul3A, %reduce_sum3A [1] : vector<40x256xf32> to vector<40xf32>
    %broadcast_in_dim3A = vector.shape_cast %reduce_sum3A_6 : vector<40xf32> to vector<40x1xf32>
    %sqrt3A = math.sqrt %broadcast_in_dim3A : vector<40x1xf32>
    %max3A = arith.constant 9.99999996E-13 : f32
    %max3A_7 = vector.broadcast %max3A : f32 to vector<40x1xf32>
    %max3A_8 = arith.maximumf %sqrt3A, %max3A_7 : vector<40x1xf32>
    %div3A_9 = vector.broadcast %max3A_8 : vector<40x1xf32> to vector<40x256xf32>
    %div3A_10 = arith.divf %div3A_5, %div3A_9 : vector<40x256xf32>
    %get3A_11 = arith.constant 0 : index
    %get3A_12 = arith.constant 0 : index
    %get3A_13 = vector.load %arg2[%get3A_11, %get3A_12] : memref<256x320xf32, #tpu.memory_space<vmem>>, vector<256x320xf32>
    %dot_general3A = arith.constant dense<0.000000e+00> : vector<40x320xf32>
    %dot_general3A_14 = tpu.matmul %div3A_10, %get3A_13, %dot_general3A {dimension_numbers = #tpu.dot_dimension_numbers<[1], [0], [0], [1], [0, 0, 1, 1], [], []>, transpose_lhs_hint = false} : vector<40x256xf32>, vector<256x320xf32>, vector<40x320xf32> -> vector<40x320xf32>
    %mul3A_15 = arith.constant 5.000000e+00 : f32
    %mul3A_16 = vector.broadcast %mul3A_15 : f32 to vector<40x320xf32>
    %mul3A_17 = arith.mulf %dot_general3A_14, %mul3A_16 : vector<40x320xf32>
    %exp3A = math.exp %mul3A_17 : vector<40x320xf32>
    %slice3A = vector.extract_strided_slice %mul3A_17 {offsets = [0, 0], sizes = [1, 320], strides = [1, 1]} : vector<40x320xf32> to vector<1x320xf32>
    %slice3A_18 = vector.extract_strided_slice %exp3A {offsets = [0, 0], sizes = [1, 320], strides = [1, 1]} : vector<40x320xf32> to vector<1x320xf32>
    %slice3A_19 = vector.extract_strided_slice %slice3A {offsets = [0, 64], sizes = [1, 64], strides = [1, 1]} : vector<1x320xf32> to vector<1x64xf32>
    %slice3A_20 = vector.extract_strided_slice %slice3A_18 {offsets = [0, 64], sizes = [1, 64], strides = [1, 1]} : vector<1x320xf32> to vector<1x64xf32>
    %reduce_sum3A_21 = vector.shape_cast %slice3A_18 : vector<1x320xf32> to vector<1x1x320xf32>
    %reduce_sum3A_22 = arith.constant dense<0.000000e+00> : vector<1xf32>
    %reduce_sum3A_23 = vector.multi_reduction <add>, %reduce_sum3A_21, %reduce_sum3A_22 [1, 2] : vector<1x1x320xf32> to vector<1xf32>
    %reduce_sum3A_24 = vector.shape_cast %reduce_sum3A_23 : vector<1xf32> to vector<1x1x1xf32>
    %reduce_sum3A_25 = vector.extract %reduce_sum3A_24[0, 0, 0] : f32 from vector<1x1x1xf32>
    %reduce_sum3A_26 = vector.shape_cast %slice3A_20 : vector<1x64xf32> to vector<1x1x64xf32>
    %reduce_sum3A_27 = arith.constant dense<0.000000e+00> : vector<1xf32>
    %reduce_sum3A_28 = vector.multi_reduction <add>, %reduce_sum3A_26, %reduce_sum3A_27 [1, 2] : vector<1x1x64xf32> to vector<1xf32>
    %reduce_sum3A_29 = vector.shape_cast %reduce_sum3A_28 : vector<1xf32> to vector<1x1x1xf32>
    %reduce_sum3A_30 = vector.extract %reduce_sum3A_29[0, 0, 0] : f32 from vector<1x1x1xf32>
    %sub3A = arith.subf %reduce_sum3A_25, %reduce_sum3A_30 : f32
    %add3A = vector.broadcast %sub3A : f32 to vector<1x64xf32>
    %add3A_31 = arith.addf %slice3A_20, %add3A : vector<1x64xf32>
    %log3A = math.log %add3A_31 : vector<1x64xf32>
    %sub3A_32 = arith.subf %slice3A_19, %log3A : vector<1x64xf32>
    %reduce_sum3A_33 = vector.shape_cast %sub3A_32 : vector<1x64xf32> to vector<1x1x64xf32>
    %reduce_sum3A_34 = arith.constant dense<0.000000e+00> : vector<1xf32>
    %reduce_sum3A_35 = vector.multi_reduction <add>, %reduce_sum3A_33, %reduce_sum3A_34 [1, 2] : vector<1x1x64xf32> to vector<1xf32>
    %reduce_sum3A_36 = vector.shape_cast %reduce_sum3A_35 : vector<1xf32> to vector<1x1x1xf32>
    %reduce_sum3A_37 = vector.extract %reduce_sum3A_36[0, 0, 0] : f32 from vector<1x1x1xf32>
    %div3A_38 = arith.constant 6.400000e+01 : f32
    %div3A_39 = arith.divf %reduce_sum3A_37, %div3A_38 : f32
    %neg3A = arith.constant 0.000000e+00 : f32
    %neg3A_40 = arith.subf %neg3A, %div3A_39 : f32
    %add3A_41 = arith.constant 0.000000e+00 : f32
    %add3A_42 = arith.addf %add3A_41, %neg3A_40 : f32
    %slice3A_43 = vector.extract_strided_slice %mul3A_17 {offsets = [1, 0], sizes = [1, 320], strides = [1, 1]} : vector<40x320xf32> to vector<1x320xf32>
    %slice3A_44 = vector.extract_strided_slice %exp3A {offsets = [1, 0], sizes = [1, 320], strides = [1, 1]} : vector<40x320xf32> to vector<1x320xf32>
    %slice3A_45 = vector.extract_strided_slice %slice3A_43 {offsets = [0, 128], sizes = [1, 64], strides = [1, 1]} : vector<1x320xf32> to vector<1x64xf32>
    %slice3A_46 = vector.extract_strided_slice %slice3A_44 {offsets = [0, 128], sizes = [1, 64], strides = [1, 1]} : vector<1x320xf32> to vector<1x64xf32>
    %reduce_sum3A_47 = vector.shape_cast %slice3A_44 : vector<1x320xf32> to vector<1x1x320xf32>
    %reduce_sum3A_48 = arith.constant dense<0.000000e+00> : vector<1xf32>
    %reduce_sum3A_49 = vector.multi_reduction <add>, %reduce_sum3A_47, %reduce_sum3A_48 [1, 2] : vector<1x1x320xf32> to vector<1xf32>
    %reduce_sum3A_50 = vector.shape_cast %reduce_sum3A_49 : vector<1xf32> to vector<1x1x1xf32>
    %reduce_sum3A_51 = vector.extract %reduce_sum3A_50[0, 0, 0] : f32 from vector<1x1x1xf32>
    %reduce_sum3A_52 = vector.shape_cast %slice3A_46 : vector<1x64xf32> to vector<1x1x64xf32>
    %reduce_sum3A_53 = arith.constant dense<0.000000e+00> : vector<1xf32>
    %reduce_sum3A_54 = vector.multi_reduction <add>, %reduce_sum3A_52, %reduce_sum3A_53 [1, 2] : vector<1x1x64xf32> to vector<1xf32>
    %reduce_sum3A_55 = vector.shape_cast %reduce_sum3A_54 : vector<1xf32> to vector<1x1x1xf32>
    %reduce_sum3A_56 = vector.extract %reduce_sum3A_55[0, 0, 0] : f32 from vector<1x1x1xf32>
    %sub3A_57 = arith.subf %reduce_sum3A_51, %reduce_sum3A_56 : f32
    %add3A_58 = vector.broadcast %sub3A_57 : f32 to vector<1x64xf32>
    %add3A_59 = arith.addf %slice3A_46, %add3A_58 : vector<1x64xf32>
    %log3A_60 = math.log %add3A_59 : vector<1x64xf32>
    %sub3A_61 = arith.subf %slice3A_45, %log3A_60 : vector<1x64xf32>
    %reduce_sum3A_62 = vector.shape_cast %sub3A_61 : vector<1x64xf32> to vector<1x1x64xf32>
    %reduce_sum3A_63 = arith.constant dense<0.000000e+00> : vector<1xf32>
    %reduce_sum3A_64 = vector.multi_reduction <add>, %reduce_sum3A_62, %reduce_sum3A_63 [1, 2] : vector<1x1x64xf32> to vector<1xf32>
    %reduce_sum3A_65 = vector.shape_cast %reduce_sum3A_64 : vector<1xf32> to vector<1x1x1xf32>
    %reduce_sum3A_66 = vector.extract %reduce_sum3A_65[0, 0, 0] : f32 from vector<1x1x1xf32>
    %div3A_67 = arith.constant 6.400000e+01 : f32
    %div3A_68 = arith.divf %reduce_sum3A_66, %div3A_67 : f32
    %neg3A_69 = arith.constant 0.000000e+00 : f32
    %neg3A_70 = arith.subf %neg3A_69, %div3A_68 : f32
    %add3A_71 = arith.addf %add3A_42, %neg3A_70 : f32
    %slice3A_72 = vector.extract_strided_slice %mul3A_17 {offsets = [2, 0], sizes = [1, 320], strides = [1, 1]} : vector<40x320xf32> to vector<1x320xf32>
    %slice3A_73 = vector.extract_strided_slice %exp3A {offsets = [2, 0], sizes = [1, 320], strides = [1, 1]} : vector<40x320xf32> to vector<1x320xf32>
    %slice3A_74 = vector.extract_strided_slice %slice3A_72 {offsets = [0, 192], sizes = [1, 64], strides = [1, 1]} : vector<1x320xf32> to vector<1x64xf32>
    %slice3A_75 = vector.extract_strided_slice %slice3A_73 {offsets = [0, 192], sizes = [1, 64], strides = [1, 1]} : vector<1x320xf32> to vector<1x64xf32>
    %reduce_sum3A_76 = vector.shape_cast %slice3A_73 : vector<1x320xf32> to vector<1x1x320xf32>
    %reduce_sum3A_77 = arith.constant dense<0.000000e+00> : vector<1xf32>
    %reduce_sum3A_78 = vector.multi_reduction <add>, %reduce_sum3A_76, %reduce_sum3A_77 [1, 2] : vector<1x1x320xf32> to vector<1xf32>
    %reduce_sum3A_79 = vector.shape_cast %reduce_sum3A_78 : vector<1xf32> to vector<1x1x1xf32>
    %reduce_sum3A_80 = vector.extract %reduce_sum3A_79[0, 0, 0] : f32 from vector<1x1x1xf32>
    %reduce_sum3A_81 = vector.shape_cast %slice3A_75 : vector<1x64xf32> to vector<1x1x64xf32>
    %reduce_sum3A_82 = arith.constant dense<0.000000e+00> : vector<1xf32>
    %reduce_sum3A_83 = vector.multi_reduction <add>, %reduce_sum3A_81, %reduce_sum3A_82 [1, 2] : vector<1x1x64xf32> to vector<1xf32>
    %reduce_sum3A_84 = vector.shape_cast %reduce_sum3A_83 : vector<1xf32> to vector<1x1x1xf32>
    %reduce_sum3A_85 = vector.extract %reduce_sum3A_84[0, 0, 0] : f32 from vector<1x1x1xf32>
    %sub3A_86 = arith.subf %reduce_sum3A_80, %reduce_sum3A_85 : f32
    %add3A_87 = vector.broadcast %sub3A_86 : f32 to vector<1x64xf32>
    %add3A_88 = arith.addf %slice3A_75, %add3A_87 : vector<1x64xf32>
    %log3A_89 = math.log %add3A_88 : vector<1x64xf32>
    %sub3A_90 = arith.subf %slice3A_74, %log3A_89 : vector<1x64xf32>
    %reduce_sum3A_91 = vector.shape_cast %sub3A_90 : vector<1x64xf32> to vector<1x1x64xf32>
    %reduce_sum3A_92 = arith.constant dense<0.000000e+00> : vector<1xf32>
    %reduce_sum3A_93 = vector.multi_reduction <add>, %reduce_sum3A_91, %reduce_sum3A_92 [1, 2] : vector<1x1x64xf32> to vector<1xf32>
    %reduce_sum3A_94 = vector.shape_cast %reduce_sum3A_93 : vector<1xf32> to vector<1x1x1xf32>
    %reduce_sum3A_95 = vector.extract %reduce_sum3A_94[0, 0, 0] : f32 from vector<1x1x1xf32>
    %div3A_96 = arith.constant 6.400000e+01 : f32
    %div3A_97 = arith.divf %reduce_sum3A_95, %div3A_96 : f32
    %neg3A_98 = arith.constant 0.000000e+00 : f32
    %neg3A_99 = arith.subf %neg3A_98, %div3A_97 : f32
    %add3A_100 = arith.addf %add3A_71, %neg3A_99 : f32
    %slice3A_101 = vector.extract_strided_slice %mul3A_17 {offsets = [3, 0], sizes = [1, 320], strides = [1, 1]} : vector<40x320xf32> to vector<1x320xf32>
    %slice3A_102 = vector.extract_strided_slice %exp3A {offsets = [3, 0], sizes = [1, 320], strides = [1, 1]} : vector<40x320xf32> to vector<1x320xf32>
    %slice3A_103 = vector.extract_strided_slice %slice3A_101 {offsets = [0, 256], sizes = [1, 64], strides = [1, 1]} : vector<1x320xf32> to vector<1x64xf32>
    %slice3A_104 = vector.extract_strided_slice %slice3A_102 {offsets = [0, 256], sizes = [1, 64], strides = [1, 1]} : vector<1x320xf32> to vector<1x64xf32>
    %reduce_sum3A_105 = vector.shape_cast %slice3A_102 : vector<1x320xf32> to vector<1x1x320xf32>
    %reduce_sum3A_106 = arith.constant dense<0.000000e+00> : vector<1xf32>
    %reduce_sum3A_107 = vector.multi_reduction <add>, %reduce_sum3A_105, %reduce_sum3A_106 [1, 2] : vector<1x1x320xf32> to vector<1xf32>
    %reduce_sum3A_108 = vector.shape_cast %reduce_sum3A_107 : vector<1xf32> to vector<1x1x1xf32>
    %reduce_sum3A_109 = vector.extract %reduce_sum3A_108[0, 0, 0] : f32 from vector<1x1x1xf32>
    %reduce_sum3A_110 = vector.shape_cast %slice3A_104 : vector<1x64xf32> to vector<1x1x64xf32>
    %reduce_sum3A_111 = arith.constant dense<0.000000e+00> : vector<1xf32>
    %reduce_sum3A_112 = vector.multi_reduction <add>, %reduce_sum3A_110, %reduce_sum3A_111 [1, 2] : vector<1x1x64xf32> to vector<1xf32>
    %reduce_sum3A_113 = vector.shape_cast %reduce_sum3A_112 : vector<1xf32> to vector<1x1x1xf32>
    %reduce_sum3A_114 = vector.extract %reduce_sum3A_113[0, 0, 0] : f32 from vector<1x1x1xf32>
    %sub3A_115 = arith.subf %reduce_sum3A_109, %reduce_sum3A_114 : f32
    %add3A_116 = vector.broadcast %sub3A_115 : f32 to vector<1x64xf32>
    %add3A_117 = arith.addf %slice3A_104, %add3A_116 : vector<1x64xf32>
    %log3A_118 = math.log %add3A_117 : vector<1x64xf32>
    %sub3A_119 = arith.subf %slice3A_103, %log3A_118 : vector<1x64xf32>
    %reduce_sum3A_120 = vector.shape_cast %sub3A_119 : vector<1x64xf32> to vector<1x1x64xf32>
    %reduce_sum3A_121 = arith.constant dense<0.000000e+00> : vector<1xf32>
    %reduce_sum3A_122 = vector.multi_reduction <add>, %reduce_sum3A_120, %reduce_sum3A_121 [1, 2] : vector<1x1x64xf32> to vector<1xf32>
    %reduce_sum3A_123 = vector.shape_cast %reduce_sum3A_122 : vector<1xf32> to vector<1x1x1xf32>
    %reduce_sum3A_124 = vector.extract %reduce_sum3A_123[0, 0, 0] : f32 from vector<1x1x1xf32>
    %div3A_125 = arith.constant 6.400000e+01 : f32
    %div3A_126 = arith.divf %reduce_sum3A_124, %div3A_125 : f32
    %neg3A_127 = arith.constant 0.000000e+00 : f32
    %neg3A_128 = arith.subf %neg3A_127, %div3A_126 : f32
    %add3A_129 = arith.addf %add3A_100, %neg3A_128 : f32
    %div3A_130 = arith.constant 4.000000e+00 : f32
    %div3A_131 = arith.divf %add3A_129, %div3A_130 : f32
    %add3A_132 = arith.constant 0.000000e+00 : f32
    %add3A_133 = arith.addf %add3A_132, %div3A_131 : f32
    %slice3A_134 = vector.extract_strided_slice %mul3A_17 {offsets = [5, 0], sizes = [1, 320], strides = [1, 1]} : vector<40x320xf32> to vector<1x320xf32>
    %slice3A_135 = vector.extract_strided_slice %exp3A {offsets = [5, 0], sizes = [1, 320], strides = [1, 1]} : vector<40x320xf32> to vector<1x320xf32>
    %slice3A_136 = vector.extract_strided_slice %slice3A_134 {offsets = [0, 64], sizes = [1, 64], strides = [1, 1]} : vector<1x320xf32> to vector<1x64xf32>
    %slice3A_137 = vector.extract_strided_slice %slice3A_135 {offsets = [0, 64], sizes = [1, 64], strides = [1, 1]} : vector<1x320xf32> to vector<1x64xf32>
    %reduce_sum3A_138 = vector.shape_cast %slice3A_135 : vector<1x320xf32> to vector<1x1x320xf32>
    %reduce_sum3A_139 = arith.constant dense<0.000000e+00> : vector<1xf32>
    %reduce_sum3A_140 = vector.multi_reduction <add>, %reduce_sum3A_138, %reduce_sum3A_139 [1, 2] : vector<1x1x320xf32> to vector<1xf32>
    %reduce_sum3A_141 = vector.shape_cast %reduce_sum3A_140 : vector<1xf32> to vector<1x1x1xf32>
    %reduce_sum3A_142 = vector.extract %reduce_sum3A_141[0, 0, 0] : f32 from vector<1x1x1xf32>
    %reduce_sum3A_143 = vector.shape_cast %slice3A_137 : vector<1x64xf32> to vector<1x1x64xf32>
    %reduce_sum3A_144 = arith.constant dense<0.000000e+00> : vector<1xf32>
    %reduce_sum3A_145 = vector.multi_reduction <add>, %reduce_sum3A_143, %reduce_sum3A_144 [1, 2] : vector<1x1x64xf32> to vector<1xf32>
    %reduce_sum3A_146 = vector.shape_cast %reduce_sum3A_145 : vector<1xf32> to vector<1x1x1xf32>
    %reduce_sum3A_147 = vector.extract %reduce_sum3A_146[0, 0, 0] : f32 from vector<1x1x1xf32>
    %sub3A_148 = arith.subf %reduce_sum3A_142, %reduce_sum3A_147 : f32
    %add3A_149 = vector.broadcast %sub3A_148 : f32 to vector<1x64xf32>
    %add3A_150 = arith.addf %slice3A_137, %add3A_149 : vector<1x64xf32>
    %log3A_151 = math.log %add3A_150 : vector<1x64xf32>
    %sub3A_152 = arith.subf %slice3A_136, %log3A_151 : vector<1x64xf32>
    %reduce_sum3A_153 = vector.shape_cast %sub3A_152 : vector<1x64xf32> to vector<1x1x64xf32>
    %reduce_sum3A_154 = arith.constant dense<0.000000e+00> : vector<1xf32>
    %reduce_sum3A_155 = vector.multi_reduction <add>, %reduce_sum3A_153, %reduce_sum3A_154 [1, 2] : vector<1x1x64xf32> to vector<1xf32>
    %reduce_sum3A_156 = vector.shape_cast %reduce_sum3A_155 : vector<1xf32> to vector<1x1x1xf32>
    %reduce_sum3A_157 = vector.extract %reduce_sum3A_156[0, 0, 0] : f32 from vector<1x1x1xf32>
    %div3A_158 = arith.constant 6.400000e+01 : f32
    %div3A_159 = arith.divf %reduce_sum3A_157, %div3A_158 : f32
    %neg3A_160 = arith.constant 0.000000e+00 : f32
    %neg3A_161 = arith.subf %neg3A_160, %div3A_159 : f32
    %add3A_162 = arith.constant 0.000000e+00 : f32
    %add3A_163 = arith.addf %add3A_162, %neg3A_161 : f32
    %slice3A_164 = vector.extract_strided_slice %mul3A_17 {offsets = [6, 0], sizes = [1, 320], strides = [1, 1]} : vector<40x320xf32> to vector<1x320xf32>
    %slice3A_165 = vector.extract_strided_slice %exp3A {offsets = [6, 0], sizes = [1, 320], strides = [1, 1]} : vector<40x320xf32> to vector<1x320xf32>
    %slice3A_166 = vector.extract_strided_slice %slice3A_164 {offsets = [0, 128], sizes = [1, 64], strides = [1, 1]} : vector<1x320xf32> to vector<1x64xf32>
    %slice3A_167 = vector.extract_strided_slice %slice3A_165 {offsets = [0, 128], sizes = [1, 64], strides = [1, 1]} : vector<1x320xf32> to vector<1x64xf32>
    %reduce_sum3A_168 = vector.shape_cast %slice3A_165 : vector<1x320xf32> to vector<1x1x320xf32>
    %reduce_sum3A_169 = arith.constant dense<0.000000e+00> : vector<1xf32>
    %reduce_sum3A_170 = vector.multi_reduction <add>, %reduce_sum3A_168, %reduce_sum3A_169 [1, 2] : vector<1x1x320xf32> to vector<1xf32>
    %reduce_sum3A_171 = vector.shape_cast %reduce_sum3A_170 : vector<1xf32> to vector<1x1x1xf32>
    %reduce_sum3A_172 = vector.extract %reduce_sum3A_171[0, 0, 0] : f32 from vector<1x1x1xf32>
    %reduce_sum3A_173 = vector.shape_cast %slice3A_167 : vector<1x64xf32> to vector<1x1x64xf32>
    %reduce_sum3A_174 = arith.constant dense<0.000000e+00> : vector<1xf32>
    %reduce_sum3A_175 = vector.multi_reduction <add>, %reduce_sum3A_173, %reduce_sum3A_174 [1, 2] : vector<1x1x64xf32> to vector<1xf32>
    %reduce_sum3A_176 = vector.shape_cast %reduce_sum3A_175 : vector<1xf32> to vector<1x1x1xf32>
    %reduce_sum3A_177 = vector.extract %reduce_sum3A_176[0, 0, 0] : f32 from vector<1x1x1xf32>
    %sub3A_178 = arith.subf %reduce_sum3A_172, %reduce_sum3A_177 : f32
    %add3A_179 = vector.broadcast %sub3A_178 : f32 to vector<1x64xf32>
    %add3A_180 = arith.addf %slice3A_167, %add3A_179 : vector<1x64xf32>
    %log3A_181 = math.log %add3A_180 : vector<1x64xf32>
    %sub3A_182 = arith.subf %slice3A_166, %log3A_181 : vector<1x64xf32>
    %reduce_sum3A_183 = vector.shape_cast %sub3A_182 : vector<1x64xf32> to vector<1x1x64xf32>
    %reduce_sum3A_184 = arith.constant dense<0.000000e+00> : vector<1xf32>
    %reduce_sum3A_185 = vector.multi_reduction <add>, %reduce_sum3A_183, %reduce_sum3A_184 [1, 2] : vector<1x1x64xf32> to vector<1xf32>
    %reduce_sum3A_186 = vector.shape_cast %reduce_sum3A_185 : vector<1xf32> to vector<1x1x1xf32>
    %reduce_sum3A_187 = vector.extract %reduce_sum3A_186[0, 0, 0] : f32 from vector<1x1x1xf32>
    %div3A_188 = arith.constant 6.400000e+01 : f32
    %div3A_189 = arith.divf %reduce_sum3A_187, %div3A_188 : f32
    %neg3A_190 = arith.constant 0.000000e+00 : f32
    %neg3A_191 = arith.subf %neg3A_190, %div3A_189 : f32
    %add3A_192 = arith.addf %add3A_163, %neg3A_191 : f32
    %slice3A_193 = vector.extract_strided_slice %mul3A_17 {offsets = [7, 0], sizes = [1, 320], strides = [1, 1]} : vector<40x320xf32> to vector<1x320xf32>
    %slice3A_194 = vector.extract_strided_slice %exp3A {offsets = [7, 0], sizes = [1, 320], strides = [1, 1]} : vector<40x320xf32> to vector<1x320xf32>
    %slice3A_195 = vector.extract_strided_slice %slice3A_193 {offsets = [0, 192], sizes = [1, 64], strides = [1, 1]} : vector<1x320xf32> to vector<1x64xf32>
    %slice3A_196 = vector.extract_strided_slice %slice3A_194 {offsets = [0, 192], sizes = [1, 64], strides = [1, 1]} : vector<1x320xf32> to vector<1x64xf32>
    %reduce_sum3A_197 = vector.shape_cast %slice3A_194 : vector<1x320xf32> to vector<1x1x320xf32>
    %reduce_sum3A_198 = arith.constant dense<0.000000e+00> : vector<1xf32>
    %reduce_sum3A_199 = vector.multi_reduction <add>, %reduce_sum3A_197, %reduce_sum3A_198 [1, 2] : vector<1x1x320xf32> to vector<1xf32>
    %reduce_sum3A_200 = vector.shape_cast %reduce_sum3A_199 : vector<1xf32> to vector<1x1x1xf32>
    %reduce_sum3A_201 = vector.extract %reduce_sum3A_200[0, 0, 0] : f32 from vector<1x1x1xf32>
    %reduce_sum3A_202 = vector.shape_cast %slice3A_196 : vector<1x64xf32> to vector<1x1x64xf32>
    %reduce_sum3A_203 = arith.constant dense<0.000000e+00> : vector<1xf32>
    %reduce_sum3A_204 = vector.multi_reduction <add>, %reduce_sum3A_202, %reduce_sum3A_203 [1, 2] : vector<1x1x64xf32> to vector<1xf32>
    %reduce_sum3A_205 = vector.shape_cast %reduce_sum3A_204 : vector<1xf32> to vector<1x1x1xf32>
    %reduce_sum3A_206 = vector.extract %reduce_sum3A_205[0, 0, 0] : f32 from vector<1x1x1xf32>
    %sub3A_207 = arith.subf %reduce_sum3A_201, %reduce_sum3A_206 : f32
    %add3A_208 = vector.broadcast %sub3A_207 : f32 to vector<1x64xf32>
    %add3A_209 = arith.addf %slice3A_196, %add3A_208 : vector<1x64xf32>
    %log3A_210 = math.log %add3A_209 : vector<1x64xf32>
    %sub3A_211 = arith.subf %slice3A_195, %log3A_210 : vector<1x64xf32>
    %reduce_sum3A_212 = vector.shape_cast %sub3A_211 : vector<1x64xf32> to vector<1x1x64xf32>
    %reduce_sum3A_213 = arith.constant dense<0.000000e+00> : vector<1xf32>
    %reduce_sum3A_214 = vector.multi_reduction <add>, %reduce_sum3A_212, %reduce_sum3A_213 [1, 2] : vector<1x1x64xf32> to vector<1xf32>
    %reduce_sum3A_215 = vector.shape_cast %reduce_sum3A_214 : vector<1xf32> to vector<1x1x1xf32>
    %reduce_sum3A_216 = vector.extract %reduce_sum3A_215[0, 0, 0] : f32 from vector<1x1x1xf32>
    %div3A_217 = arith.constant 6.400000e+01 : f32
    %div3A_218 = arith.divf %reduce_sum3A_216, %div3A_217 : f32
    %neg3A_219 = arith.constant 0.000000e+00 : f32
    %neg3A_220 = arith.subf %neg3A_219, %div3A_218 : f32
    %add3A_221 = arith.addf %add3A_192, %neg3A_220 : f32
    %slice3A_222 = vector.extract_strided_slice %mul3A_17 {offsets = [8, 0], sizes = [1, 320], strides = [1, 1]} : vector<40x320xf32> to vector<1x320xf32>
    %slice3A_223 = vector.extract_strided_slice %exp3A {offsets = [8, 0], sizes = [1, 320], strides = [1, 1]} : vector<40x320xf32> to vector<1x320xf32>
    %slice3A_224 = vector.extract_strided_slice %slice3A_222 {offsets = [0, 256], sizes = [1, 64], strides = [1, 1]} : vector<1x320xf32> to vector<1x64xf32>
    %slice3A_225 = vector.extract_strided_slice %slice3A_223 {offsets = [0, 256], sizes = [1, 64], strides = [1, 1]} : vector<1x320xf32> to vector<1x64xf32>
    %reduce_sum3A_226 = vector.shape_cast %slice3A_223 : vector<1x320xf32> to vector<1x1x320xf32>
    %reduce_sum3A_227 = arith.constant dense<0.000000e+00> : vector<1xf32>
    %reduce_sum3A_228 = vector.multi_reduction <add>, %reduce_sum3A_226, %reduce_sum3A_227 [1, 2] : vector<1x1x320xf32> to vector<1xf32>
    %reduce_sum3A_229 = vector.shape_cast %reduce_sum3A_228 : vector<1xf32> to vector<1x1x1xf32>
    %reduce_sum3A_230 = vector.extract %reduce_sum3A_229[0, 0, 0] : f32 from vector<1x1x1xf32>
    %reduce_sum3A_231 = vector.shape_cast %slice3A_225 : vector<1x64xf32> to vector<1x1x64xf32>
    %reduce_sum3A_232 = arith.constant dense<0.000000e+00> : vector<1xf32>
    %reduce_sum3A_233 = vector.multi_reduction <add>, %reduce_sum3A_231, %reduce_sum3A_232 [1, 2] : vector<1x1x64xf32> to vector<1xf32>
    %reduce_sum3A_234 = vector.shape_cast %reduce_sum3A_233 : vector<1xf32> to vector<1x1x1xf32>
    %reduce_sum3A_235 = vector.extract %reduce_sum3A_234[0, 0, 0] : f32 from vector<1x1x1xf32>
    %sub3A_236 = arith.subf %reduce_sum3A_230, %reduce_sum3A_235 : f32
    %add3A_237 = vector.broadcast %sub3A_236 : f32 to vector<1x64xf32>
    %add3A_238 = arith.addf %slice3A_225, %add3A_237 : vector<1x64xf32>
    %log3A_239 = math.log %add3A_238 : vector<1x64xf32>
    %sub3A_240 = arith.subf %slice3A_224, %log3A_239 : vector<1x64xf32>
    %reduce_sum3A_241 = vector.shape_cast %sub3A_240 : vector<1x64xf32> to vector<1x1x64xf32>
    %reduce_sum3A_242 = arith.constant dense<0.000000e+00> : vector<1xf32>
    %reduce_sum3A_243 = vector.multi_reduction <add>, %reduce_sum3A_241, %reduce_sum3A_242 [1, 2] : vector<1x1x64xf32> to vector<1xf32>
    %reduce_sum3A_244 = vector.shape_cast %reduce_sum3A_243 : vector<1xf32> to vector<1x1x1xf32>
    %reduce_sum3A_245 = vector.extract %reduce_sum3A_244[0, 0, 0] : f32 from vector<1x1x1xf32>
    %div3A_246 = arith.constant 6.400000e+01 : f32
    %div3A_247 = arith.divf %reduce_sum3A_245, %div3A_246 : f32
    %neg3A_248 = arith.constant 0.000000e+00 : f32
    %neg3A_249 = arith.subf %neg3A_248, %div3A_247 : f32
    %add3A_250 = arith.addf %add3A_221, %neg3A_249 : f32
    %div3A_251 = arith.constant 4.000000e+00 : f32
    %div3A_252 = arith.divf %add3A_250, %div3A_251 : f32
    %add3A_253 = arith.addf %add3A_133, %div3A_252 : f32
    %slice3A_254 = vector.extract_strided_slice %mul3A_17 {offsets = [10, 0], sizes = [1, 320], strides = [1, 1]} : vector<40x320xf32> to vector<1x320xf32>
    %slice3A_255 = vector.extract_strided_slice %exp3A {offsets = [10, 0], sizes = [1, 320], strides = [1, 1]} : vector<40x320xf32> to vector<1x320xf32>
    %slice3A_256 = vector.extract_strided_slice %slice3A_254 {offsets = [0, 64], sizes = [1, 64], strides = [1, 1]} : vector<1x320xf32> to vector<1x64xf32>
    %slice3A_257 = vector.extract_strided_slice %slice3A_255 {offsets = [0, 64], sizes = [1, 64], strides = [1, 1]} : vector<1x320xf32> to vector<1x64xf32>
    %reduce_sum3A_258 = vector.shape_cast %slice3A_255 : vector<1x320xf32> to vector<1x1x320xf32>
    %reduce_sum3A_259 = arith.constant dense<0.000000e+00> : vector<1xf32>
    %reduce_sum3A_260 = vector.multi_reduction <add>, %reduce_sum3A_258, %reduce_sum3A_259 [1, 2] : vector<1x1x320xf32> to vector<1xf32>
    %reduce_sum3A_261 = vector.shape_cast %reduce_sum3A_260 : vector<1xf32> to vector<1x1x1xf32>
    %reduce_sum3A_262 = vector.extract %reduce_sum3A_261[0, 0, 0] : f32 from vector<1x1x1xf32>
    %reduce_sum3A_263 = vector.shape_cast %slice3A_257 : vector<1x64xf32> to vector<1x1x64xf32>
    %reduce_sum3A_264 = arith.constant dense<0.000000e+00> : vector<1xf32>
    %reduce_sum3A_265 = vector.multi_reduction <add>, %reduce_sum3A_263, %reduce_sum3A_264 [1, 2] : vector<1x1x64xf32> to vector<1xf32>
    %reduce_sum3A_266 = vector.shape_cast %reduce_sum3A_265 : vector<1xf32> to vector<1x1x1xf32>
    %reduce_sum3A_267 = vector.extract %reduce_sum3A_266[0, 0, 0] : f32 from vector<1x1x1xf32>
    %sub3A_268 = arith.subf %reduce_sum3A_262, %reduce_sum3A_267 : f32
    %add3A_269 = vector.broadcast %sub3A_268 : f32 to vector<1x64xf32>
    %add3A_270 = arith.addf %slice3A_257, %add3A_269 : vector<1x64xf32>
    %log3A_271 = math.log %add3A_270 : vector<1x64xf32>
    %sub3A_272 = arith.subf %slice3A_256, %log3A_271 : vector<1x64xf32>
    %reduce_sum3A_273 = vector.shape_cast %sub3A_272 : vector<1x64xf32> to vector<1x1x64xf32>
    %reduce_sum3A_274 = arith.constant dense<0.000000e+00> : vector<1xf32>
    %reduce_sum3A_275 = vector.multi_reduction <add>, %reduce_sum3A_273, %reduce_sum3A_274 [1, 2] : vector<1x1x64xf32> to vector<1xf32>
    %reduce_sum3A_276 = vector.shape_cast %reduce_sum3A_275 : vector<1xf32> to vector<1x1x1xf32>
    %reduce_sum3A_277 = vector.extract %reduce_sum3A_276[0, 0, 0] : f32 from vector<1x1x1xf32>
    %div3A_278 = arith.constant 6.400000e+01 : f32
    %div3A_279 = arith.divf %reduce_sum3A_277, %div3A_278 : f32
    %neg3A_280 = arith.constant 0.000000e+00 : f32
    %neg3A_281 = arith.subf %neg3A_280, %div3A_279 : f32
    %add3A_282 = arith.constant 0.000000e+00 : f32
    %add3A_283 = arith.addf %add3A_282, %neg3A_281 : f32
    %slice3A_284 = vector.extract_strided_slice %mul3A_17 {offsets = [11, 0], sizes = [1, 320], strides = [1, 1]} : vector<40x320xf32> to vector<1x320xf32>
    %slice3A_285 = vector.extract_strided_slice %exp3A {offsets = [11, 0], sizes = [1, 320], strides = [1, 1]} : vector<40x320xf32> to vector<1x320xf32>
    %slice3A_286 = vector.extract_strided_slice %slice3A_284 {offsets = [0, 128], sizes = [1, 64], strides = [1, 1]} : vector<1x320xf32> to vector<1x64xf32>
    %slice3A_287 = vector.extract_strided_slice %slice3A_285 {offsets = [0, 128], sizes = [1, 64], strides = [1, 1]} : vector<1x320xf32> to vector<1x64xf32>
    %reduce_sum3A_288 = vector.shape_cast %slice3A_285 : vector<1x320xf32> to vector<1x1x320xf32>
    %reduce_sum3A_289 = arith.constant dense<0.000000e+00> : vector<1xf32>
    %reduce_sum3A_290 = vector.multi_reduction <add>, %reduce_sum3A_288, %reduce_sum3A_289 [1, 2] : vector<1x1x320xf32> to vector<1xf32>
    %reduce_sum3A_291 = vector.shape_cast %reduce_sum3A_290 : vector<1xf32> to vector<1x1x1xf32>
    %reduce_sum3A_292 = vector.extract %reduce_sum3A_291[0, 0, 0] : f32 from vector<1x1x1xf32>
    %reduce_sum3A_293 = vector.shape_cast %slice3A_287 : vector<1x64xf32> to vector<1x1x64xf32>
    %reduce_sum3A_294 = arith.constant dense<0.000000e+00> : vector<1xf32>
    %reduce_sum3A_295 = vector.multi_reduction <add>, %reduce_sum3A_293, %reduce_sum3A_294 [1, 2] : vector<1x1x64xf32> to vector<1xf32>
    %reduce_sum3A_296 = vector.shape_cast %reduce_sum3A_295 : vector<1xf32> to vector<1x1x1xf32>
    %reduce_sum3A_297 = vector.extract %reduce_sum3A_296[0, 0, 0] : f32 from vector<1x1x1xf32>
    %sub3A_298 = arith.subf %reduce_sum3A_292, %reduce_sum3A_297 : f32
    %add3A_299 = vector.broadcast %sub3A_298 : f32 to vector<1x64xf32>
    %add3A_300 = arith.addf %slice3A_287, %add3A_299 : vector<1x64xf32>
    %log3A_301 = math.log %add3A_300 : vector<1x64xf32>
    %sub3A_302 = arith.subf %slice3A_286, %log3A_301 : vector<1x64xf32>
    %reduce_sum3A_303 = vector.shape_cast %sub3A_302 : vector<1x64xf32> to vector<1x1x64xf32>
    %reduce_sum3A_304 = arith.constant dense<0.000000e+00> : vector<1xf32>
    %reduce_sum3A_305 = vector.multi_reduction <add>, %reduce_sum3A_303, %reduce_sum3A_304 [1, 2] : vector<1x1x64xf32> to vector<1xf32>
    %reduce_sum3A_306 = vector.shape_cast %reduce_sum3A_305 : vector<1xf32> to vector<1x1x1xf32>
    %reduce_sum3A_307 = vector.extract %reduce_sum3A_306[0, 0, 0] : f32 from vector<1x1x1xf32>
    %div3A_308 = arith.constant 6.400000e+01 : f32
    %div3A_309 = arith.divf %reduce_sum3A_307, %div3A_308 : f32
    %neg3A_310 = arith.constant 0.000000e+00 : f32
    %neg3A_311 = arith.subf %neg3A_310, %div3A_309 : f32
    %add3A_312 = arith.addf %add3A_283, %neg3A_311 : f32
    %slice3A_313 = vector.extract_strided_slice %mul3A_17 {offsets = [12, 0], sizes = [1, 320], strides = [1, 1]} : vector<40x320xf32> to vector<1x320xf32>
    %slice3A_314 = vector.extract_strided_slice %exp3A {offsets = [12, 0], sizes = [1, 320], strides = [1, 1]} : vector<40x320xf32> to vector<1x320xf32>
    %slice3A_315 = vector.extract_strided_slice %slice3A_313 {offsets = [0, 192], sizes = [1, 64], strides = [1, 1]} : vector<1x320xf32> to vector<1x64xf32>
    %slice3A_316 = vector.extract_strided_slice %slice3A_314 {offsets = [0, 192], sizes = [1, 64], strides = [1, 1]} : vector<1x320xf32> to vector<1x64xf32>
    %reduce_sum3A_317 = vector.shape_cast %slice3A_314 : vector<1x320xf32> to vector<1x1x320xf32>
    %reduce_sum3A_318 = arith.constant dense<0.000000e+00> : vector<1xf32>
    %reduce_sum3A_319 = vector.multi_reduction <add>, %reduce_sum3A_317, %reduce_sum3A_318 [1, 2] : vector<1x1x320xf32> to vector<1xf32>
    %reduce_sum3A_320 = vector.shape_cast %reduce_sum3A_319 : vector<1xf32> to vector<1x1x1xf32>
    %reduce_sum3A_321 = vector.extract %reduce_sum3A_320[0, 0, 0] : f32 from vector<1x1x1xf32>
    %reduce_sum3A_322 = vector.shape_cast %slice3A_316 : vector<1x64xf32> to vector<1x1x64xf32>
    %reduce_sum3A_323 = arith.constant dense<0.000000e+00> : vector<1xf32>
    %reduce_sum3A_324 = vector.multi_reduction <add>, %reduce_sum3A_322, %reduce_sum3A_323 [1, 2] : vector<1x1x64xf32> to vector<1xf32>
    %reduce_sum3A_325 = vector.shape_cast %reduce_sum3A_324 : vector<1xf32> to vector<1x1x1xf32>
    %reduce_sum3A_326 = vector.extract %reduce_sum3A_325[0, 0, 0] : f32 from vector<1x1x1xf32>
    %sub3A_327 = arith.subf %reduce_sum3A_321, %reduce_sum3A_326 : f32
    %add3A_328 = vector.broadcast %sub3A_327 : f32 to vector<1x64xf32>
    %add3A_329 = arith.addf %slice3A_316, %add3A_328 : vector<1x64xf32>
    %log3A_330 = math.log %add3A_329 : vector<1x64xf32>
    %sub3A_331 = arith.subf %slice3A_315, %log3A_330 : vector<1x64xf32>
    %reduce_sum3A_332 = vector.shape_cast %sub3A_331 : vector<1x64xf32> to vector<1x1x64xf32>
    %reduce_sum3A_333 = arith.constant dense<0.000000e+00> : vector<1xf32>
    %reduce_sum3A_334 = vector.multi_reduction <add>, %reduce_sum3A_332, %reduce_sum3A_333 [1, 2] : vector<1x1x64xf32> to vector<1xf32>
    %reduce_sum3A_335 = vector.shape_cast %reduce_sum3A_334 : vector<1xf32> to vector<1x1x1xf32>
    %reduce_sum3A_336 = vector.extract %reduce_sum3A_335[0, 0, 0] : f32 from vector<1x1x1xf32>
    %div3A_337 = arith.constant 6.400000e+01 : f32
    %div3A_338 = arith.divf %reduce_sum3A_336, %div3A_337 : f32
    %neg3A_339 = arith.constant 0.000000e+00 : f32
    %neg3A_340 = arith.subf %neg3A_339, %div3A_338 : f32
    %add3A_341 = arith.addf %add3A_312, %neg3A_340 : f32
    %slice3A_342 = vector.extract_strided_slice %mul3A_17 {offsets = [13, 0], sizes = [1, 320], strides = [1, 1]} : vector<40x320xf32> to vector<1x320xf32>
    %slice3A_343 = vector.extract_strided_slice %exp3A {offsets = [13, 0], sizes = [1, 320], strides = [1, 1]} : vector<40x320xf32> to vector<1x320xf32>
    %slice3A_344 = vector.extract_strided_slice %slice3A_342 {offsets = [0, 256], sizes = [1, 64], strides = [1, 1]} : vector<1x320xf32> to vector<1x64xf32>
    %slice3A_345 = vector.extract_strided_slice %slice3A_343 {offsets = [0, 256], sizes = [1, 64], strides = [1, 1]} : vector<1x320xf32> to vector<1x64xf32>
    %reduce_sum3A_346 = vector.shape_cast %slice3A_343 : vector<1x320xf32> to vector<1x1x320xf32>
    %reduce_sum3A_347 = arith.constant dense<0.000000e+00> : vector<1xf32>
    %reduce_sum3A_348 = vector.multi_reduction <add>, %reduce_sum3A_346, %reduce_sum3A_347 [1, 2] : vector<1x1x320xf32> to vector<1xf32>
    %reduce_sum3A_349 = vector.shape_cast %reduce_sum3A_348 : vector<1xf32> to vector<1x1x1xf32>
    %reduce_sum3A_350 = vector.extract %reduce_sum3A_349[0, 0, 0] : f32 from vector<1x1x1xf32>
    %reduce_sum3A_351 = vector.shape_cast %slice3A_345 : vector<1x64xf32> to vector<1x1x64xf32>
    %reduce_sum3A_352 = arith.constant dense<0.000000e+00> : vector<1xf32>
    %reduce_sum3A_353 = vector.multi_reduction <add>, %reduce_sum3A_351, %reduce_sum3A_352 [1, 2] : vector<1x1x64xf32> to vector<1xf32>
    %reduce_sum3A_354 = vector.shape_cast %reduce_sum3A_353 : vector<1xf32> to vector<1x1x1xf32>
    %reduce_sum3A_355 = vector.extract %reduce_sum3A_354[0, 0, 0] : f32 from vector<1x1x1xf32>
    %sub3A_356 = arith.subf %reduce_sum3A_350, %reduce_sum3A_355 : f32
    %add3A_357 = vector.broadcast %sub3A_356 : f32 to vector<1x64xf32>
    %add3A_358 = arith.addf %slice3A_345, %add3A_357 : vector<1x64xf32>
    %log3A_359 = math.log %add3A_358 : vector<1x64xf32>
    %sub3A_360 = arith.subf %slice3A_344, %log3A_359 : vector<1x64xf32>
    %reduce_sum3A_361 = vector.shape_cast %sub3A_360 : vector<1x64xf32> to vector<1x1x64xf32>
    %reduce_sum3A_362 = arith.constant dense<0.000000e+00> : vector<1xf32>
    %reduce_sum3A_363 = vector.multi_reduction <add>, %reduce_sum3A_361, %reduce_sum3A_362 [1, 2] : vector<1x1x64xf32> to vector<1xf32>
    %reduce_sum3A_364 = vector.shape_cast %reduce_sum3A_363 : vector<1xf32> to vector<1x1x1xf32>
    %reduce_sum3A_365 = vector.extract %reduce_sum3A_364[0, 0, 0] : f32 from vector<1x1x1xf32>
    %div3A_366 = arith.constant 6.400000e+01 : f32
    %div3A_367 = arith.divf %reduce_sum3A_365, %div3A_366 : f32
    %neg3A_368 = arith.constant 0.000000e+00 : f32
    %neg3A_369 = arith.subf %neg3A_368, %div3A_367 : f32
    %add3A_370 = arith.addf %add3A_341, %neg3A_369 : f32
    %div3A_371 = arith.constant 4.000000e+00 : f32
    %div3A_372 = arith.divf %add3A_370, %div3A_371 : f32
    %add3A_373 = arith.addf %add3A_253, %div3A_372 : f32
    %slice3A_374 = vector.extract_strided_slice %mul3A_17 {offsets = [15, 0], sizes = [1, 320], strides = [1, 1]} : vector<40x320xf32> to vector<1x320xf32>
    %slice3A_375 = vector.extract_strided_slice %exp3A {offsets = [15, 0], sizes = [1, 320], strides = [1, 1]} : vector<40x320xf32> to vector<1x320xf32>
    %slice3A_376 = vector.extract_strided_slice %slice3A_374 {offsets = [0, 64], sizes = [1, 64], strides = [1, 1]} : vector<1x320xf32> to vector<1x64xf32>
    %slice3A_377 = vector.extract_strided_slice %slice3A_375 {offsets = [0, 64], sizes = [1, 64], strides = [1, 1]} : vector<1x320xf32> to vector<1x64xf32>
    %reduce_sum3A_378 = vector.shape_cast %slice3A_375 : vector<1x320xf32> to vector<1x1x320xf32>
    %reduce_sum3A_379 = arith.constant dense<0.000000e+00> : vector<1xf32>
    %reduce_sum3A_380 = vector.multi_reduction <add>, %reduce_sum3A_378, %reduce_sum3A_379 [1, 2] : vector<1x1x320xf32> to vector<1xf32>
    %reduce_sum3A_381 = vector.shape_cast %reduce_sum3A_380 : vector<1xf32> to vector<1x1x1xf32>
    %reduce_sum3A_382 = vector.extract %reduce_sum3A_381[0, 0, 0] : f32 from vector<1x1x1xf32>
    %reduce_sum3A_383 = vector.shape_cast %slice3A_377 : vector<1x64xf32> to vector<1x1x64xf32>
    %reduce_sum3A_384 = arith.constant dense<0.000000e+00> : vector<1xf32>
    %reduce_sum3A_385 = vector.multi_reduction <add>, %reduce_sum3A_383, %reduce_sum3A_384 [1, 2] : vector<1x1x64xf32> to vector<1xf32>
    %reduce_sum3A_386 = vector.shape_cast %reduce_sum3A_385 : vector<1xf32> to vector<1x1x1xf32>
    %reduce_sum3A_387 = vector.extract %reduce_sum3A_386[0, 0, 0] : f32 from vector<1x1x1xf32>
    %sub3A_388 = arith.subf %reduce_sum3A_382, %reduce_sum3A_387 : f32
    %add3A_389 = vector.broadcast %sub3A_388 : f32 to vector<1x64xf32>
    %add3A_390 = arith.addf %slice3A_377, %add3A_389 : vector<1x64xf32>
    %log3A_391 = math.log %add3A_390 : vector<1x64xf32>
    %sub3A_392 = arith.subf %slice3A_376, %log3A_391 : vector<1x64xf32>
    %reduce_sum3A_393 = vector.shape_cast %sub3A_392 : vector<1x64xf32> to vector<1x1x64xf32>
    %reduce_sum3A_394 = arith.constant dense<0.000000e+00> : vector<1xf32>
    %reduce_sum3A_395 = vector.multi_reduction <add>, %reduce_sum3A_393, %reduce_sum3A_394 [1, 2] : vector<1x1x64xf32> to vector<1xf32>
    %reduce_sum3A_396 = vector.shape_cast %reduce_sum3A_395 : vector<1xf32> to vector<1x1x1xf32>
    %reduce_sum3A_397 = vector.extract %reduce_sum3A_396[0, 0, 0] : f32 from vector<1x1x1xf32>
    %div3A_398 = arith.constant 6.400000e+01 : f32
    %div3A_399 = arith.divf %reduce_sum3A_397, %div3A_398 : f32
    %neg3A_400 = arith.constant 0.000000e+00 : f32
    %neg3A_401 = arith.subf %neg3A_400, %div3A_399 : f32
    %add3A_402 = arith.constant 0.000000e+00 : f32
    %add3A_403 = arith.addf %add3A_402, %neg3A_401 : f32
    %slice3A_404 = vector.extract_strided_slice %mul3A_17 {offsets = [16, 0], sizes = [1, 320], strides = [1, 1]} : vector<40x320xf32> to vector<1x320xf32>
    %slice3A_405 = vector.extract_strided_slice %exp3A {offsets = [16, 0], sizes = [1, 320], strides = [1, 1]} : vector<40x320xf32> to vector<1x320xf32>
    %slice3A_406 = vector.extract_strided_slice %slice3A_404 {offsets = [0, 128], sizes = [1, 64], strides = [1, 1]} : vector<1x320xf32> to vector<1x64xf32>
    %slice3A_407 = vector.extract_strided_slice %slice3A_405 {offsets = [0, 128], sizes = [1, 64], strides = [1, 1]} : vector<1x320xf32> to vector<1x64xf32>
    %reduce_sum3A_408 = vector.shape_cast %slice3A_405 : vector<1x320xf32> to vector<1x1x320xf32>
    %reduce_sum3A_409 = arith.constant dense<0.000000e+00> : vector<1xf32>
    %reduce_sum3A_410 = vector.multi_reduction <add>, %reduce_sum3A_408, %reduce_sum3A_409 [1, 2] : vector<1x1x320xf32> to vector<1xf32>
    %reduce_sum3A_411 = vector.shape_cast %reduce_sum3A_410 : vector<1xf32> to vector<1x1x1xf32>
    %reduce_sum3A_412 = vector.extract %reduce_sum3A_411[0, 0, 0] : f32 from vector<1x1x1xf32>
    %reduce_sum3A_413 = vector.shape_cast %slice3A_407 : vector<1x64xf32> to vector<1x1x64xf32>
    %reduce_sum3A_414 = arith.constant dense<0.000000e+00> : vector<1xf32>
    %reduce_sum3A_415 = vector.multi_reduction <add>, %reduce_sum3A_413, %reduce_sum3A_414 [1, 2] : vector<1x1x64xf32> to vector<1xf32>
    %reduce_sum3A_416 = vector.shape_cast %reduce_sum3A_415 : vector<1xf32> to vector<1x1x1xf32>
    %reduce_sum3A_417 = vector.extract %reduce_sum3A_416[0, 0, 0] : f32 from vector<1x1x1xf32>
    %sub3A_418 = arith.subf %reduce_sum3A_412, %reduce_sum3A_417 : f32
    %add3A_419 = vector.broadcast %sub3A_418 : f32 to vector<1x64xf32>
    %add3A_420 = arith.addf %slice3A_407, %add3A_419 : vector<1x64xf32>
    %log3A_421 = math.log %add3A_420 : vector<1x64xf32>
    %sub3A_422 = arith.subf %slice3A_406, %log3A_421 : vector<1x64xf32>
    %reduce_sum3A_423 = vector.shape_cast %sub3A_422 : vector<1x64xf32> to vector<1x1x64xf32>
    %reduce_sum3A_424 = arith.constant dense<0.000000e+00> : vector<1xf32>
    %reduce_sum3A_425 = vector.multi_reduction <add>, %reduce_sum3A_423, %reduce_sum3A_424 [1, 2] : vector<1x1x64xf32> to vector<1xf32>
    %reduce_sum3A_426 = vector.shape_cast %reduce_sum3A_425 : vector<1xf32> to vector<1x1x1xf32>
    %reduce_sum3A_427 = vector.extract %reduce_sum3A_426[0, 0, 0] : f32 from vector<1x1x1xf32>
    %div3A_428 = arith.constant 6.400000e+01 : f32
    %div3A_429 = arith.divf %reduce_sum3A_427, %div3A_428 : f32
    %neg3A_430 = arith.constant 0.000000e+00 : f32
    %neg3A_431 = arith.subf %neg3A_430, %div3A_429 : f32
    %add3A_432 = arith.addf %add3A_403, %neg3A_431 : f32
    %slice3A_433 = vector.extract_strided_slice %mul3A_17 {offsets = [17, 0], sizes = [1, 320], strides = [1, 1]} : vector<40x320xf32> to vector<1x320xf32>
    %slice3A_434 = vector.extract_strided_slice %exp3A {offsets = [17, 0], sizes = [1, 320], strides = [1, 1]} : vector<40x320xf32> to vector<1x320xf32>
    %slice3A_435 = vector.extract_strided_slice %slice3A_433 {offsets = [0, 192], sizes = [1, 64], strides = [1, 1]} : vector<1x320xf32> to vector<1x64xf32>
    %slice3A_436 = vector.extract_strided_slice %slice3A_434 {offsets = [0, 192], sizes = [1, 64], strides = [1, 1]} : vector<1x320xf32> to vector<1x64xf32>
    %reduce_sum3A_437 = vector.shape_cast %slice3A_434 : vector<1x320xf32> to vector<1x1x320xf32>
    %reduce_sum3A_438 = arith.constant dense<0.000000e+00> : vector<1xf32>
    %reduce_sum3A_439 = vector.multi_reduction <add>, %reduce_sum3A_437, %reduce_sum3A_438 [1, 2] : vector<1x1x320xf32> to vector<1xf32>
    %reduce_sum3A_440 = vector.shape_cast %reduce_sum3A_439 : vector<1xf32> to vector<1x1x1xf32>
    %reduce_sum3A_441 = vector.extract %reduce_sum3A_440[0, 0, 0] : f32 from vector<1x1x1xf32>
    %reduce_sum3A_442 = vector.shape_cast %slice3A_436 : vector<1x64xf32> to vector<1x1x64xf32>
    %reduce_sum3A_443 = arith.constant dense<0.000000e+00> : vector<1xf32>
    %reduce_sum3A_444 = vector.multi_reduction <add>, %reduce_sum3A_442, %reduce_sum3A_443 [1, 2] : vector<1x1x64xf32> to vector<1xf32>
    %reduce_sum3A_445 = vector.shape_cast %reduce_sum3A_444 : vector<1xf32> to vector<1x1x1xf32>
    %reduce_sum3A_446 = vector.extract %reduce_sum3A_445[0, 0, 0] : f32 from vector<1x1x1xf32>
    %sub3A_447 = arith.subf %reduce_sum3A_441, %reduce_sum3A_446 : f32
    %add3A_448 = vector.broadcast %sub3A_447 : f32 to vector<1x64xf32>
    %add3A_449 = arith.addf %slice3A_436, %add3A_448 : vector<1x64xf32>
    %log3A_450 = math.log %add3A_449 : vector<1x64xf32>
    %sub3A_451 = arith.subf %slice3A_435, %log3A_450 : vector<1x64xf32>
    %reduce_sum3A_452 = vector.shape_cast %sub3A_451 : vector<1x64xf32> to vector<1x1x64xf32>
    %reduce_sum3A_453 = arith.constant dense<0.000000e+00> : vector<1xf32>
    %reduce_sum3A_454 = vector.multi_reduction <add>, %reduce_sum3A_452, %reduce_sum3A_453 [1, 2] : vector<1x1x64xf32> to vector<1xf32>
    %reduce_sum3A_455 = vector.shape_cast %reduce_sum3A_454 : vector<1xf32> to vector<1x1x1xf32>
    %reduce_sum3A_456 = vector.extract %reduce_sum3A_455[0, 0, 0] : f32 from vector<1x1x1xf32>
    %div3A_457 = arith.constant 6.400000e+01 : f32
    %div3A_458 = arith.divf %reduce_sum3A_456, %div3A_457 : f32
    %neg3A_459 = arith.constant 0.000000e+00 : f32
    %neg3A_460 = arith.subf %neg3A_459, %div3A_458 : f32
    %add3A_461 = arith.addf %add3A_432, %neg3A_460 : f32
    %slice3A_462 = vector.extract_strided_slice %mul3A_17 {offsets = [18, 0], sizes = [1, 320], strides = [1, 1]} : vector<40x320xf32> to vector<1x320xf32>
    %slice3A_463 = vector.extract_strided_slice %exp3A {offsets = [18, 0], sizes = [1, 320], strides = [1, 1]} : vector<40x320xf32> to vector<1x320xf32>
    %slice3A_464 = vector.extract_strided_slice %slice3A_462 {offsets = [0, 256], sizes = [1, 64], strides = [1, 1]} : vector<1x320xf32> to vector<1x64xf32>
    %slice3A_465 = vector.extract_strided_slice %slice3A_463 {offsets = [0, 256], sizes = [1, 64], strides = [1, 1]} : vector<1x320xf32> to vector<1x64xf32>
    %reduce_sum3A_466 = vector.shape_cast %slice3A_463 : vector<1x320xf32> to vector<1x1x320xf32>
    %reduce_sum3A_467 = arith.constant dense<0.000000e+00> : vector<1xf32>
    %reduce_sum3A_468 = vector.multi_reduction <add>, %reduce_sum3A_466, %reduce_sum3A_467 [1, 2] : vector<1x1x320xf32> to vector<1xf32>
    %reduce_sum3A_469 = vector.shape_cast %reduce_sum3A_468 : vector<1xf32> to vector<1x1x1xf32>
    %reduce_sum3A_470 = vector.extract %reduce_sum3A_469[0, 0, 0] : f32 from vector<1x1x1xf32>
    %reduce_sum3A_471 = vector.shape_cast %slice3A_465 : vector<1x64xf32> to vector<1x1x64xf32>
    %reduce_sum3A_472 = arith.constant dense<0.000000e+00> : vector<1xf32>
    %reduce_sum3A_473 = vector.multi_reduction <add>, %reduce_sum3A_471, %reduce_sum3A_472 [1, 2] : vector<1x1x64xf32> to vector<1xf32>
    %reduce_sum3A_474 = vector.shape_cast %reduce_sum3A_473 : vector<1xf32> to vector<1x1x1xf32>
    %reduce_sum3A_475 = vector.extract %reduce_sum3A_474[0, 0, 0] : f32 from vector<1x1x1xf32>
    %sub3A_476 = arith.subf %reduce_sum3A_470, %reduce_sum3A_475 : f32
    %add3A_477 = vector.broadcast %sub3A_476 : f32 to vector<1x64xf32>
    %add3A_478 = arith.addf %slice3A_465, %add3A_477 : vector<1x64xf32>
    %log3A_479 = math.log %add3A_478 : vector<1x64xf32>
    %sub3A_480 = arith.subf %slice3A_464, %log3A_479 : vector<1x64xf32>
    %reduce_sum3A_481 = vector.shape_cast %sub3A_480 : vector<1x64xf32> to vector<1x1x64xf32>
    %reduce_sum3A_482 = arith.constant dense<0.000000e+00> : vector<1xf32>
    %reduce_sum3A_483 = vector.multi_reduction <add>, %reduce_sum3A_481, %reduce_sum3A_482 [1, 2] : vector<1x1x64xf32> to vector<1xf32>
    %reduce_sum3A_484 = vector.shape_cast %reduce_sum3A_483 : vector<1xf32> to vector<1x1x1xf32>
    %reduce_sum3A_485 = vector.extract %reduce_sum3A_484[0, 0, 0] : f32 from vector<1x1x1xf32>
    %div3A_486 = arith.constant 6.400000e+01 : f32
    %div3A_487 = arith.divf %reduce_sum3A_485, %div3A_486 : f32
    %neg3A_488 = arith.constant 0.000000e+00 : f32
    %neg3A_489 = arith.subf %neg3A_488, %div3A_487 : f32
    %add3A_490 = arith.addf %add3A_461, %neg3A_489 : f32
    %div3A_491 = arith.constant 4.000000e+00 : f32
    %div3A_492 = arith.divf %add3A_490, %div3A_491 : f32
    %add3A_493 = arith.addf %add3A_373, %div3A_492 : f32
    %slice3A_494 = vector.extract_strided_slice %mul3A_17 {offsets = [20, 0], sizes = [1, 320], strides = [1, 1]} : vector<40x320xf32> to vector<1x320xf32>
    %slice3A_495 = vector.extract_strided_slice %exp3A {offsets = [20, 0], sizes = [1, 320], strides = [1, 1]} : vector<40x320xf32> to vector<1x320xf32>
    %slice3A_496 = vector.extract_strided_slice %slice3A_494 {offsets = [0, 64], sizes = [1, 64], strides = [1, 1]} : vector<1x320xf32> to vector<1x64xf32>
    %slice3A_497 = vector.extract_strided_slice %slice3A_495 {offsets = [0, 64], sizes = [1, 64], strides = [1, 1]} : vector<1x320xf32> to vector<1x64xf32>
    %reduce_sum3A_498 = vector.shape_cast %slice3A_495 : vector<1x320xf32> to vector<1x1x320xf32>
    %reduce_sum3A_499 = arith.constant dense<0.000000e+00> : vector<1xf32>
    %reduce_sum3A_500 = vector.multi_reduction <add>, %reduce_sum3A_498, %reduce_sum3A_499 [1, 2] : vector<1x1x320xf32> to vector<1xf32>
    %reduce_sum3A_501 = vector.shape_cast %reduce_sum3A_500 : vector<1xf32> to vector<1x1x1xf32>
    %reduce_sum3A_502 = vector.extract %reduce_sum3A_501[0, 0, 0] : f32 from vector<1x1x1xf32>
    %reduce_sum3A_503 = vector.shape_cast %slice3A_497 : vector<1x64xf32> to vector<1x1x64xf32>
    %reduce_sum3A_504 = arith.constant dense<0.000000e+00> : vector<1xf32>
    %reduce_sum3A_505 = vector.multi_reduction <add>, %reduce_sum3A_503, %reduce_sum3A_504 [1, 2] : vector<1x1x64xf32> to vector<1xf32>
    %reduce_sum3A_506 = vector.shape_cast %reduce_sum3A_505 : vector<1xf32> to vector<1x1x1xf32>
    %reduce_sum3A_507 = vector.extract %reduce_sum3A_506[0, 0, 0] : f32 from vector<1x1x1xf32>
    %sub3A_508 = arith.subf %reduce_sum3A_502, %reduce_sum3A_507 : f32
    %add3A_509 = vector.broadcast %sub3A_508 : f32 to vector<1x64xf32>
    %add3A_510 = arith.addf %slice3A_497, %add3A_509 : vector<1x64xf32>
    %log3A_511 = math.log %add3A_510 : vector<1x64xf32>
    %sub3A_512 = arith.subf %slice3A_496, %log3A_511 : vector<1x64xf32>
    %reduce_sum3A_513 = vector.shape_cast %sub3A_512 : vector<1x64xf32> to vector<1x1x64xf32>
    %reduce_sum3A_514 = arith.constant dense<0.000000e+00> : vector<1xf32>
    %reduce_sum3A_515 = vector.multi_reduction <add>, %reduce_sum3A_513, %reduce_sum3A_514 [1, 2] : vector<1x1x64xf32> to vector<1xf32>
    %reduce_sum3A_516 = vector.shape_cast %reduce_sum3A_515 : vector<1xf32> to vector<1x1x1xf32>
    %reduce_sum3A_517 = vector.extract %reduce_sum3A_516[0, 0, 0] : f32 from vector<1x1x1xf32>
    %div3A_518 = arith.constant 6.400000e+01 : f32
    %div3A_519 = arith.divf %reduce_sum3A_517, %div3A_518 : f32
    %neg3A_520 = arith.constant 0.000000e+00 : f32
    %neg3A_521 = arith.subf %neg3A_520, %div3A_519 : f32
    %add3A_522 = arith.constant 0.000000e+00 : f32
    %add3A_523 = arith.addf %add3A_522, %neg3A_521 : f32
    %slice3A_524 = vector.extract_strided_slice %mul3A_17 {offsets = [21, 0], sizes = [1, 320], strides = [1, 1]} : vector<40x320xf32> to vector<1x320xf32>
    %slice3A_525 = vector.extract_strided_slice %exp3A {offsets = [21, 0], sizes = [1, 320], strides = [1, 1]} : vector<40x320xf32> to vector<1x320xf32>
    %slice3A_526 = vector.extract_strided_slice %slice3A_524 {offsets = [0, 128], sizes = [1, 64], strides = [1, 1]} : vector<1x320xf32> to vector<1x64xf32>
    %slice3A_527 = vector.extract_strided_slice %slice3A_525 {offsets = [0, 128], sizes = [1, 64], strides = [1, 1]} : vector<1x320xf32> to vector<1x64xf32>
    %reduce_sum3A_528 = vector.shape_cast %slice3A_525 : vector<1x320xf32> to vector<1x1x320xf32>
    %reduce_sum3A_529 = arith.constant dense<0.000000e+00> : vector<1xf32>
    %reduce_sum3A_530 = vector.multi_reduction <add>, %reduce_sum3A_528, %reduce_sum3A_529 [1, 2] : vector<1x1x320xf32> to vector<1xf32>
    %reduce_sum3A_531 = vector.shape_cast %reduce_sum3A_530 : vector<1xf32> to vector<1x1x1xf32>
    %reduce_sum3A_532 = vector.extract %reduce_sum3A_531[0, 0, 0] : f32 from vector<1x1x1xf32>
    %reduce_sum3A_533 = vector.shape_cast %slice3A_527 : vector<1x64xf32> to vector<1x1x64xf32>
    %reduce_sum3A_534 = arith.constant dense<0.000000e+00> : vector<1xf32>
    %reduce_sum3A_535 = vector.multi_reduction <add>, %reduce_sum3A_533, %reduce_sum3A_534 [1, 2] : vector<1x1x64xf32> to vector<1xf32>
    %reduce_sum3A_536 = vector.shape_cast %reduce_sum3A_535 : vector<1xf32> to vector<1x1x1xf32>
    %reduce_sum3A_537 = vector.extract %reduce_sum3A_536[0, 0, 0] : f32 from vector<1x1x1xf32>
    %sub3A_538 = arith.subf %reduce_sum3A_532, %reduce_sum3A_537 : f32
    %add3A_539 = vector.broadcast %sub3A_538 : f32 to vector<1x64xf32>
    %add3A_540 = arith.addf %slice3A_527, %add3A_539 : vector<1x64xf32>
    %log3A_541 = math.log %add3A_540 : vector<1x64xf32>
    %sub3A_542 = arith.subf %slice3A_526, %log3A_541 : vector<1x64xf32>
    %reduce_sum3A_543 = vector.shape_cast %sub3A_542 : vector<1x64xf32> to vector<1x1x64xf32>
    %reduce_sum3A_544 = arith.constant dense<0.000000e+00> : vector<1xf32>
    %reduce_sum3A_545 = vector.multi_reduction <add>, %reduce_sum3A_543, %reduce_sum3A_544 [1, 2] : vector<1x1x64xf32> to vector<1xf32>
    %reduce_sum3A_546 = vector.shape_cast %reduce_sum3A_545 : vector<1xf32> to vector<1x1x1xf32>
    %reduce_sum3A_547 = vector.extract %reduce_sum3A_546[0, 0, 0] : f32 from vector<1x1x1xf32>
    %div3A_548 = arith.constant 6.400000e+01 : f32
    %div3A_549 = arith.divf %reduce_sum3A_547, %div3A_548 : f32
    %neg3A_550 = arith.constant 0.000000e+00 : f32
    %neg3A_551 = arith.subf %neg3A_550, %div3A_549 : f32
    %add3A_552 = arith.addf %add3A_523, %neg3A_551 : f32
    %slice3A_553 = vector.extract_strided_slice %mul3A_17 {offsets = [22, 0], sizes = [1, 320], strides = [1, 1]} : vector<40x320xf32> to vector<1x320xf32>
    %slice3A_554 = vector.extract_strided_slice %exp3A {offsets = [22, 0], sizes = [1, 320], strides = [1, 1]} : vector<40x320xf32> to vector<1x320xf32>
    %slice3A_555 = vector.extract_strided_slice %slice3A_553 {offsets = [0, 192], sizes = [1, 64], strides = [1, 1]} : vector<1x320xf32> to vector<1x64xf32>
    %slice3A_556 = vector.extract_strided_slice %slice3A_554 {offsets = [0, 192], sizes = [1, 64], strides = [1, 1]} : vector<1x320xf32> to vector<1x64xf32>
    %reduce_sum3A_557 = vector.shape_cast %slice3A_554 : vector<1x320xf32> to vector<1x1x320xf32>
    %reduce_sum3A_558 = arith.constant dense<0.000000e+00> : vector<1xf32>
    %reduce_sum3A_559 = vector.multi_reduction <add>, %reduce_sum3A_557, %reduce_sum3A_558 [1, 2] : vector<1x1x320xf32> to vector<1xf32>
    %reduce_sum3A_560 = vector.shape_cast %reduce_sum3A_559 : vector<1xf32> to vector<1x1x1xf32>
    %reduce_sum3A_561 = vector.extract %reduce_sum3A_560[0, 0, 0] : f32 from vector<1x1x1xf32>
    %reduce_sum3A_562 = vector.shape_cast %slice3A_556 : vector<1x64xf32> to vector<1x1x64xf32>
    %reduce_sum3A_563 = arith.constant dense<0.000000e+00> : vector<1xf32>
    %reduce_sum3A_564 = vector.multi_reduction <add>, %reduce_sum3A_562, %reduce_sum3A_563 [1, 2] : vector<1x1x64xf32> to vector<1xf32>
    %reduce_sum3A_565 = vector.shape_cast %reduce_sum3A_564 : vector<1xf32> to vector<1x1x1xf32>
    %reduce_sum3A_566 = vector.extract %reduce_sum3A_565[0, 0, 0] : f32 from vector<1x1x1xf32>
    %sub3A_567 = arith.subf %reduce_sum3A_561, %reduce_sum3A_566 : f32
    %add3A_568 = vector.broadcast %sub3A_567 : f32 to vector<1x64xf32>
    %add3A_569 = arith.addf %slice3A_556, %add3A_568 : vector<1x64xf32>
    %log3A_570 = math.log %add3A_569 : vector<1x64xf32>
    %sub3A_571 = arith.subf %slice3A_555, %log3A_570 : vector<1x64xf32>
    %reduce_sum3A_572 = vector.shape_cast %sub3A_571 : vector<1x64xf32> to vector<1x1x64xf32>
    %reduce_sum3A_573 = arith.constant dense<0.000000e+00> : vector<1xf32>
    %reduce_sum3A_574 = vector.multi_reduction <add>, %reduce_sum3A_572, %reduce_sum3A_573 [1, 2] : vector<1x1x64xf32> to vector<1xf32>
    %reduce_sum3A_575 = vector.shape_cast %reduce_sum3A_574 : vector<1xf32> to vector<1x1x1xf32>
    %reduce_sum3A_576 = vector.extract %reduce_sum3A_575[0, 0, 0] : f32 from vector<1x1x1xf32>
    %div3A_577 = arith.constant 6.400000e+01 : f32
    %div3A_578 = arith.divf %reduce_sum3A_576, %div3A_577 : f32
    %neg3A_579 = arith.constant 0.000000e+00 : f32
    %neg3A_580 = arith.subf %neg3A_579, %div3A_578 : f32
    %add3A_581 = arith.addf %add3A_552, %neg3A_580 : f32
    %slice3A_582 = vector.extract_strided_slice %mul3A_17 {offsets = [23, 0], sizes = [1, 320], strides = [1, 1]} : vector<40x320xf32> to vector<1x320xf32>
    %slice3A_583 = vector.extract_strided_slice %exp3A {offsets = [23, 0], sizes = [1, 320], strides = [1, 1]} : vector<40x320xf32> to vector<1x320xf32>
    %slice3A_584 = vector.extract_strided_slice %slice3A_582 {offsets = [0, 256], sizes = [1, 64], strides = [1, 1]} : vector<1x320xf32> to vector<1x64xf32>
    %slice3A_585 = vector.extract_strided_slice %slice3A_583 {offsets = [0, 256], sizes = [1, 64], strides = [1, 1]} : vector<1x320xf32> to vector<1x64xf32>
    %reduce_sum3A_586 = vector.shape_cast %slice3A_583 : vector<1x320xf32> to vector<1x1x320xf32>
    %reduce_sum3A_587 = arith.constant dense<0.000000e+00> : vector<1xf32>
    %reduce_sum3A_588 = vector.multi_reduction <add>, %reduce_sum3A_586, %reduce_sum3A_587 [1, 2] : vector<1x1x320xf32> to vector<1xf32>
    %reduce_sum3A_589 = vector.shape_cast %reduce_sum3A_588 : vector<1xf32> to vector<1x1x1xf32>
    %reduce_sum3A_590 = vector.extract %reduce_sum3A_589[0, 0, 0] : f32 from vector<1x1x1xf32>
    %reduce_sum3A_591 = vector.shape_cast %slice3A_585 : vector<1x64xf32> to vector<1x1x64xf32>
    %reduce_sum3A_592 = arith.constant dense<0.000000e+00> : vector<1xf32>
    %reduce_sum3A_593 = vector.multi_reduction <add>, %reduce_sum3A_591, %reduce_sum3A_592 [1, 2] : vector<1x1x64xf32> to vector<1xf32>
    %reduce_sum3A_594 = vector.shape_cast %reduce_sum3A_593 : vector<1xf32> to vector<1x1x1xf32>
    %reduce_sum3A_595 = vector.extract %reduce_sum3A_594[0, 0, 0] : f32 from vector<1x1x1xf32>
    %sub3A_596 = arith.subf %reduce_sum3A_590, %reduce_sum3A_595 : f32
    %add3A_597 = vector.broadcast %sub3A_596 : f32 to vector<1x64xf32>
    %add3A_598 = arith.addf %slice3A_585, %add3A_597 : vector<1x64xf32>
    %log3A_599 = math.log %add3A_598 : vector<1x64xf32>
    %sub3A_600 = arith.subf %slice3A_584, %log3A_599 : vector<1x64xf32>
    %reduce_sum3A_601 = vector.shape_cast %sub3A_600 : vector<1x64xf32> to vector<1x1x64xf32>
    %reduce_sum3A_602 = arith.constant dense<0.000000e+00> : vector<1xf32>
    %reduce_sum3A_603 = vector.multi_reduction <add>, %reduce_sum3A_601, %reduce_sum3A_602 [1, 2] : vector<1x1x64xf32> to vector<1xf32>
    %reduce_sum3A_604 = vector.shape_cast %reduce_sum3A_603 : vector<1xf32> to vector<1x1x1xf32>
    %reduce_sum3A_605 = vector.extract %reduce_sum3A_604[0, 0, 0] : f32 from vector<1x1x1xf32>
    %div3A_606 = arith.constant 6.400000e+01 : f32
    %div3A_607 = arith.divf %reduce_sum3A_605, %div3A_606 : f32
    %neg3A_608 = arith.constant 0.000000e+00 : f32
    %neg3A_609 = arith.subf %neg3A_608, %div3A_607 : f32
    %add3A_610 = arith.addf %add3A_581, %neg3A_609 : f32
    %div3A_611 = arith.constant 4.000000e+00 : f32
    %div3A_612 = arith.divf %add3A_610, %div3A_611 : f32
    %add3A_613 = arith.addf %add3A_493, %div3A_612 : f32
    %slice3A_614 = vector.extract_strided_slice %mul3A_17 {offsets = [25, 0], sizes = [1, 320], strides = [1, 1]} : vector<40x320xf32> to vector<1x320xf32>
    %slice3A_615 = vector.extract_strided_slice %exp3A {offsets = [25, 0], sizes = [1, 320], strides = [1, 1]} : vector<40x320xf32> to vector<1x320xf32>
    %slice3A_616 = vector.extract_strided_slice %slice3A_614 {offsets = [0, 64], sizes = [1, 64], strides = [1, 1]} : vector<1x320xf32> to vector<1x64xf32>
    %slice3A_617 = vector.extract_strided_slice %slice3A_615 {offsets = [0, 64], sizes = [1, 64], strides = [1, 1]} : vector<1x320xf32> to vector<1x64xf32>
    %reduce_sum3A_618 = vector.shape_cast %slice3A_615 : vector<1x320xf32> to vector<1x1x320xf32>
    %reduce_sum3A_619 = arith.constant dense<0.000000e+00> : vector<1xf32>
    %reduce_sum3A_620 = vector.multi_reduction <add>, %reduce_sum3A_618, %reduce_sum3A_619 [1, 2] : vector<1x1x320xf32> to vector<1xf32>
    %reduce_sum3A_621 = vector.shape_cast %reduce_sum3A_620 : vector<1xf32> to vector<1x1x1xf32>
    %reduce_sum3A_622 = vector.extract %reduce_sum3A_621[0, 0, 0] : f32 from vector<1x1x1xf32>
    %reduce_sum3A_623 = vector.shape_cast %slice3A_617 : vector<1x64xf32> to vector<1x1x64xf32>
    %reduce_sum3A_624 = arith.constant dense<0.000000e+00> : vector<1xf32>
    %reduce_sum3A_625 = vector.multi_reduction <add>, %reduce_sum3A_623, %reduce_sum3A_624 [1, 2] : vector<1x1x64xf32> to vector<1xf32>
    %reduce_sum3A_626 = vector.shape_cast %reduce_sum3A_625 : vector<1xf32> to vector<1x1x1xf32>
    %reduce_sum3A_627 = vector.extract %reduce_sum3A_626[0, 0, 0] : f32 from vector<1x1x1xf32>
    %sub3A_628 = arith.subf %reduce_sum3A_622, %reduce_sum3A_627 : f32
    %add3A_629 = vector.broadcast %sub3A_628 : f32 to vector<1x64xf32>
    %add3A_630 = arith.addf %slice3A_617, %add3A_629 : vector<1x64xf32>
    %log3A_631 = math.log %add3A_630 : vector<1x64xf32>
    %sub3A_632 = arith.subf %slice3A_616, %log3A_631 : vector<1x64xf32>
    %reduce_sum3A_633 = vector.shape_cast %sub3A_632 : vector<1x64xf32> to vector<1x1x64xf32>
    %reduce_sum3A_634 = arith.constant dense<0.000000e+00> : vector<1xf32>
    %reduce_sum3A_635 = vector.multi_reduction <add>, %reduce_sum3A_633, %reduce_sum3A_634 [1, 2] : vector<1x1x64xf32> to vector<1xf32>
    %reduce_sum3A_636 = vector.shape_cast %reduce_sum3A_635 : vector<1xf32> to vector<1x1x1xf32>
    %reduce_sum3A_637 = vector.extract %reduce_sum3A_636[0, 0, 0] : f32 from vector<1x1x1xf32>
    %div3A_638 = arith.constant 6.400000e+01 : f32
    %div3A_639 = arith.divf %reduce_sum3A_637, %div3A_638 : f32
    %neg3A_640 = arith.constant 0.000000e+00 : f32
    %neg3A_641 = arith.subf %neg3A_640, %div3A_639 : f32
    %add3A_642 = arith.constant 0.000000e+00 : f32
    %add3A_643 = arith.addf %add3A_642, %neg3A_641 : f32
    %slice3A_644 = vector.extract_strided_slice %mul3A_17 {offsets = [26, 0], sizes = [1, 320], strides = [1, 1]} : vector<40x320xf32> to vector<1x320xf32>
    %slice3A_645 = vector.extract_strided_slice %exp3A {offsets = [26, 0], sizes = [1, 320], strides = [1, 1]} : vector<40x320xf32> to vector<1x320xf32>
    %slice3A_646 = vector.extract_strided_slice %slice3A_644 {offsets = [0, 128], sizes = [1, 64], strides = [1, 1]} : vector<1x320xf32> to vector<1x64xf32>
    %slice3A_647 = vector.extract_strided_slice %slice3A_645 {offsets = [0, 128], sizes = [1, 64], strides = [1, 1]} : vector<1x320xf32> to vector<1x64xf32>
    %reduce_sum3A_648 = vector.shape_cast %slice3A_645 : vector<1x320xf32> to vector<1x1x320xf32>
    %reduce_sum3A_649 = arith.constant dense<0.000000e+00> : vector<1xf32>
    %reduce_sum3A_650 = vector.multi_reduction <add>, %reduce_sum3A_648, %reduce_sum3A_649 [1, 2] : vector<1x1x320xf32> to vector<1xf32>
    %reduce_sum3A_651 = vector.shape_cast %reduce_sum3A_650 : vector<1xf32> to vector<1x1x1xf32>
    %reduce_sum3A_652 = vector.extract %reduce_sum3A_651[0, 0, 0] : f32 from vector<1x1x1xf32>
    %reduce_sum3A_653 = vector.shape_cast %slice3A_647 : vector<1x64xf32> to vector<1x1x64xf32>
    %reduce_sum3A_654 = arith.constant dense<0.000000e+00> : vector<1xf32>
    %reduce_sum3A_655 = vector.multi_reduction <add>, %reduce_sum3A_653, %reduce_sum3A_654 [1, 2] : vector<1x1x64xf32> to vector<1xf32>
    %reduce_sum3A_656 = vector.shape_cast %reduce_sum3A_655 : vector<1xf32> to vector<1x1x1xf32>
    %reduce_sum3A_657 = vector.extract %reduce_sum3A_656[0, 0, 0] : f32 from vector<1x1x1xf32>
    %sub3A_658 = arith.subf %reduce_sum3A_652, %reduce_sum3A_657 : f32
    %add3A_659 = vector.broadcast %sub3A_658 : f32 to vector<1x64xf32>
    %add3A_660 = arith.addf %slice3A_647, %add3A_659 : vector<1x64xf32>
    %log3A_661 = math.log %add3A_660 : vector<1x64xf32>
    %sub3A_662 = arith.subf %slice3A_646, %log3A_661 : vector<1x64xf32>
    %reduce_sum3A_663 = vector.shape_cast %sub3A_662 : vector<1x64xf32> to vector<1x1x64xf32>
    %reduce_sum3A_664 = arith.constant dense<0.000000e+00> : vector<1xf32>
    %reduce_sum3A_665 = vector.multi_reduction <add>, %reduce_sum3A_663, %reduce_sum3A_664 [1, 2] : vector<1x1x64xf32> to vector<1xf32>
    %reduce_sum3A_666 = vector.shape_cast %reduce_sum3A_665 : vector<1xf32> to vector<1x1x1xf32>
    %reduce_sum3A_667 = vector.extract %reduce_sum3A_666[0, 0, 0] : f32 from vector<1x1x1xf32>
    %div3A_668 = arith.constant 6.400000e+01 : f32
    %div3A_669 = arith.divf %reduce_sum3A_667, %div3A_668 : f32
    %neg3A_670 = arith.constant 0.000000e+00 : f32
    %neg3A_671 = arith.subf %neg3A_670, %div3A_669 : f32
    %add3A_672 = arith.addf %add3A_643, %neg3A_671 : f32
    %slice3A_673 = vector.extract_strided_slice %mul3A_17 {offsets = [27, 0], sizes = [1, 320], strides = [1, 1]} : vector<40x320xf32> to vector<1x320xf32>
    %slice3A_674 = vector.extract_strided_slice %exp3A {offsets = [27, 0], sizes = [1, 320], strides = [1, 1]} : vector<40x320xf32> to vector<1x320xf32>
    %slice3A_675 = vector.extract_strided_slice %slice3A_673 {offsets = [0, 192], sizes = [1, 64], strides = [1, 1]} : vector<1x320xf32> to vector<1x64xf32>
    %slice3A_676 = vector.extract_strided_slice %slice3A_674 {offsets = [0, 192], sizes = [1, 64], strides = [1, 1]} : vector<1x320xf32> to vector<1x64xf32>
    %reduce_sum3A_677 = vector.shape_cast %slice3A_674 : vector<1x320xf32> to vector<1x1x320xf32>
    %reduce_sum3A_678 = arith.constant dense<0.000000e+00> : vector<1xf32>
    %reduce_sum3A_679 = vector.multi_reduction <add>, %reduce_sum3A_677, %reduce_sum3A_678 [1, 2] : vector<1x1x320xf32> to vector<1xf32>
    %reduce_sum3A_680 = vector.shape_cast %reduce_sum3A_679 : vector<1xf32> to vector<1x1x1xf32>
    %reduce_sum3A_681 = vector.extract %reduce_sum3A_680[0, 0, 0] : f32 from vector<1x1x1xf32>
    %reduce_sum3A_682 = vector.shape_cast %slice3A_676 : vector<1x64xf32> to vector<1x1x64xf32>
    %reduce_sum3A_683 = arith.constant dense<0.000000e+00> : vector<1xf32>
    %reduce_sum3A_684 = vector.multi_reduction <add>, %reduce_sum3A_682, %reduce_sum3A_683 [1, 2] : vector<1x1x64xf32> to vector<1xf32>
    %reduce_sum3A_685 = vector.shape_cast %reduce_sum3A_684 : vector<1xf32> to vector<1x1x1xf32>
    %reduce_sum3A_686 = vector.extract %reduce_sum3A_685[0, 0, 0] : f32 from vector<1x1x1xf32>
    %sub3A_687 = arith.subf %reduce_sum3A_681, %reduce_sum3A_686 : f32
    %add3A_688 = vector.broadcast %sub3A_687 : f32 to vector<1x64xf32>
    %add3A_689 = arith.addf %slice3A_676, %add3A_688 : vector<1x64xf32>
    %log3A_690 = math.log %add3A_689 : vector<1x64xf32>
    %sub3A_691 = arith.subf %slice3A_675, %log3A_690 : vector<1x64xf32>
    %reduce_sum3A_692 = vector.shape_cast %sub3A_691 : vector<1x64xf32> to vector<1x1x64xf32>
    %reduce_sum3A_693 = arith.constant dense<0.000000e+00> : vector<1xf32>
    %reduce_sum3A_694 = vector.multi_reduction <add>, %reduce_sum3A_692, %reduce_sum3A_693 [1, 2] : vector<1x1x64xf32> to vector<1xf32>
    %reduce_sum3A_695 = vector.shape_cast %reduce_sum3A_694 : vector<1xf32> to vector<1x1x1xf32>
    %reduce_sum3A_696 = vector.extract %reduce_sum3A_695[0, 0, 0] : f32 from vector<1x1x1xf32>
    %div3A_697 = arith.constant 6.400000e+01 : f32
    %div3A_698 = arith.divf %reduce_sum3A_696, %div3A_697 : f32
    %neg3A_699 = arith.constant 0.000000e+00 : f32
    %neg3A_700 = arith.subf %neg3A_699, %div3A_698 : f32
    %add3A_701 = arith.addf %add3A_672, %neg3A_700 : f32
    %slice3A_702 = vector.extract_strided_slice %mul3A_17 {offsets = [28, 0], sizes = [1, 320], strides = [1, 1]} : vector<40x320xf32> to vector<1x320xf32>
    %slice3A_703 = vector.extract_strided_slice %exp3A {offsets = [28, 0], sizes = [1, 320], strides = [1, 1]} : vector<40x320xf32> to vector<1x320xf32>
    %slice3A_704 = vector.extract_strided_slice %slice3A_702 {offsets = [0, 256], sizes = [1, 64], strides = [1, 1]} : vector<1x320xf32> to vector<1x64xf32>
    %slice3A_705 = vector.extract_strided_slice %slice3A_703 {offsets = [0, 256], sizes = [1, 64], strides = [1, 1]} : vector<1x320xf32> to vector<1x64xf32>
    %reduce_sum3A_706 = vector.shape_cast %slice3A_703 : vector<1x320xf32> to vector<1x1x320xf32>
    %reduce_sum3A_707 = arith.constant dense<0.000000e+00> : vector<1xf32>
    %reduce_sum3A_708 = vector.multi_reduction <add>, %reduce_sum3A_706, %reduce_sum3A_707 [1, 2] : vector<1x1x320xf32> to vector<1xf32>
    %reduce_sum3A_709 = vector.shape_cast %reduce_sum3A_708 : vector<1xf32> to vector<1x1x1xf32>
    %reduce_sum3A_710 = vector.extract %reduce_sum3A_709[0, 0, 0] : f32 from vector<1x1x1xf32>
    %reduce_sum3A_711 = vector.shape_cast %slice3A_705 : vector<1x64xf32> to vector<1x1x64xf32>
    %reduce_sum3A_712 = arith.constant dense<0.000000e+00> : vector<1xf32>
    %reduce_sum3A_713 = vector.multi_reduction <add>, %reduce_sum3A_711, %reduce_sum3A_712 [1, 2] : vector<1x1x64xf32> to vector<1xf32>
    %reduce_sum3A_714 = vector.shape_cast %reduce_sum3A_713 : vector<1xf32> to vector<1x1x1xf32>
    %reduce_sum3A_715 = vector.extract %reduce_sum3A_714[0, 0, 0] : f32 from vector<1x1x1xf32>
    %sub3A_716 = arith.subf %reduce_sum3A_710, %reduce_sum3A_715 : f32
    %add3A_717 = vector.broadcast %sub3A_716 : f32 to vector<1x64xf32>
    %add3A_718 = arith.addf %slice3A_705, %add3A_717 : vector<1x64xf32>
    %log3A_719 = math.log %add3A_718 : vector<1x64xf32>
    %sub3A_720 = arith.subf %slice3A_704, %log3A_719 : vector<1x64xf32>
    %reduce_sum3A_721 = vector.shape_cast %sub3A_720 : vector<1x64xf32> to vector<1x1x64xf32>
    %reduce_sum3A_722 = arith.constant dense<0.000000e+00> : vector<1xf32>
    %reduce_sum3A_723 = vector.multi_reduction <add>, %reduce_sum3A_721, %reduce_sum3A_722 [1, 2] : vector<1x1x64xf32> to vector<1xf32>
    %reduce_sum3A_724 = vector.shape_cast %reduce_sum3A_723 : vector<1xf32> to vector<1x1x1xf32>
    %reduce_sum3A_725 = vector.extract %reduce_sum3A_724[0, 0, 0] : f32 from vector<1x1x1xf32>
    %div3A_726 = arith.constant 6.400000e+01 : f32
    %div3A_727 = arith.divf %reduce_sum3A_725, %div3A_726 : f32
    %neg3A_728 = arith.constant 0.000000e+00 : f32
    %neg3A_729 = arith.subf %neg3A_728, %div3A_727 : f32
    %add3A_730 = arith.addf %add3A_701, %neg3A_729 : f32
    %div3A_731 = arith.constant 4.000000e+00 : f32
    %div3A_732 = arith.divf %add3A_730, %div3A_731 : f32
    %add3A_733 = arith.addf %add3A_613, %div3A_732 : f32
    %slice3A_734 = vector.extract_strided_slice %mul3A_17 {offsets = [30, 0], sizes = [1, 320], strides = [1, 1]} : vector<40x320xf32> to vector<1x320xf32>
    %slice3A_735 = vector.extract_strided_slice %exp3A {offsets = [30, 0], sizes = [1, 320], strides = [1, 1]} : vector<40x320xf32> to vector<1x320xf32>
    %slice3A_736 = vector.extract_strided_slice %slice3A_734 {offsets = [0, 64], sizes = [1, 64], strides = [1, 1]} : vector<1x320xf32> to vector<1x64xf32>
    %slice3A_737 = vector.extract_strided_slice %slice3A_735 {offsets = [0, 64], sizes = [1, 64], strides = [1, 1]} : vector<1x320xf32> to vector<1x64xf32>
    %reduce_sum3A_738 = vector.shape_cast %slice3A_735 : vector<1x320xf32> to vector<1x1x320xf32>
    %reduce_sum3A_739 = arith.constant dense<0.000000e+00> : vector<1xf32>
    %reduce_sum3A_740 = vector.multi_reduction <add>, %reduce_sum3A_738, %reduce_sum3A_739 [1, 2] : vector<1x1x320xf32> to vector<1xf32>
    %reduce_sum3A_741 = vector.shape_cast %reduce_sum3A_740 : vector<1xf32> to vector<1x1x1xf32>
    %reduce_sum3A_742 = vector.extract %reduce_sum3A_741[0, 0, 0] : f32 from vector<1x1x1xf32>
    %reduce_sum3A_743 = vector.shape_cast %slice3A_737 : vector<1x64xf32> to vector<1x1x64xf32>
    %reduce_sum3A_744 = arith.constant dense<0.000000e+00> : vector<1xf32>
    %reduce_sum3A_745 = vector.multi_reduction <add>, %reduce_sum3A_743, %reduce_sum3A_744 [1, 2] : vector<1x1x64xf32> to vector<1xf32>
    %reduce_sum3A_746 = vector.shape_cast %reduce_sum3A_745 : vector<1xf32> to vector<1x1x1xf32>
    %reduce_sum3A_747 = vector.extract %reduce_sum3A_746[0, 0, 0] : f32 from vector<1x1x1xf32>
    %sub3A_748 = arith.subf %reduce_sum3A_742, %reduce_sum3A_747 : f32
    %add3A_749 = vector.broadcast %sub3A_748 : f32 to vector<1x64xf32>
    %add3A_750 = arith.addf %slice3A_737, %add3A_749 : vector<1x64xf32>
    %log3A_751 = math.log %add3A_750 : vector<1x64xf32>
    %sub3A_752 = arith.subf %slice3A_736, %log3A_751 : vector<1x64xf32>
    %reduce_sum3A_753 = vector.shape_cast %sub3A_752 : vector<1x64xf32> to vector<1x1x64xf32>
    %reduce_sum3A_754 = arith.constant dense<0.000000e+00> : vector<1xf32>
    %reduce_sum3A_755 = vector.multi_reduction <add>, %reduce_sum3A_753, %reduce_sum3A_754 [1, 2] : vector<1x1x64xf32> to vector<1xf32>
    %reduce_sum3A_756 = vector.shape_cast %reduce_sum3A_755 : vector<1xf32> to vector<1x1x1xf32>
    %reduce_sum3A_757 = vector.extract %reduce_sum3A_756[0, 0, 0] : f32 from vector<1x1x1xf32>
    %div3A_758 = arith.constant 6.400000e+01 : f32
    %div3A_759 = arith.divf %reduce_sum3A_757, %div3A_758 : f32
    %neg3A_760 = arith.constant 0.000000e+00 : f32
    %neg3A_761 = arith.subf %neg3A_760, %div3A_759 : f32
    %add3A_762 = arith.constant 0.000000e+00 : f32
    %add3A_763 = arith.addf %add3A_762, %neg3A_761 : f32
    %slice3A_764 = vector.extract_strided_slice %mul3A_17 {offsets = [31, 0], sizes = [1, 320], strides = [1, 1]} : vector<40x320xf32> to vector<1x320xf32>
    %slice3A_765 = vector.extract_strided_slice %exp3A {offsets = [31, 0], sizes = [1, 320], strides = [1, 1]} : vector<40x320xf32> to vector<1x320xf32>
    %slice3A_766 = vector.extract_strided_slice %slice3A_764 {offsets = [0, 128], sizes = [1, 64], strides = [1, 1]} : vector<1x320xf32> to vector<1x64xf32>
    %slice3A_767 = vector.extract_strided_slice %slice3A_765 {offsets = [0, 128], sizes = [1, 64], strides = [1, 1]} : vector<1x320xf32> to vector<1x64xf32>
    %reduce_sum3A_768 = vector.shape_cast %slice3A_765 : vector<1x320xf32> to vector<1x1x320xf32>
    %reduce_sum3A_769 = arith.constant dense<0.000000e+00> : vector<1xf32>
    %reduce_sum3A_770 = vector.multi_reduction <add>, %reduce_sum3A_768, %reduce_sum3A_769 [1, 2] : vector<1x1x320xf32> to vector<1xf32>
    %reduce_sum3A_771 = vector.shape_cast %reduce_sum3A_770 : vector<1xf32> to vector<1x1x1xf32>
    %reduce_sum3A_772 = vector.extract %reduce_sum3A_771[0, 0, 0] : f32 from vector<1x1x1xf32>
    %reduce_sum3A_773 = vector.shape_cast %slice3A_767 : vector<1x64xf32> to vector<1x1x64xf32>
    %reduce_sum3A_774 = arith.constant dense<0.000000e+00> : vector<1xf32>
    %reduce_sum3A_775 = vector.multi_reduction <add>, %reduce_sum3A_773, %reduce_sum3A_774 [1, 2] : vector<1x1x64xf32> to vector<1xf32>
    %reduce_sum3A_776 = vector.shape_cast %reduce_sum3A_775 : vector<1xf32> to vector<1x1x1xf32>
    %reduce_sum3A_777 = vector.extract %reduce_sum3A_776[0, 0, 0] : f32 from vector<1x1x1xf32>
    %sub3A_778 = arith.subf %reduce_sum3A_772, %reduce_sum3A_777 : f32
    %add3A_779 = vector.broadcast %sub3A_778 : f32 to vector<1x64xf32>
    %add3A_780 = arith.addf %slice3A_767, %add3A_779 : vector<1x64xf32>
    %log3A_781 = math.log %add3A_780 : vector<1x64xf32>
    %sub3A_782 = arith.subf %slice3A_766, %log3A_781 : vector<1x64xf32>
    %reduce_sum3A_783 = vector.shape_cast %sub3A_782 : vector<1x64xf32> to vector<1x1x64xf32>
    %reduce_sum3A_784 = arith.constant dense<0.000000e+00> : vector<1xf32>
    %reduce_sum3A_785 = vector.multi_reduction <add>, %reduce_sum3A_783, %reduce_sum3A_784 [1, 2] : vector<1x1x64xf32> to vector<1xf32>
    %reduce_sum3A_786 = vector.shape_cast %reduce_sum3A_785 : vector<1xf32> to vector<1x1x1xf32>
    %reduce_sum3A_787 = vector.extract %reduce_sum3A_786[0, 0, 0] : f32 from vector<1x1x1xf32>
    %div3A_788 = arith.constant 6.400000e+01 : f32
    %div3A_789 = arith.divf %reduce_sum3A_787, %div3A_788 : f32
    %neg3A_790 = arith.constant 0.000000e+00 : f32
    %neg3A_791 = arith.subf %neg3A_790, %div3A_789 : f32
    %add3A_792 = arith.addf %add3A_763, %neg3A_791 : f32
    %slice3A_793 = vector.extract_strided_slice %mul3A_17 {offsets = [32, 0], sizes = [1, 320], strides = [1, 1]} : vector<40x320xf32> to vector<1x320xf32>
    %slice3A_794 = vector.extract_strided_slice %exp3A {offsets = [32, 0], sizes = [1, 320], strides = [1, 1]} : vector<40x320xf32> to vector<1x320xf32>
    %slice3A_795 = vector.extract_strided_slice %slice3A_793 {offsets = [0, 192], sizes = [1, 64], strides = [1, 1]} : vector<1x320xf32> to vector<1x64xf32>
    %slice3A_796 = vector.extract_strided_slice %slice3A_794 {offsets = [0, 192], sizes = [1, 64], strides = [1, 1]} : vector<1x320xf32> to vector<1x64xf32>
    %reduce_sum3A_797 = vector.shape_cast %slice3A_794 : vector<1x320xf32> to vector<1x1x320xf32>
    %reduce_sum3A_798 = arith.constant dense<0.000000e+00> : vector<1xf32>
    %reduce_sum3A_799 = vector.multi_reduction <add>, %reduce_sum3A_797, %reduce_sum3A_798 [1, 2] : vector<1x1x320xf32> to vector<1xf32>
    %reduce_sum3A_800 = vector.shape_cast %reduce_sum3A_799 : vector<1xf32> to vector<1x1x1xf32>
    %reduce_sum3A_801 = vector.extract %reduce_sum3A_800[0, 0, 0] : f32 from vector<1x1x1xf32>
    %reduce_sum3A_802 = vector.shape_cast %slice3A_796 : vector<1x64xf32> to vector<1x1x64xf32>
    %reduce_sum3A_803 = arith.constant dense<0.000000e+00> : vector<1xf32>
    %reduce_sum3A_804 = vector.multi_reduction <add>, %reduce_sum3A_802, %reduce_sum3A_803 [1, 2] : vector<1x1x64xf32> to vector<1xf32>
    %reduce_sum3A_805 = vector.shape_cast %reduce_sum3A_804 : vector<1xf32> to vector<1x1x1xf32>
    %reduce_sum3A_806 = vector.extract %reduce_sum3A_805[0, 0, 0] : f32 from vector<1x1x1xf32>
    %sub3A_807 = arith.subf %reduce_sum3A_801, %reduce_sum3A_806 : f32
    %add3A_808 = vector.broadcast %sub3A_807 : f32 to vector<1x64xf32>
    %add3A_809 = arith.addf %slice3A_796, %add3A_808 : vector<1x64xf32>
    %log3A_810 = math.log %add3A_809 : vector<1x64xf32>
    %sub3A_811 = arith.subf %slice3A_795, %log3A_810 : vector<1x64xf32>
    %reduce_sum3A_812 = vector.shape_cast %sub3A_811 : vector<1x64xf32> to vector<1x1x64xf32>
    %reduce_sum3A_813 = arith.constant dense<0.000000e+00> : vector<1xf32>
    %reduce_sum3A_814 = vector.multi_reduction <add>, %reduce_sum3A_812, %reduce_sum3A_813 [1, 2] : vector<1x1x64xf32> to vector<1xf32>
    %reduce_sum3A_815 = vector.shape_cast %reduce_sum3A_814 : vector<1xf32> to vector<1x1x1xf32>
    %reduce_sum3A_816 = vector.extract %reduce_sum3A_815[0, 0, 0] : f32 from vector<1x1x1xf32>
    %div3A_817 = arith.constant 6.400000e+01 : f32
    %div3A_818 = arith.divf %reduce_sum3A_816, %div3A_817 : f32
    %neg3A_819 = arith.constant 0.000000e+00 : f32
    %neg3A_820 = arith.subf %neg3A_819, %div3A_818 : f32
    %add3A_821 = arith.addf %add3A_792, %neg3A_820 : f32
    %slice3A_822 = vector.extract_strided_slice %mul3A_17 {offsets = [33, 0], sizes = [1, 320], strides = [1, 1]} : vector<40x320xf32> to vector<1x320xf32>
    %slice3A_823 = vector.extract_strided_slice %exp3A {offsets = [33, 0], sizes = [1, 320], strides = [1, 1]} : vector<40x320xf32> to vector<1x320xf32>
    %slice3A_824 = vector.extract_strided_slice %slice3A_822 {offsets = [0, 256], sizes = [1, 64], strides = [1, 1]} : vector<1x320xf32> to vector<1x64xf32>
    %slice3A_825 = vector.extract_strided_slice %slice3A_823 {offsets = [0, 256], sizes = [1, 64], strides = [1, 1]} : vector<1x320xf32> to vector<1x64xf32>
    %reduce_sum3A_826 = vector.shape_cast %slice3A_823 : vector<1x320xf32> to vector<1x1x320xf32>
    %reduce_sum3A_827 = arith.constant dense<0.000000e+00> : vector<1xf32>
    %reduce_sum3A_828 = vector.multi_reduction <add>, %reduce_sum3A_826, %reduce_sum3A_827 [1, 2] : vector<1x1x320xf32> to vector<1xf32>
    %reduce_sum3A_829 = vector.shape_cast %reduce_sum3A_828 : vector<1xf32> to vector<1x1x1xf32>
    %reduce_sum3A_830 = vector.extract %reduce_sum3A_829[0, 0, 0] : f32 from vector<1x1x1xf32>
    %reduce_sum3A_831 = vector.shape_cast %slice3A_825 : vector<1x64xf32> to vector<1x1x64xf32>
    %reduce_sum3A_832 = arith.constant dense<0.000000e+00> : vector<1xf32>
    %reduce_sum3A_833 = vector.multi_reduction <add>, %reduce_sum3A_831, %reduce_sum3A_832 [1, 2] : vector<1x1x64xf32> to vector<1xf32>
    %reduce_sum3A_834 = vector.shape_cast %reduce_sum3A_833 : vector<1xf32> to vector<1x1x1xf32>
    %reduce_sum3A_835 = vector.extract %reduce_sum3A_834[0, 0, 0] : f32 from vector<1x1x1xf32>
    %sub3A_836 = arith.subf %reduce_sum3A_830, %reduce_sum3A_835 : f32
    %add3A_837 = vector.broadcast %sub3A_836 : f32 to vector<1x64xf32>
    %add3A_838 = arith.addf %slice3A_825, %add3A_837 : vector<1x64xf32>
    %log3A_839 = math.log %add3A_838 : vector<1x64xf32>
    %sub3A_840 = arith.subf %slice3A_824, %log3A_839 : vector<1x64xf32>
    %reduce_sum3A_841 = vector.shape_cast %sub3A_840 : vector<1x64xf32> to vector<1x1x64xf32>
    %reduce_sum3A_842 = arith.constant dense<0.000000e+00> : vector<1xf32>
    %reduce_sum3A_843 = vector.multi_reduction <add>, %reduce_sum3A_841, %reduce_sum3A_842 [1, 2] : vector<1x1x64xf32> to vector<1xf32>
    %reduce_sum3A_844 = vector.shape_cast %reduce_sum3A_843 : vector<1xf32> to vector<1x1x1xf32>
    %reduce_sum3A_845 = vector.extract %reduce_sum3A_844[0, 0, 0] : f32 from vector<1x1x1xf32>
    %div3A_846 = arith.constant 6.400000e+01 : f32
    %div3A_847 = arith.divf %reduce_sum3A_845, %div3A_846 : f32
    %neg3A_848 = arith.constant 0.000000e+00 : f32
    %neg3A_849 = arith.subf %neg3A_848, %div3A_847 : f32
    %add3A_850 = arith.addf %add3A_821, %neg3A_849 : f32
    %div3A_851 = arith.constant 4.000000e+00 : f32
    %div3A_852 = arith.divf %add3A_850, %div3A_851 : f32
    %add3A_853 = arith.addf %add3A_733, %div3A_852 : f32
    %slice3A_854 = vector.extract_strided_slice %mul3A_17 {offsets = [35, 0], sizes = [1, 320], strides = [1, 1]} : vector<40x320xf32> to vector<1x320xf32>
    %slice3A_855 = vector.extract_strided_slice %exp3A {offsets = [35, 0], sizes = [1, 320], strides = [1, 1]} : vector<40x320xf32> to vector<1x320xf32>
    %slice3A_856 = vector.extract_strided_slice %slice3A_854 {offsets = [0, 64], sizes = [1, 64], strides = [1, 1]} : vector<1x320xf32> to vector<1x64xf32>
    %slice3A_857 = vector.extract_strided_slice %slice3A_855 {offsets = [0, 64], sizes = [1, 64], strides = [1, 1]} : vector<1x320xf32> to vector<1x64xf32>
    %reduce_sum3A_858 = vector.shape_cast %slice3A_855 : vector<1x320xf32> to vector<1x1x320xf32>
    %reduce_sum3A_859 = arith.constant dense<0.000000e+00> : vector<1xf32>
    %reduce_sum3A_860 = vector.multi_reduction <add>, %reduce_sum3A_858, %reduce_sum3A_859 [1, 2] : vector<1x1x320xf32> to vector<1xf32>
    %reduce_sum3A_861 = vector.shape_cast %reduce_sum3A_860 : vector<1xf32> to vector<1x1x1xf32>
    %reduce_sum3A_862 = vector.extract %reduce_sum3A_861[0, 0, 0] : f32 from vector<1x1x1xf32>
    %reduce_sum3A_863 = vector.shape_cast %slice3A_857 : vector<1x64xf32> to vector<1x1x64xf32>
    %reduce_sum3A_864 = arith.constant dense<0.000000e+00> : vector<1xf32>
    %reduce_sum3A_865 = vector.multi_reduction <add>, %reduce_sum3A_863, %reduce_sum3A_864 [1, 2] : vector<1x1x64xf32> to vector<1xf32>
    %reduce_sum3A_866 = vector.shape_cast %reduce_sum3A_865 : vector<1xf32> to vector<1x1x1xf32>
    %reduce_sum3A_867 = vector.extract %reduce_sum3A_866[0, 0, 0] : f32 from vector<1x1x1xf32>
    %sub3A_868 = arith.subf %reduce_sum3A_862, %reduce_sum3A_867 : f32
    %add3A_869 = vector.broadcast %sub3A_868 : f32 to vector<1x64xf32>
    %add3A_870 = arith.addf %slice3A_857, %add3A_869 : vector<1x64xf32>
    %log3A_871 = math.log %add3A_870 : vector<1x64xf32>
    %sub3A_872 = arith.subf %slice3A_856, %log3A_871 : vector<1x64xf32>
    %reduce_sum3A_873 = vector.shape_cast %sub3A_872 : vector<1x64xf32> to vector<1x1x64xf32>
    %reduce_sum3A_874 = arith.constant dense<0.000000e+00> : vector<1xf32>
    %reduce_sum3A_875 = vector.multi_reduction <add>, %reduce_sum3A_873, %reduce_sum3A_874 [1, 2] : vector<1x1x64xf32> to vector<1xf32>
    %reduce_sum3A_876 = vector.shape_cast %reduce_sum3A_875 : vector<1xf32> to vector<1x1x1xf32>
    %reduce_sum3A_877 = vector.extract %reduce_sum3A_876[0, 0, 0] : f32 from vector<1x1x1xf32>
    %div3A_878 = arith.constant 6.400000e+01 : f32
    %div3A_879 = arith.divf %reduce_sum3A_877, %div3A_878 : f32
    %neg3A_880 = arith.constant 0.000000e+00 : f32
    %neg3A_881 = arith.subf %neg3A_880, %div3A_879 : f32
    %add3A_882 = arith.constant 0.000000e+00 : f32
    %add3A_883 = arith.addf %add3A_882, %neg3A_881 : f32
    %slice3A_884 = vector.extract_strided_slice %mul3A_17 {offsets = [36, 0], sizes = [1, 320], strides = [1, 1]} : vector<40x320xf32> to vector<1x320xf32>
    %slice3A_885 = vector.extract_strided_slice %exp3A {offsets = [36, 0], sizes = [1, 320], strides = [1, 1]} : vector<40x320xf32> to vector<1x320xf32>
    %slice3A_886 = vector.extract_strided_slice %slice3A_884 {offsets = [0, 128], sizes = [1, 64], strides = [1, 1]} : vector<1x320xf32> to vector<1x64xf32>
    %slice3A_887 = vector.extract_strided_slice %slice3A_885 {offsets = [0, 128], sizes = [1, 64], strides = [1, 1]} : vector<1x320xf32> to vector<1x64xf32>
    %reduce_sum3A_888 = vector.shape_cast %slice3A_885 : vector<1x320xf32> to vector<1x1x320xf32>
    %reduce_sum3A_889 = arith.constant dense<0.000000e+00> : vector<1xf32>
    %reduce_sum3A_890 = vector.multi_reduction <add>, %reduce_sum3A_888, %reduce_sum3A_889 [1, 2] : vector<1x1x320xf32> to vector<1xf32>
    %reduce_sum3A_891 = vector.shape_cast %reduce_sum3A_890 : vector<1xf32> to vector<1x1x1xf32>
    %reduce_sum3A_892 = vector.extract %reduce_sum3A_891[0, 0, 0] : f32 from vector<1x1x1xf32>
    %reduce_sum3A_893 = vector.shape_cast %slice3A_887 : vector<1x64xf32> to vector<1x1x64xf32>
    %reduce_sum3A_894 = arith.constant dense<0.000000e+00> : vector<1xf32>
    %reduce_sum3A_895 = vector.multi_reduction <add>, %reduce_sum3A_893, %reduce_sum3A_894 [1, 2] : vector<1x1x64xf32> to vector<1xf32>
    %reduce_sum3A_896 = vector.shape_cast %reduce_sum3A_895 : vector<1xf32> to vector<1x1x1xf32>
    %reduce_sum3A_897 = vector.extract %reduce_sum3A_896[0, 0, 0] : f32 from vector<1x1x1xf32>
    %sub3A_898 = arith.subf %reduce_sum3A_892, %reduce_sum3A_897 : f32
    %add3A_899 = vector.broadcast %sub3A_898 : f32 to vector<1x64xf32>
    %add3A_900 = arith.addf %slice3A_887, %add3A_899 : vector<1x64xf32>
    %log3A_901 = math.log %add3A_900 : vector<1x64xf32>
    %sub3A_902 = arith.subf %slice3A_886, %log3A_901 : vector<1x64xf32>
    %reduce_sum3A_903 = vector.shape_cast %sub3A_902 : vector<1x64xf32> to vector<1x1x64xf32>
    %reduce_sum3A_904 = arith.constant dense<0.000000e+00> : vector<1xf32>
    %reduce_sum3A_905 = vector.multi_reduction <add>, %reduce_sum3A_903, %reduce_sum3A_904 [1, 2] : vector<1x1x64xf32> to vector<1xf32>
    %reduce_sum3A_906 = vector.shape_cast %reduce_sum3A_905 : vector<1xf32> to vector<1x1x1xf32>
    %reduce_sum3A_907 = vector.extract %reduce_sum3A_906[0, 0, 0] : f32 from vector<1x1x1xf32>
    %div3A_908 = arith.constant 6.400000e+01 : f32
    %div3A_909 = arith.divf %reduce_sum3A_907, %div3A_908 : f32
    %neg3A_910 = arith.constant 0.000000e+00 : f32
    %neg3A_911 = arith.subf %neg3A_910, %div3A_909 : f32
    %add3A_912 = arith.addf %add3A_883, %neg3A_911 : f32
    %slice3A_913 = vector.extract_strided_slice %mul3A_17 {offsets = [37, 0], sizes = [1, 320], strides = [1, 1]} : vector<40x320xf32> to vector<1x320xf32>
    %slice3A_914 = vector.extract_strided_slice %exp3A {offsets = [37, 0], sizes = [1, 320], strides = [1, 1]} : vector<40x320xf32> to vector<1x320xf32>
    %slice3A_915 = vector.extract_strided_slice %slice3A_913 {offsets = [0, 192], sizes = [1, 64], strides = [1, 1]} : vector<1x320xf32> to vector<1x64xf32>
    %slice3A_916 = vector.extract_strided_slice %slice3A_914 {offsets = [0, 192], sizes = [1, 64], strides = [1, 1]} : vector<1x320xf32> to vector<1x64xf32>
    %reduce_sum3A_917 = vector.shape_cast %slice3A_914 : vector<1x320xf32> to vector<1x1x320xf32>
    %reduce_sum3A_918 = arith.constant dense<0.000000e+00> : vector<1xf32>
    %reduce_sum3A_919 = vector.multi_reduction <add>, %reduce_sum3A_917, %reduce_sum3A_918 [1, 2] : vector<1x1x320xf32> to vector<1xf32>
    %reduce_sum3A_920 = vector.shape_cast %reduce_sum3A_919 : vector<1xf32> to vector<1x1x1xf32>
    %reduce_sum3A_921 = vector.extract %reduce_sum3A_920[0, 0, 0] : f32 from vector<1x1x1xf32>
    %reduce_sum3A_922 = vector.shape_cast %slice3A_916 : vector<1x64xf32> to vector<1x1x64xf32>
    %reduce_sum3A_923 = arith.constant dense<0.000000e+00> : vector<1xf32>
    %reduce_sum3A_924 = vector.multi_reduction <add>, %reduce_sum3A_922, %reduce_sum3A_923 [1, 2] : vector<1x1x64xf32> to vector<1xf32>
    %reduce_sum3A_925 = vector.shape_cast %reduce_sum3A_924 : vector<1xf32> to vector<1x1x1xf32>
    %reduce_sum3A_926 = vector.extract %reduce_sum3A_925[0, 0, 0] : f32 from vector<1x1x1xf32>
    %sub3A_927 = arith.subf %reduce_sum3A_921, %reduce_sum3A_926 : f32
    %add3A_928 = vector.broadcast %sub3A_927 : f32 to vector<1x64xf32>
    %add3A_929 = arith.addf %slice3A_916, %add3A_928 : vector<1x64xf32>
    %log3A_930 = math.log %add3A_929 : vector<1x64xf32>
    %sub3A_931 = arith.subf %slice3A_915, %log3A_930 : vector<1x64xf32>
    %reduce_sum3A_932 = vector.shape_cast %sub3A_931 : vector<1x64xf32> to vector<1x1x64xf32>
    %reduce_sum3A_933 = arith.constant dense<0.000000e+00> : vector<1xf32>
    %reduce_sum3A_934 = vector.multi_reduction <add>, %reduce_sum3A_932, %reduce_sum3A_933 [1, 2] : vector<1x1x64xf32> to vector<1xf32>
    %reduce_sum3A_935 = vector.shape_cast %reduce_sum3A_934 : vector<1xf32> to vector<1x1x1xf32>
    %reduce_sum3A_936 = vector.extract %reduce_sum3A_935[0, 0, 0] : f32 from vector<1x1x1xf32>
    %div3A_937 = arith.constant 6.400000e+01 : f32
    %div3A_938 = arith.divf %reduce_sum3A_936, %div3A_937 : f32
    %neg3A_939 = arith.constant 0.000000e+00 : f32
    %neg3A_940 = arith.subf %neg3A_939, %div3A_938 : f32
    %add3A_941 = arith.addf %add3A_912, %neg3A_940 : f32
    %slice3A_942 = vector.extract_strided_slice %mul3A_17 {offsets = [38, 0], sizes = [1, 320], strides = [1, 1]} : vector<40x320xf32> to vector<1x320xf32>
    %slice3A_943 = vector.extract_strided_slice %exp3A {offsets = [38, 0], sizes = [1, 320], strides = [1, 1]} : vector<40x320xf32> to vector<1x320xf32>
    %slice3A_944 = vector.extract_strided_slice %slice3A_942 {offsets = [0, 256], sizes = [1, 64], strides = [1, 1]} : vector<1x320xf32> to vector<1x64xf32>
    %slice3A_945 = vector.extract_strided_slice %slice3A_943 {offsets = [0, 256], sizes = [1, 64], strides = [1, 1]} : vector<1x320xf32> to vector<1x64xf32>
    %reduce_sum3A_946 = vector.shape_cast %slice3A_943 : vector<1x320xf32> to vector<1x1x320xf32>
    %reduce_sum3A_947 = arith.constant dense<0.000000e+00> : vector<1xf32>
    %reduce_sum3A_948 = vector.multi_reduction <add>, %reduce_sum3A_946, %reduce_sum3A_947 [1, 2] : vector<1x1x320xf32> to vector<1xf32>
    %reduce_sum3A_949 = vector.shape_cast %reduce_sum3A_948 : vector<1xf32> to vector<1x1x1xf32>
    %reduce_sum3A_950 = vector.extract %reduce_sum3A_949[0, 0, 0] : f32 from vector<1x1x1xf32>
    %reduce_sum3A_951 = vector.shape_cast %slice3A_945 : vector<1x64xf32> to vector<1x1x64xf32>
    %reduce_sum3A_952 = arith.constant dense<0.000000e+00> : vector<1xf32>
    %reduce_sum3A_953 = vector.multi_reduction <add>, %reduce_sum3A_951, %reduce_sum3A_952 [1, 2] : vector<1x1x64xf32> to vector<1xf32>
    %reduce_sum3A_954 = vector.shape_cast %reduce_sum3A_953 : vector<1xf32> to vector<1x1x1xf32>
    %reduce_sum3A_955 = vector.extract %reduce_sum3A_954[0, 0, 0] : f32 from vector<1x1x1xf32>
    %sub3A_956 = arith.subf %reduce_sum3A_950, %reduce_sum3A_955 : f32
    %add3A_957 = vector.broadcast %sub3A_956 : f32 to vector<1x64xf32>
    %add3A_958 = arith.addf %slice3A_945, %add3A_957 : vector<1x64xf32>
    %log3A_959 = math.log %add3A_958 : vector<1x64xf32>
    %sub3A_960 = arith.subf %slice3A_944, %log3A_959 : vector<1x64xf32>
    %reduce_sum3A_961 = vector.shape_cast %sub3A_960 : vector<1x64xf32> to vector<1x1x64xf32>
    %reduce_sum3A_962 = arith.constant dense<0.000000e+00> : vector<1xf32>
    %reduce_sum3A_963 = vector.multi_reduction <add>, %reduce_sum3A_961, %reduce_sum3A_962 [1, 2] : vector<1x1x64xf32> to vector<1xf32>
    %reduce_sum3A_964 = vector.shape_cast %reduce_sum3A_963 : vector<1xf32> to vector<1x1x1xf32>
    %reduce_sum3A_965 = vector.extract %reduce_sum3A_964[0, 0, 0] : f32 from vector<1x1x1xf32>
    %div3A_966 = arith.constant 6.400000e+01 : f32
    %div3A_967 = arith.divf %reduce_sum3A_965, %div3A_966 : f32
    %neg3A_968 = arith.constant 0.000000e+00 : f32
    %neg3A_969 = arith.subf %neg3A_968, %div3A_967 : f32
    %add3A_970 = arith.addf %add3A_941, %neg3A_969 : f32
    %div3A_971 = arith.constant 4.000000e+00 : f32
    %div3A_972 = arith.divf %add3A_970, %div3A_971 : f32
    %add3A_973 = arith.addf %add3A_853, %div3A_972 : f32
    %div3A_974 = arith.constant 8.000000e+00 : f32
    %div3A_975 = arith.divf %add3A_973, %div3A_974 : f32
    %broadcast_in_dim3A_976 = vector.broadcast %div3A_975 : f32 to vector<1x1xf32>
    %swap3A = arith.constant 0 : index
    %swap3A_977 = arith.constant 0 : index
    %swap3A_978 = vector.load %arg3[%swap3A, %swap3A_977] : memref<1x1xf32, #tpu.memory_space<vmem>>, vector<1x1xf32>
    tpu.vector_store %arg3[%swap3A, %swap3A_977], %broadcast_in_dim3A_976 {strides = array<i32>} : memref<1x1xf32, #tpu.memory_space<vmem>>, vector<1x1xf32>,
    return
  }
}

</mosaic_0001>

<sc_bundles>
// kernel: kernel.5.cloned.1.call-start
scs
__scs_entry_jumppad:
0x0: {  	(pc) =	sbr.rel $0x88, $3  }
0x1: {  	(tag) =	ssettag $0x0;
	lr =	simm.s32 $0x1  }
0x2: {  	[smem:$0x3F9C] =	sst lr;
	_ =	strace $0xD0000000  }
0x3: {  	_ = 	snop  }
0x4: {  	_ = 	snop  }
0x5: {  	_ = 	snop  }
0x6: {  	_ = 	snop  }
0x7: {  	_ = 	snop  }
__scs_overlays_trampoline_lowered:
0x8: {  	[smem:$0x3FAB] =	sst s0  }
0x9: {  	[smem:$0x3FAC] =	sst s1  }
0xa: {  	[smem:$0x3FAD] =	sst s2  }
0xb: {  	[smem:$0x3FAE] =	sst s3  }
0xc: {  	[smem:$0x3FAF] =	sst s4  }
0xd: {  	[smem:$0x3FB0] =	sst s5  }
0xe: {  	[smem:$0x3FB1] =	sst s6  }
0xf: {  	[smem:$0x3FB2] =	sst s7  }
0x10: {  	[smem:$0x3FB3] =	sst s8  }
0x11: {  	[smem:$0x3FB4] =	sst s9;
	s0 =	simm.s32 @!p0 $0x0  }
0x12: {  	s1 =	sld [smem:$0x3F9A];
	s0 =	simm.s32 @p0 $0x1  }
0x13: {  	[smem:$0x3FB5] =	sst s0;
	s0 =	simm.s32 @!p1 $0x0  }
0x14: {  	s2 =	sld [smem:$0x3F99];
	s0 =	simm.s32 @p1 $0x1  }
0x15: {  	[smem:$0x3FB6] =	sst s0;
	s0 =	simm.s32 @!p2 $0x0  }
0x16: {  	s3 =	sld [smem:$0x3FDB];
	s0 =	simm.s32 @p2 $0x1  }
0x17: {  	s4 =	simm.s32 $0x1BF5;
	[smem:$0x3FB8] =	sst s0  }
0x18: {  	s0 =	sld [smem:$0x3F9B];
	_ =	swait.ge [sflag:s4], $0x0  }
0x19: {  	s7 =	sld [smem:$0x3F9C]  }
0x1a: {  	s8 =	sadd.s32 $0xFFFFE003, lr  }
0x1b: {  	s9 =	sadd.s32 $0xFFFFFEF7, lr;
	s5 =	simm.s32 $0xFFFFFFFF;
	p2 =	slt.u32 s8, $0xFFFFF086  }
0x1c: {  	p1 =	slt.u32 s9, $0xF7A;
	s5 =	simm.s32 @!p2 $0x0  }
0x1d: {  	s5 =	simm.s32 @p1 $0x1;
	p0 =	seq.s32 s7, s2  }
0x1e: {  	s7 =	smul.u32 @!p0 $0xF7A, s2;
	p2 =	seq.s32 @!p0 s5, $0x0  }
0x1f: {  	s9 =	smul.u32 $0xF7A, s1;
	s8 =	simm.s32 @!p0 $0x1BF5;
	p2 =	por !p2, p0  }
0x20: {  	[sflag:s8] =	ssyncset.s32 @!p0 $0xFFFFF086;
	s6 =	sadd.s32 @!p0 s3, s7;
	s7 =	simm.s32 @!p0 $0x108  }
0x21: {  	s3 =	sadd.s32 s3, s9;
	s6 =	sadd.s32 @!p0 $0x88, s6;
	s7 =	simm.s32 @p2 $0x1082  }
0x22: {  	[simem:s7], [sflag:s8] =	dma.local @!p0 [hbm:s6], $0xF7A  }
0x23: {  	s9 =	sor.u32 $0xD0000000, s2;
	s6 =	simm.s32 $0x108;
	_ =	swait.ge @!p0 [sflag:s8], $0x0  }
0x24: {  	s3 =	sadd.s32 $0x88, s3;
	s6 =	simm.s32 @!p1 $0x1082;
	[sflag:s4] =	ssyncset.s32 $0xFFFFF086  }
0x25: {  	[simem:s6], [sflag:s4] =	dma.local [hbm:s3], $0xF7A  }
0x26: {  	[smem:$0x3F9C] =	sst s1;
	(tag) =	ssettag s2;
	_ =	strace s9  }
0x27: {  	s1 =	sld [smem:$0x3FAC]  }
0x28: {  	s2 =	sld [smem:$0x3FAD]  }
0x29: {  	s4 =	sld [smem:$0x3FAF]  }
0x2a: {  	p0 =	seq.s32 s5, $0x0;
	s5 =	sld [smem:$0x3FB0]  }
0x2b: {  	s6 =	sld [smem:$0x3FB1]  }
0x2c: {  	s7 =	sld [smem:$0x3FB2]  }
0x2d: {  	s3 =	simm.s32 $0x108;
	s8 =	sld [smem:$0x3FB3]  }
0x2e: {  	s3 =	simm.s32 @!p0 $0x1082;
	s9 =	sld [smem:$0x3FB4]  }
0x2f: {  	lr =	sadd.s32 s0, s3;
	s0 =	sld [smem:$0x3FAB]  }
0x30: {  	s3 =	sld [smem:$0x3FAE]  }
0x31: {  	[smem:$0x3FB7] =	sst s10  }
0x32: {  	s10 =	sld [smem:$0x3FB5];
	_ =	sdelay $0x3  }
0x33: {  	p0 =	seq.s32 s10, $0x1;
	s10 =	sld [smem:$0x3FB7];
	_ =	sdelay $0x3  }
0x34: {  	[smem:$0x3FB7] =	sst s10  }
0x35: {  	s10 =	sld [smem:$0x3FB6];
	_ =	sdelay $0x3  }
0x36: {  	p1 =	seq.s32 s10, $0x1;
	s10 =	sld [smem:$0x3FB7];
	_ =	sdelay $0x3  }
0x37: {  	[smem:$0x3FB7] =	sst s10  }
0x38: {  	s10 =	sld [smem:$0x3FB8]  }
0x39: {  	_ = 	snop;
	(pc) =	sbr.ind lr, $3  }
0x3a: {  	_ = 	snop  }
0x3b: {  	_ = 	snop  }
0x3c: {  	p2 =	seq.s32 s10, $0x1;
	s10 =	sld [smem:$0x3FB7]  }
0x3d: {  	_ =	shalt  }
0x3e: {  	_ =	shalt  }
0x3f: {  	_ =	shalt  }
0x40: {  	_ =	shalt  }
0x41: {  	_ =	shalt  }
0x42: {  	_ =	shalt  }
0x43: {  	_ =	shalt  }
0x44: {  	_ =	shalt  }
0x45: {  	_ =	shalt  }
0x46: {  	_ =	shalt  }
0x47: {  	_ =	shalt  }
0x48: {  	_ =	shalt  }
0x49: {  	_ =	shalt  }
0x4a: {  	_ =	shalt  }
0x4b: {  	_ =	shalt  }
0x4c: {  	_ =	shalt  }
0x4d: {  	_ =	shalt  }
0x4e: {  	_ =	shalt  }
0x4f: {  	_ =	shalt  }
0x50: {  	_ =	shalt  }
0x51: {  	_ =	shalt  }
0x52: {  	_ =	shalt  }
0x53: {  	_ =	shalt  }
0x54: {  	_ =	shalt  }
0x55: {  	_ =	shalt  }
0x56: {  	_ =	shalt  }
0x57: {  	_ =	shalt  }
0x58: {  	_ =	shalt  }
0x59: {  	_ =	shalt  }
0x5a: {  	_ =	shalt  }
0x5b: {  	_ =	shalt  }
0x5c: {  	_ =	shalt  }
0x5d: {  	_ =	shalt  }
0x5e: {  	_ =	shalt  }
0x5f: {  	_ =	shalt  }
0x60: {  	_ =	shalt  }
0x61: {  	_ =	shalt  }
0x62: {  	_ =	shalt  }
0x63: {  	_ =	shalt  }
0x64: {  	_ =	shalt  }
0x65: {  	_ =	shalt  }
0x66: {  	_ =	shalt  }
0x67: {  	_ =	shalt  }
0x68: {  	_ =	shalt  }
0x69: {  	_ =	shalt  }
0x6a: {  	_ =	shalt  }
0x6b: {  	_ =	shalt  }
0x6c: {  	_ =	shalt  }
0x6d: {  	_ =	shalt  }
0x6e: {  	_ =	shalt  }
0x6f: {  	_ =	shalt  }
0x70: {  	_ =	shalt  }
0x71: {  	_ =	shalt  }
0x72: {  	_ =	shalt  }
0x73: {  	_ =	shalt  }
0x74: {  	_ =	shalt  }
0x75: {  	_ =	shalt  }
0x76: {  	_ =	shalt  }
0x77: {  	_ =	shalt  }
0x78: {  	_ =	shalt  }
0x79: {  	_ =	shalt  }
0x7a: {  	_ =	shalt  }
0x7b: {  	_ =	shalt  }
0x7c: {  	_ =	shalt  }
0x7d: {  	_ =	shalt  }
0x7e: {  	_ =	shalt  }
0x7f: {  	_ =	shalt  }
0x80: {  	_ =	shalt  }
0x81: {  	_ =	shalt  }
0x82: {  	_ =	shalt  }
0x83: {  	_ =	shalt  }
0x84: {  	_ =	shalt  }
0x85: {  	_ =	shalt  }
0x86: {  	_ =	shalt  }
0x87: {  	_ =	shalt  }
.Lfunc_end0:
.L_simem_size_0:
called_computation_lowered:
.L_overlay_start_0:
0x88: {  	s2 =	sld [smem:$0x3FD9]  }
0x89: {  	s3 =	sld [smem:$0x3FFE];
	_ =	sdelay $0x1  }
0x8a: {  	s1 =	srdreg.scid  }
0x8b: {  	s0 =	sand.u32 $0x1, s1  }
0x8c: {  	s17 =	sshll.u32 s0, $0xA;
	s2 =	sadd.s32 s3, s2  }
0x8d: {  	s2 =	sadd.s32 s2, s17  }
0x8e: {  	[smem:$0x3FC3] =	sst s2  }
0x8f: {  	_ = 	snop  }
0x90: {  	s2 =	sld [smem:$0x3FC8];
	(tm) =	ssettm $0x1  }
0x91: {  	s18 =	sld [smem:$0x3FFB];
	_ =	sdelay $0x3  }
0x92: {  	_ =	strace s18  }
0x93: {  	s3 =	sld [smem:$0x3FFC];
	_ =	sdelay $0x3  }
0x94: {  	_ =	strace s3  }
0x95: {  	s3 =	sld [smem:$0x3FFD];
	_ =	sdelay $0x3  }
0x96: {  	_ =	strace s3  }
0x97: {  	_ =	strace $0x8FFFFFFF  }
0x98: {  	s19 =	sld [smem:$0x3FDB];
	_ =	sdelay $0x1  }
0x99: {  	s4 =	simm.s32 $_scs_section_size  }
0x9a: {  	s5 =	simm.s32 $_size__tile_overlayer_lowered;
	s6 =	simm.s32 $_tile_overlayer_lowered  }
0x9b: {  	s22 =	simm.s32 $0x1BFF;
	s21 =	sshll.u32 s6, $0x1;
	s3 =	sadd.s32 s4, s19  }
0x9c: {  	s7 =	simm.s32 $0x0;
	s20 =	sshll.u32 s5, $0x1;
	s5 =	sadd.s32 s21, s3  }
0x9d: {  	[timem:s7], [sflag:s22] =	dma.local [hbm:s5], s20  }
0x9e: {  	_ =	swait.ge [sflag:s22], s20  }
0x9f: {  	s4 =	ssub.s32 $0x0, s20;
	[sflag:s22] =	ssyncset.done $0x0  }
0xa0: {  	[sflag:s22] =	ssyncadd.s32 s4;
	_ =	sdelay $0x1  }
0xa1: {  	s23 =	simm.s32 $0x1B8B  }
0xa2: {  	_ =	swait.ge [sflag:s23], $0x1  }
0xa3: {  	[sflag:s23] =	ssyncset.done $0x0  }
0xa4: {  	s25 =	simm.s32 $0x1B8E;
	s24 =	sld [smem:$0x3FFE];
	[sflag:s23] =	ssyncadd.s32 $0xFFFFFFFF  }
0xa5: {  	s26 =	simm.s32 $execute0_lowered;
	[smem:$0x3FD2] =	sst s25  }
0xa6: {  	s5 =	sshll.u32 s26, $0x1;
	_ =	strace $0x80000046;
	[dreg:$0x1] =	wrdreg $0xFFFFFFFF  }
0xa7: {  	s28 =	simm.s32 $_size_execute0_lowered;
	s3 =	sadd.s32 s3, s5;
	[dreg:$0x0] =	wrdreg $0x0  }
0xa8: {  	s5 =	sshll.u32 s28, $0x1;
	[dreg:$0x2] =	wrdreg s3  }
0xa9: {  	[dreg:$0x3] =	wrdreg s5  }
0xaa: {  	[dreg:$0x4] =	wrdreg $0xC0  }
0xab: {  	_ =	task [dreg:s7], $0x5FFFF  }
0xac: {  	[dreg:$0x1] =	wrdreg $0xFFFFFFFF  }
0xad: {  	[dreg:$0x0] =	wrdreg $0x60  }
0xae: {  	[dreg:$0x2] =	wrdreg s2  }
0xaf: {  	[dreg:$0x3] =	wrdreg s24  }
0xb0: {  	[dreg:$0x4] =	wrdreg $0x9  }
0xb1: {  	_ =	task.clear_ibuf [dreg:s7], $0x5FFFF;
	_ =	strace $0x90000046  }
0xb2: {  	s29 =	simm.s32 $0x9;
	_ =	strace $0x80000048  }
0xb3: {  	_ =	swait.ge [sflag:s29], $0x1  }
0xb4: {  	[sflag:s29] =	ssyncadd.s32 $0xFFFFFFFF  }
0xb5: {  	_ =	strace $0x90000048  }
0xb6: {  	_ =	sfence  }
0xb7: {  	s30 =	sld [smem:$0x0];
	_ =	sdelay $0x2  }
0xb8: {  	s31 =	sshll.u32 s1, $0xD;
	s1 =	sshrl.u32 s1, $0x2  }
0xb9: {  	s3 =	sand.u32 $0x4000, s31;
	s1 =	sadd.s32 s1, s30  }
0xba: {  	s0 =	sor.u32 s3, s0;
	s1 =	sshll.u32 s1, $0x11  }
0xbb: {  	s0 =	sor.u32 s1, s0  }
0xbc: {  	s0 =	sadd.s32 $0x8F2B, s0  }
0xbd: {  	[sflag:s0] =	ssyncadd.remote.s32 $0x1  }
0xbe: {  	_ =	sfence.sel $0xFFFF  }
0xbf: {  	[dreg:$0x0] =	wrdreg $0xFFFFFFFF;
	(pc) =	sbr.abs _section_cstart, $3  }
0xc0: {  	[dreg:$0x1] =	wrdreg $0xFFFFFFFF  }
0xc1: {  	_ =	task.clear_ibuf [dreg:s7], $0x2FFFF;
	_ =	strace $0x9FFFFFFF  }
0xc2: {  	(tm) =	ssettm $0x7FFFFFFF  }
0xc3: {  	_ =	shalt  }
tec
execute0_lowered:
.L_overlay_start_1:
0x0: {  	(tag) =	ssettag $0x1  }
0x1: {  	s2 =	rddreg [dreg:$0x0]  }
0x2: {  	s0 =	rddreg [dreg:$0x1];
	s3 =	simm.s32 $0x0  }
0x3: {  	s5 =	stileid.u32;
	s1 =	srdreg.scid;
	s19 =	simm.s32 $0x5  }
0x4: {  	s28 =	simm.s32 $0x4;
	s30 =	simm.s32 $0x6;
	s21 =	simm.s32 $0x0  }
0x5: {  	[smem:$0x7FF] =	sst s3;
	s4 =	sshll.u32 s5, $0x1;
	s6 =	sshrl.u32 s5, $0x1  }
0x6: {  	s1 =	sand.u32 $0x1, s1;
	s4 =	sand.u32 $0x2, s4;
	_ =	strace $0x80000047  }
0x7: {  	s5 =	sshll.u32 s6, $0xB;
	s22 =	sshll.u32 s6, $0x8;
	s13 =	smul.u32 $0x500, s6  }
0x8: {  	s4 =	sor.u32 s1, s4;
	s1 =	ssub.s32 $0x2, s1;
	s5 =	sadd.s32 s5, s0  }
0x9: {  	v0 =	vimm.s32 $0xFEDCBA98;
	v1 =	vimm.s32 $0x76543210;
	s0 =	sadd.s32 $0x4C00, s0;
	s11 =	sshll.u32 s4, $0x6;
	s7 =	sshrl.u32 s1, $0x1  }
0xa: {  	v2 =	vimm.s32 $0xBA98FEDC;
	v3 =	vimm.s32 $0x32107654;
	s24 =	sadd.s32 $0xC00, s5;
	s12 =	sor.u32 s22, s11;
	s1 =	ssub.s32 s1, s7  }
0xb: {  	v4 =	vimm.s32 $0xDCFE98BA;
	v5 =	vimm.s32 $0x54761032;
	[dreg:$0x3] =	wrdreg s24;
	s14 =	sor.u32 s13, s11;
	s22 =	simm.s32 $0xC000  }
0xc: {  	v6 =	vimm.s32 $0xEFCDAB89;
	v7 =	vimm.s32 $0x67452301;
	s24 =	simm.s32 $0x1;
	s23 =	sshll.u32 s12, $0xB;
	s9 =	sor.u32 $0x4, s12  }
0xd: {  	v0 =	vunpack.c.l.s4.s8 v0;
	v1 =	vunpack.c.l.s4.s8 v1;
	v2 =	vunpack.c.l.s4.s8 v2;
	s10 =	sor.u32 $0x5, s12;
	s11 =	sor.u32 $0x6, s12;
	s13 =	sshrl.u32 s14, $0x3  }
0xe: {  	v3 =	vunpack.c.l.s4.s8 v3;
	v4 =	vunpack.c.l.s4.s8 v4;
	v5 =	vunpack.c.l.s4.s8 v5;
	s15 =	sadd.s32 $0x100, s14;
	s12 =	sor.u32 $0x7, s12;
	s16 =	sadd.s32 $0x200, s14  }
0xf: {  	v6 =	vunpack.c.l.s4.s8 v6;
	v7 =	vunpack.c.l.s4.s8 v7;
	v0 =	vunpack.c.0.s8.s32 v0;
	s17 =	sadd.s32 $0x300, s14;
	s18 =	sadd.s32 $0x400, s14;
	s5 =	sadd.s32 s2, s23  }
0x10: {  	v2 =	vunpack.c.0.s8.s32 v2;
	v3 =	vunpack.c.0.s8.s32 v3;
	v4 =	vunpack.c.0.s8.s32 v4;
	s13 =	sadd.s32 s0, s13;
	s15 =	sshrl.u32 s15, $0x3;
	s26 =	sshrl.u32 s16, $0x3  }
.Ltmp0:
0x11: {  	v5 =	vunpack.c.0.s8.s32 v5;
	v6 =	vunpack.c.0.s8.s32 v6;
	v7 =	vunpack.c.0.s8.s32 v7;
	s29 =	sshrl.u32 s17, $0x3;
	s31 =	sshrl.u32 s18, $0x3;
	(pc) =	sbr.rel .LBB2_1-.Ltmp0, $4  }
0x12: {  	v3 =	vcombine.low v3, v2;
	v2 =	vunpack.c.0.s8.s32 v1;
	s18 =	smax.u32 s1, $0x1;
	s23 =	simm.s32 $0x10000;
	s25 =	sadd.s32 $0x800, s5  }
0x13: {  	v8 =	vand.u32 $0xF, v0;
	v4 =	vcombine.low v5, v4;
	v5 =	vcombine.low v7, v6;
	s7 =	sadd.s32 $0x1000, s5;
	s8 =	sadd.s32 $0x1800, s5;
	s14 =	sadd.s32 s0, s15  }
0x14: {  	v0 =	vimm.f32 $0.0e+00;
	v1 =	vlaneseq.u32;
	v2 =	vcombine.low v8, v2;
	s15 =	sadd.s32 s0, s26;
	s16 =	sadd.s32 s0, s29;
	s17 =	sadd.s32 s0, s31  }
0x15: {  	v3 =	vand.u32 $0xF, v3;
	v4 =	vand.u32 $0xF, v4;
	v5 =	vand.u32 $0xF, v5;
	s26 =	simm.s32 $0x3;
	[dreg:$0x4] =	wrdreg s25;
	s25 =	simm.s32 $0x2  }
.LBB2_8:
0x16: {  	s0 =	simm.s32 $0x14000  }
0x17: {  	[hbm4b:s13+s3] =	stream.linear.scatter [tilespmem:s0], [sflag:$0x6], $0x40, $0x38;
	[tilespmem:$0x14180] =	vst v63  }
0x18: {  	_ =	swait.ge [sflag:s30], $0x40  }
0x19: {  	[sflag:s30] =	ssyncset.done $0x0  }
0x1a: {  	s6 =	simm.s32 $0x14040;
	[sflag:s30] =	ssyncadd.s32 $0xFFFFFFC0  }
0x1b: {  	[hbm4b:s14+s3] =	stream.linear.scatter [tilespmem:s6], [sflag:$0x6], $0x40, $0x38;
	[tilespmem:$0x14180] =	vst v63  }
0x1c: {  	_ =	swait.ge [sflag:s30], $0x40  }
0x1d: {  	[sflag:s30] =	ssyncset.done $0x0  }
0x1e: {  	s20 =	simm.s32 $0x14080;
	[sflag:s30] =	ssyncadd.s32 $0xFFFFFFC0  }
0x1f: {  	[hbm4b:s15+s3] =	stream.linear.scatter [tilespmem:s20], [sflag:$0x6], $0x40, $0x38;
	[tilespmem:$0x14180] =	vst v63  }
0x20: {  	_ =	swait.ge [sflag:s30], $0x40  }
0x21: {  	[sflag:s30] =	ssyncset.done $0x0  }
0x22: {  	s29 =	simm.s32 $0x140C0;
	[sflag:s30] =	ssyncadd.s32 $0xFFFFFFC0  }
0x23: {  	[hbm4b:s16+s3] =	stream.linear.scatter [tilespmem:s29], [sflag:$0x6], $0x40, $0x38;
	[tilespmem:$0x14180] =	vst v63  }
0x24: {  	s21 =	sadd.s32 $0x1, s21;
	_ =	swait.ge [sflag:s30], $0x40  }
0x25: {  	p0 =	sne.s32 s21, s18;
	[sflag:s30] =	ssyncset.done $0x0  }
.Ltmp1:
0x26: {  	s31 =	simm.s32 $0x14100;
	[sflag:s30] =	ssyncadd.s32 $0xFFFFFFC0;
	(pc) =	sbr.rel @!p0 .LBB2_9-.Ltmp1, $4  }
0x27: {  	[hbm4b:s17+s3] =	stream.linear.scatter [tilespmem:s31], [sflag:$0x6], $0x40, $0x38;
	[tilespmem:$0x14180] =	vst v63  }
0x28: {  	_ =	swait.ge [sflag:s30], $0x40  }
0x29: {  	[sflag:s30] =	ssyncset.done $0x0  }
0x2a: {  	[sflag:s30] =	ssyncadd.s32 $0xFFFFFFC0  }
.LBB2_1:
0x2b: {  	s0 =	rddreg [dreg:$0x3]  }
0x2c: {  	[tilespmem:s3], [sflag:$0x5] =	stream.linear.gather [hbm4b:s0+s3], $0x4000, $0x38;
	[tilespmem:$0x14180] =	vst v63  }
0x2d: {  	_ =	swait.ge [sflag:s19], $0x4000  }
0x2e: {  	[sflag:s19] =	ssyncset.done $0x0  }
0x2f: {  	[sflag:s19] =	ssyncadd.s32 $0xFFFFC000  }
0x30: {  	[tilespmem:$0x14000] =	vst v0  }
0x31: {  	[tilespmem:$0x14010] =	vst v0  }
0x32: {  	[tilespmem:$0x14020] =	vst v0  }
0x33: {  	[tilespmem:$0x14030] =	vst v0  }
0x34: {  	[tilespmem:$0x14040] =	vst v0  }
0x35: {  	[tilespmem:$0x14050] =	vst v0  }
0x36: {  	[tilespmem:$0x14060] =	vst v0  }
0x37: {  	[tilespmem:$0x14070] =	vst v0  }
0x38: {  	[tilespmem:$0x14080] =	vst v0  }
0x39: {  	[tilespmem:$0x14090] =	vst v0  }
0x3a: {  	[tilespmem:$0x140A0] =	vst v0  }
0x3b: {  	[tilespmem:$0x140B0] =	vst v0  }
0x3c: {  	[tilespmem:$0x140C0] =	vst v0  }
0x3d: {  	[tilespmem:$0x140D0] =	vst v0  }
0x3e: {  	[tilespmem:$0x140E0] =	vst v0  }
0x3f: {  	[tilespmem:$0x140F0] =	vst v0  }
0x40: {  	[tilespmem:$0x14100] =	vst v0  }
0x41: {  	[tilespmem:$0x14110] =	vst v0  }
0x42: {  	[tilespmem:$0x14120] =	vst v0  }
0x43: {  	s20 =	simm.s32 $0x4000;
	[tilespmem:$0x14130] =	vst v0  }
0x44: {  	[tilespmem:s20], [sflag:$0x1] =	stream.linear.gather [hbm4b:s5+s3], $0x4000, $0x38;
	[tilespmem:$0x14180] =	vst v63  }
0x45: {  	s1 =	simm.s32 $0x8000;
	s31 =	rddreg [dreg:$0x4]  }
0x46: {  	[tilespmem:s1], [sflag:$0x2] =	stream.linear.gather [hbm4b:s31+s3], $0x4000, $0x38;
	[tilespmem:$0x14180] =	vst v63  }
0x47: {  	_ = 	snop  }
0x48: {  	[tilespmem:s22], [sflag:$0x3] =	stream.linear.gather [hbm4b:s7+s3], $0x4000, $0x38;
	[tilespmem:$0x14180] =	vst v63  }
0x49: {  	s29 =	simm.s32 $0x0  }
0x4a: {  	[tilespmem:s23], [sflag:$0x4] =	stream.linear.gather [hbm4b:s8+s3], $0x4000, $0x38;
	[tilespmem:$0x14180] =	vst v63  }
.LBB2_2:
0x4b: {  	_ =	swait.ge [sflag:s24], $0x4000  }
0x4c: {  	[sflag:s24] =	ssyncset.done $0x0  }
0x4d: {  	[sflag:s24] =	ssyncadd.s32 $0xFFFFC000  }
0x4e: {  	_ =	swait.ge [sflag:s25], $0x4000  }
0x4f: {  	[sflag:s25] =	ssyncset.done $0x0  }
0x50: {  	s0 =	simm.s32 $0x0;
	[sflag:s25] =	ssyncadd.s32 $0xFFFFC000  }
0x51: {  	v9 =	vld [tilespmem:s0+$0x10]  }
0x52: {  	v10 =	vld [tilespmem:s0+$0x0]  }
0x53: {  	v8 =	vld [tilespmem:s0+$0x4010]  }
0x54: {  	v11 =	vld [tilespmem:s0+$0x4000]  }
0x55: {  	v14 =	vimm.f32 $0.0e+00;
	v12 =	vimm.f32 $0.0e+00;
	v7 =	vld [tilespmem:s0+$0x8000]  }
0x56: {  	v19 =	vimm.f32 $0.0e+00;
	v13 =	vimm.f32 $0.0e+00;
	v16 =	vimm.f32 $0.0e+00;
	v6 =	vld [tilespmem:s0+$0x8010]  }
0x57: {  	v17 =	vimm.f32 $0.0e+00;
	vm6 =	veq.s32 v9, $0x1;
	vm7 =	veq.s32 v9, $0x2  }
0x58: {  	vm4 =	veq.s32 v9, $0x3;
	vm5 =	veq.s32 v10, $0x1;
	vm3 =	veq.s32 v10, $0x2  }
0x59: {  	vm0 =	veq.s32 v9, $0x4;
	vm2 =	veq.s32 v10, $0x3;
	vm1 =	veq.s32 v10, $0x4  }
0x5a: {  	v24 =	vadd.f32 v11, v14;
	v23 =	vadd.f32 v7, v14;
	v10 =	vimm.f32 $0.0e+00  }
0x5b: {  	v9 =	vimm.f32 $0.0e+00;
	v22 =	vnsel vm6, $0x0, v8;
	v18 =	vnsel vm6, $0x0, v6  }
0x5c: {  	s0 =	simm.s32 $0x80;
	v21 =	vnsel vm7, $0x0, v8;
	v15 =	vnsel vm7, $0x0, v6;
	v20 =	vnsel vm4, $0x0, v8  }
.LBB2_3:
0x5d: {  	p0 =	sne.s32 s0, $0xFF80;
	v25 =	vnsel vm5, $0x0, v11;
	v26 =	vnsel vm5, $0x0, v7;
	v27 =	vnsel vm4, $0x0, v6  }
0x5e: {  	v28 =	vnsel vm3, $0x0, v11;
	v24 =	vadd.f32 v8, v24;
	v23 =	vadd.f32 v6, v23  }
0x5f: {  	v14 =	vadd.f32 v25, v14;
	v12 =	vadd.f32 v26, v12;
	v25 =	vnsel vm3, $0x0, v7  }
0x60: {  	s1 =	sshra.s32 s0, $0x2;
	v19 =	vadd.f32 v28, v19;
	v13 =	vadd.f32 v25, v13;
	v25 =	vnsel vm2, $0x0, v11  }
0x61: {  	v28 =	vnsel vm2, $0x0, v7;
	v14 =	vadd.f32 v22, v14;
	v12 =	vadd.f32 v18, v12;
	v26 =	vld [tilespmem:s1+$0x4010]  }
0x62: {  	v11 =	vnsel vm1, $0x0, v11;
	v19 =	vadd.f32 v21, v19;
	v13 =	vadd.f32 v15, v13;
	v18 =	vld [tilespmem:s1+$0x10]  }
0x63: {  	v7 =	vnsel vm1, $0x0, v7;
	v10 =	vadd.f32 v28, v10;
	v16 =	vadd.f32 v25, v16;
	v15 =	vld [tilespmem:s1+$0x0]  }
0x64: {  	v9 =	vadd.f32 v7, v9;
	v17 =	vadd.f32 v11, v17;
	v22 =	vnsel vm0, $0x0, v8;
	v21 =	vld [tilespmem:s1+$0x8010]  }
0x65: {  	v6 =	vnsel vm0, $0x0, v6;
	v10 =	vadd.f32 v27, v10;
	v16 =	vadd.f32 v20, v16;
	v11 =	vld [tilespmem:s1+$0x4000]  }
0x66: {  	v9 =	vadd.f32 v6, v9;
	v17 =	vadd.f32 v22, v17;
	v7 =	vld [tilespmem:s1+$0x8000];
	v8 =	vmov v26  }
.Ltmp2:
0x67: {  	vm6 =	veq.s32 v18, $0x1;
	vm7 =	veq.s32 v18, $0x2;
	vm4 =	veq.s32 v18, $0x3;
	(pc) =	sbr.rel @p0 .LBB2_3-.Ltmp2, $4  }
0x68: {  	vm0 =	veq.s32 v18, $0x4;
	vm5 =	veq.s32 v15, $0x1;
	vm3 =	veq.s32 v15, $0x2  }
0x69: {  	vm2 =	veq.s32 v15, $0x3;
	vm1 =	veq.s32 v15, $0x4;
	v22 =	vnsel vm6, $0x0, v8;
	v6 =	vmovc v21  }
0x6a: {  	v21 =	vnsel vm7, $0x0, v8;
	v18 =	vnsel vm6, $0x0, v6;
	v15 =	vnsel vm7, $0x0, v6  }
0x6b: {  	s0 =	sadd.s32 $0x80, s0;
	v20 =	vnsel vm4, $0x0, v8;
	v24 =	vadd.f32 v11, v24;
	v23 =	vadd.f32 v7, v23  }
0x6c: {  	v25 =	vnsel vm5, $0x0, v11  }
0x6d: {  	v26 =	vnsel vm3, $0x0, v11;
	v14 =	vadd.f32 v25, v14  }
0x6e: {  	v19 =	vadd.f32 v26, v19  }
0x6f: {  	v24 =	vadd.f32 v8, v24;
	v14 =	vadd.f32 v22, v14  }
0x70: {  	v22 =	vnsel vm2, $0x0, v11;
	v19 =	vadd.f32 v21, v19  }
0x71: {  	v11 =	vnsel vm1, $0x0, v11;
	v16 =	vadd.f32 v22, v16;
	v21 =	vsub.f32 v24, v14  }
0x72: {  	v11 =	vadd.f32 v11, v17  }
0x73: {  	v16 =	vadd.f32 v20, v16;
	v17 =	vsub.f32 v21, v19  }
0x74: {  	v8 =	vnsel vm0, $0x0, v8  }
0x75: {  	v8 =	vadd.f32 v8, v11;
	v11 =	vsub.f32 v17, v16  }
0x76: {  	v17 =	vnsel vm5, $0x0, v7  }
0x77: {  	v12 =	vadd.f32 v17, v12;
	v17 =	vnsel vm3, $0x0, v7;
	v11 =	vsub.f32 v11, v8  }
0x78: {  	v13 =	vadd.f32 v17, v13;
	v17 =	vperm.xlane v14, v2  }
0x79: {  	v12 =	vadd.f32 v18, v12;
	v18 =	vperm.xlane v19, v2;
	v21 =	vperm.xlane v11, v2  }
0x7a: {  	v14 =	vadd.f32 v17, v14  }
0x7b: {  	v17 =	vadd.f32 v18, v19;
	v11 =	vadd.f32 v21, v11  }
0x7c: {  	v13 =	vadd.f32 v15, v13;
	v21 =	vnsel vm2, $0x0, v7;
	v7 =	vnsel vm1, $0x0, v7  }
0x7d: {  	v7 =	vadd.f32 v7, v9;
	v9 =	vperm.xlane v17, v3;
	v15 =	vperm.xlane v11, v3  }
0x7e: {  	v22 =	vadd.f32 v6, v23;
	v20 =	vnsel vm4, $0x0, v6;
	v18 =	vperm.xlane v16, v2  }
0x7f: {  	v6 =	vnsel vm0, $0x0, v6;
	v9 =	vadd.f32 v9, v17;
	v11 =	vadd.f32 v15, v11  }
0x80: {  	v10 =	vadd.f32 v21, v10;
	v16 =	vadd.f32 v18, v16;
	v15 =	vperm.xlane v14, v3  }
0x81: {  	v6 =	vadd.f32 v6, v7;
	v7 =	vperm.xlane v9, v4;
	v18 =	vperm.xlane v11, v4  }
0x82: {  	v17 =	vsub.f32 v22, v12;
	v14 =	vadd.f32 v15, v14;
	v15 =	vperm.xlane v16, v3  }
0x83: {  	v7 =	vadd.f32 v7, v9;
	v11 =	vadd.f32 v18, v11  }
0x84: {  	s31 =	sshll.u32 s29, $0x2;
	v10 =	vadd.f32 v20, v10;
	v18 =	vperm.xlane v14, v4;
	v15 =	vadd.f32 v15, v16  }
0x85: {  	s1 =	sand.u32 $0xC, s31;
	s0 =	sand.u32 $0x30, s31;
	v16 =	vsub.f32 v17, v13;
	v20 =	vperm.xlane v7, v5;
	v17 =	vperm.xlane v11, v5  }
0x86: {  	v21 =	vld [tilespmem:s0+$0x14080];
	v14 =	vadd.f32 v18, v14;
	v18 =	vmov s1;
	v9 =	vperm.xlane v15, v4  }
0x87: {  	v19 =	vld [tilespmem:s0+$0x14000];
	vm0 =	veq.s32 v18, v1;
	v7 =	vadd.f32 v20, v7;
	v11 =	vadd.f32 v17, v11  }
0x88: {  	v18 =	vld [tilespmem:s0+$0x14040];
	v17 =	vperm.xlane v14, v5;
	v9 =	vadd.f32 v9, v15;
	v15 =	vperm.xlane v8, v2  }
0x89: {  	v16 =	vsub.f32 v16, v10;
	v7 =	vnsel vm0, $0x0, v7  }
0x8a: {  	v20 =	vld [tilespmem:s0+$0x140C0];
	v14 =	vadd.f32 v17, v14;
	v17 =	vperm.xlane v9, v5;
	v8 =	vadd.f32 v15, v8  }
0x8b: {  	v11 =	vnsel vm0, $0x0, v11;
	v15 =	vsub.f32 v16, v6;
	v7 =	vadd.f32 v7, v21  }
0x8c: {  	v14 =	vnsel vm0, $0x0, v14;
	v9 =	vadd.f32 v17, v9;
	v16 =	vperm.xlane v8, v3  }
0x8d: {  	v11 =	vadd.f32 v11, v19;
	v17 =	vperm.xlane v15, v2;
	v14 =	vadd.f32 v14, v18  }
0x8e: {  	v9 =	vnsel vm0, $0x0, v9;
	v8 =	vadd.f32 v16, v8;
	v16 =	vperm.xlane v12, v2  }
0x8f: {  	v15 =	vadd.f32 v17, v15;
	v17 =	vperm.xlane v13, v2;
	v9 =	vadd.f32 v9, v20  }
0x90: {  	v18 =	vperm.xlane v8, v4;
	v12 =	vadd.f32 v16, v12;
	v16 =	vperm.xlane v10, v2  }
0x91: {  	v19 =	vperm.xlane v15, v3;
	v13 =	vadd.f32 v17, v13;
	v17 =	vperm.xlane v6, v2  }
0x92: {  	v8 =	vadd.f32 v18, v8;
	v18 =	vperm.xlane v12, v3;
	v10 =	vadd.f32 v16, v10  }
0x93: {  	v15 =	vadd.f32 v19, v15;
	v16 =	vperm.xlane v13, v3;
	v6 =	vadd.f32 v17, v6  }
0x94: {  	v17 =	vperm.xlane v8, v5;
	v12 =	vadd.f32 v18, v12;
	v18 =	vperm.xlane v10, v3  }
0x95: {  	v19 =	vperm.xlane v15, v4;
	v13 =	vadd.f32 v16, v13;
	v16 =	vperm.xlane v6, v3  }
0x96: {  	v8 =	vadd.f32 v17, v8;
	v17 =	vperm.xlane v12, v4;
	v10 =	vadd.f32 v18, v10  }
0x97: {  	s20 =	sor.u32 $0x1, s1;
	v15 =	vadd.f32 v19, v15;
	v18 =	vperm.xlane v13, v4;
	v6 =	vadd.f32 v16, v6  }
0x98: {  	v19 =	vmov s20;
	v12 =	vadd.f32 v17, v12;
	v16 =	vperm.xlane v10, v4  }
0x99: {  	v17 =	vperm.xlane v15, v5;
	v13 =	vadd.f32 v18, v13;
	v18 =	vperm.xlane v6, v4  }
0x9a: {  	v8 =	vnsel vm0, $0x0, v8;
	v20 =	vperm.xlane v12, v5;
	v10 =	vadd.f32 v16, v10  }
0x9b: {  	v16 =	vld [tilespmem:s0+$0x14100];
	v15 =	vadd.f32 v17, v15;
	v17 =	vperm.xlane v13, v5;
	v6 =	vadd.f32 v18, v6  }
0x9c: {  	vm0 =	veq.s32 v19, v1;
	v12 =	vadd.f32 v20, v12;
	v18 =	vperm.xlane v10, v5  }
0x9d: {  	v15 =	vnsel vm0, $0x0, v15;
	v13 =	vadd.f32 v17, v13;
	v17 =	vperm.xlane v6, v5  }
0x9e: {  	v11 =	vadd.f32 v15, v11;
	v12 =	vnsel vm0, $0x0, v12;
	v10 =	vadd.f32 v18, v10  }
0x9f: {  	v13 =	vnsel vm0, $0x0, v13;
	v6 =	vadd.f32 v17, v6;
	v12 =	vadd.f32 v12, v14  }
0xa0: {  	p0 =	seq.s32 s29, $0xF;
	v8 =	vadd.f32 v8, v16;
	[tilespmem:s0+$0x14000] =	vst v11;
	v7 =	vadd.f32 v13, v7;
	v10 =	vnsel vm0, $0x0, v10  }
0xa1: {  	s20 =	sadd.s32 @!p0 s31, s9;
	v6 =	vnsel vm0, $0x0, v6;
	[tilespmem:s0+$0x14040] =	vst v12;
	v9 =	vadd.f32 v10, v9  }
0xa2: {  	s20 =	sshll.u32 @!p0 s20, $0xB;
	[tilespmem:s0+$0x14080] =	vst v7;
	v6 =	vadd.f32 v6, v8  }
0xa3: {  	s20 =	sand.u32 @!p0 $0x1FFFE000, s20;
	[tilespmem:s0+$0x140C0] =	vst v9  }
0xa4: {  	s4 =	simm.s32 @!p0 $0x0;
	s6 =	simm.s32 @!p0 $0x4000;
	s20 =	sadd.s32 @!p0 s2, s20;
	[tilespmem:s0+$0x14100] =	vst v6  }
0xa5: {  	[tilespmem:s6], [sflag:$0x1] =	stream.linear.gather @!p0 [hbm4b:s20+s4], $0x4000, $0x38;
	[tilespmem:$0x14180] =	vst v63  }
0xa6: {  	s6 =	sadd.s32 @!p0 s31, s10  }
0xa7: {  	s6 =	sshll.u32 @!p0 s6, $0xB  }
0xa8: {  	s6 =	sand.u32 @!p0 $0x1FFFE800, s6  }
0xa9: {  	s20 =	simm.s32 @!p0 $0x8000;
	s6 =	sadd.s32 @!p0 s2, s6  }
0xaa: {  	[tilespmem:s20], [sflag:$0x2] =	stream.linear.gather @!p0 [hbm4b:s6+s4], $0x4000, $0x38;
	[tilespmem:$0x14180] =	vst v63  }
0xab: {  	_ =	swait.ge [sflag:s26], $0x4000  }
0xac: {  	[sflag:s26] =	ssyncset.done $0x0  }
0xad: {  	[sflag:s26] =	ssyncadd.s32 $0xFFFFC000  }
0xae: {  	_ =	swait.ge [sflag:s28], $0x4000  }
0xaf: {  	[sflag:s28] =	ssyncset.done $0x0  }
0xb0: {  	s20 =	simm.s32 $0x0;
	[sflag:s28] =	ssyncadd.s32 $0xFFFFC000  }
0xb1: {  	v9 =	vld [tilespmem:s20+$0x10]  }
0xb2: {  	v10 =	vld [tilespmem:s20+$0x0]  }
0xb3: {  	v8 =	vld [tilespmem:s20+$0xC010]  }
0xb4: {  	v11 =	vld [tilespmem:s20+$0xC000]  }
0xb5: {  	v19 =	vimm.f32 $0.0e+00;
	v17 =	vimm.f32 $0.0e+00;
	v7 =	vld [tilespmem:s20+$0x10000]  }
0xb6: {  	v14 =	vimm.f32 $0.0e+00;
	v13 =	vimm.f32 $0.0e+00;
	v16 =	vimm.f32 $0.0e+00;
	v6 =	vld [tilespmem:s20+$0x10010]  }
0xb7: {  	v12 =	vimm.f32 $0.0e+00;
	vm6 =	veq.s32 v9, $0x1;
	vm7 =	veq.s32 v9, $0x2  }
0xb8: {  	vm4 =	veq.s32 v9, $0x3;
	vm5 =	veq.s32 v10, $0x1;
	vm3 =	veq.s32 v10, $0x2  }
0xb9: {  	vm0 =	veq.s32 v9, $0x4;
	vm2 =	veq.s32 v10, $0x3;
	vm1 =	veq.s32 v10, $0x4  }
0xba: {  	v24 =	vadd.f32 v11, v14;
	v23 =	vadd.f32 v7, v14;
	v10 =	vimm.f32 $0.0e+00  }
0xbb: {  	v9 =	vimm.f32 $0.0e+00;
	v22 =	vnsel vm6, $0x0, v8;
	v18 =	vnsel vm6, $0x0, v6  }
0xbc: {  	s20 =	simm.s32 $0x80;
	v21 =	vnsel vm7, $0x0, v8;
	v15 =	vnsel vm7, $0x0, v6;
	v20 =	vnsel vm4, $0x0, v8  }
.LBB2_5:
0xbd: {  	p1 =	sne.s32 s20, $0xFF80;
	v25 =	vnsel vm5, $0x0, v11;
	v26 =	vnsel vm5, $0x0, v7;
	v27 =	vnsel vm4, $0x0, v6  }
0xbe: {  	v28 =	vnsel vm3, $0x0, v11;
	v24 =	vadd.f32 v8, v24;
	v23 =	vadd.f32 v6, v23  }
0xbf: {  	v14 =	vadd.f32 v25, v14;
	v12 =	vadd.f32 v26, v12;
	v25 =	vnsel vm3, $0x0, v7  }
0xc0: {  	s4 =	sshra.s32 s20, $0x2;
	v19 =	vadd.f32 v28, v19;
	v13 =	vadd.f32 v25, v13;
	v25 =	vnsel vm2, $0x0, v11  }
0xc1: {  	v28 =	vnsel vm2, $0x0, v7;
	v14 =	vadd.f32 v22, v14;
	v12 =	vadd.f32 v18, v12;
	v26 =	vld [tilespmem:s4+$0xC010]  }
0xc2: {  	v11 =	vnsel vm1, $0x0, v11;
	v19 =	vadd.f32 v21, v19;
	v13 =	vadd.f32 v15, v13;
	v18 =	vld [tilespmem:s4+$0x10]  }
0xc3: {  	v7 =	vnsel vm1, $0x0, v7;
	v10 =	vadd.f32 v28, v10;
	v16 =	vadd.f32 v25, v16;
	v15 =	vld [tilespmem:s4+$0x0]  }
0xc4: {  	v9 =	vadd.f32 v7, v9;
	v17 =	vadd.f32 v11, v17;
	v22 =	vnsel vm0, $0x0, v8;
	v21 =	vld [tilespmem:s4+$0x10010]  }
0xc5: {  	v6 =	vnsel vm0, $0x0, v6;
	v10 =	vadd.f32 v27, v10;
	v16 =	vadd.f32 v20, v16;
	v11 =	vld [tilespmem:s4+$0xC000]  }
0xc6: {  	v9 =	vadd.f32 v6, v9;
	v17 =	vadd.f32 v22, v17;
	v7 =	vld [tilespmem:s4+$0x10000];
	v8 =	vmov v26  }
.Ltmp3:
0xc7: {  	vm6 =	veq.s32 v18, $0x1;
	vm7 =	veq.s32 v18, $0x2;
	vm4 =	veq.s32 v18, $0x3;
	(pc) =	sbr.rel @p1 .LBB2_5-.Ltmp3, $4  }
0xc8: {  	vm0 =	veq.s32 v18, $0x4;
	vm5 =	veq.s32 v15, $0x1;
	vm3 =	veq.s32 v15, $0x2  }
0xc9: {  	vm2 =	veq.s32 v15, $0x3;
	vm1 =	veq.s32 v15, $0x4;
	v22 =	vnsel vm6, $0x0, v8;
	v6 =	vmovc v21  }
0xca: {  	v21 =	vnsel vm7, $0x0, v8;
	v18 =	vnsel vm6, $0x0, v6;
	v15 =	vnsel vm7, $0x0, v6  }
0xcb: {  	s20 =	sadd.s32 $0x80, s20;
	v20 =	vnsel vm4, $0x0, v8;
	v24 =	vadd.f32 v11, v24;
	v23 =	vadd.f32 v7, v23  }
0xcc: {  	v25 =	vnsel vm5, $0x0, v11  }
0xcd: {  	v26 =	vnsel vm3, $0x0, v11;
	v46 =	vnsel vm2, $0x0, v11;
	v47 =	vnsel vm1, $0x0, v11  }
0xce: {  	v50 =	vnsel vm0, $0x0, v8;
	v52 =	vnsel vm5, $0x0, v7;
	v14 =	vadd.f32 v25, v14  }
0xcf: {  	v53 =	vnsel vm4, $0x0, v6;
	v19 =	vadd.f32 v26, v19;
	v24 =	vadd.f32 v8, v24  }
0xd0: {  	v56 =	vnsel vm3, $0x0, v7;
	v16 =	vadd.f32 v46, v16;
	v11 =	vadd.f32 v47, v17  }
0xd1: {  	v58 =	vnsel vm2, $0x0, v7;
	v55 =	vadd.f32 v6, v23;
	v12 =	vadd.f32 v52, v12  }
0xd2: {  	v7 =	vnsel vm1, $0x0, v7;
	s4 =	sor.u32 $0x2, s1;
	v13 =	vadd.f32 v56, v13;
	v10 =	vadd.f32 v58, v10  }
0xd3: {  	s20 =	sor.u32 $0x3, s1;
	v7 =	vadd.f32 v7, v9;
	v6 =	vnsel vm0, $0x0, v6;
	v29 =	vmov s4  }
0xd4: {  	v58 =	vmov s20;
	v14 =	vadd.f32 v22, v14;
	v19 =	vadd.f32 v21, v19  }
0xd5: {  	vm14 =	veq.s32 v29, v1;
	v16 =	vadd.f32 v20, v16;
	v8 =	vadd.f32 v50, v11  }
0xd6: {  	vm15 =	veq.s32 v58, v1;
	v12 =	vadd.f32 v18, v12;
	v13 =	vadd.f32 v15, v13  }
0xd7: {  	v10 =	vadd.f32 v53, v10;
	v6 =	vadd.f32 v6, v7;
	v57 =	vperm.xlane v14, v2  }
0xd8: {  	v48 =	vsub.f32 v24, v14;
	v59 =	vperm.xlane v19, v2;
	v62 =	vperm.xlane v16, v2  }
0xd9: {  	v25 =	vsub.f32 v55, v12;
	v36 =	vperm.xlane v8, v2;
	v42 =	vperm.xlane v12, v2  }
0xda: {  	v43 =	vperm.xlane v13, v2;
	v49 =	vsub.f32 v48, v19;
	v14 =	vadd.f32 v57, v14  }
0xdb: {  	v45 =	vperm.xlane v10, v2;
	v61 =	vadd.f32 v59, v19;
	v27 =	vsub.f32 v25, v13  }
0xdc: {  	v47 =	vperm.xlane v6, v2;
	v12 =	vadd.f32 v42, v12;
	v51 =	vsub.f32 v49, v16  }
0xdd: {  	v13 =	vadd.f32 v43, v13;
	v63 =	vperm.xlane v14, v3;
	v21 =	vperm.xlane v61, v3  }
0xde: {  	v16 =	vadd.f32 v62, v16;
	v48 =	vperm.xlane v12, v3;
	v11 =	vsub.f32 v51, v8  }
0xdf: {  	v49 =	vperm.xlane v13, v3;
	v14 =	vadd.f32 v63, v14;
	v9 =	vadd.f32 v21, v61  }
0xe0: {  	v24 =	vperm.xlane v16, v3;
	v8 =	vadd.f32 v36, v8;
	v12 =	vadd.f32 v48, v12  }
0xe1: {  	v13 =	vadd.f32 v49, v13;
	v54 =	vperm.xlane v11, v2;
	v26 =	vperm.xlane v14, v4  }
0xe2: {  	v7 =	vperm.xlane v9, v4;
	v15 =	vadd.f32 v24, v16;
	v16 =	vsub.f32 v27, v10  }
0xe3: {  	v40 =	vperm.xlane v8, v3;
	v10 =	vadd.f32 v45, v10;
	v11 =	vadd.f32 v54, v11  }
0xe4: {  	v53 =	vperm.xlane v12, v4;
	v14 =	vadd.f32 v26, v14;
	v7 =	vadd.f32 v7, v9  }
0xe5: {  	v31 =	vperm.xlane v15, v4;
	v39 =	vsub.f32 v16, v6;
	v8 =	vadd.f32 v40, v8  }
0xe6: {  	v6 =	vadd.f32 v47, v6;
	v51 =	vperm.xlane v10, v3;
	v54 =	vperm.xlane v13, v4  }
0xe7: {  	v12 =	vadd.f32 v53, v12;
	v60 =	vperm.xlane v11, v3;
	v32 =	vperm.xlane v14, v5  }
0xe8: {  	v34 =	vperm.xlane v7, v5;
	v9 =	vadd.f32 v31, v15;
	v41 =	vperm.xlane v39, v2  }
0xe9: {  	v44 =	vperm.xlane v8, v4;
	v10 =	vadd.f32 v51, v10;
	v13 =	vadd.f32 v54, v13  }
0xea: {  	v52 =	vperm.xlane v6, v3;
	v11 =	vadd.f32 v60, v11;
	v14 =	vadd.f32 v32, v14  }
0xeb: {  	v59 =	vperm.xlane v12, v5;
	v7 =	vadd.f32 v34, v7;
	v15 =	vadd.f32 v41, v39  }
0xec: {  	v33 =	vld [tilespmem:s0+$0x14040];
	v37 =	vperm.xlane v9, v5;
	v8 =	vadd.f32 v44, v8;
	v6 =	vadd.f32 v52, v6  }
0xed: {  	v35 =	vld [tilespmem:s0+$0x14080];
	v55 =	vperm.xlane v10, v4;
	v61 =	vperm.xlane v13, v5;
	v12 =	vadd.f32 v59, v12  }
0xee: {  	v23 =	vperm.xlane v11, v4;
	v14 =	vnsel vm14, $0x0, v14;
	v7 =	vnsel vm14, $0x0, v7  }
0xef: {  	v38 =	vld [tilespmem:s0+$0x140C0];
	v9 =	vadd.f32 v37, v9;
	v46 =	vperm.xlane v15, v3;
	v50 =	vperm.xlane v8, v5  }
0xf0: {  	v57 =	vperm.xlane v6, v4;
	v10 =	vadd.f32 v55, v10;
	v13 =	vadd.f32 v61, v13  }
0xf1: {  	v12 =	vnsel vm15, $0x0, v12;
	v14 =	vadd.f32 v14, v33;
	v15 =	vadd.f32 v46, v15  }
0xf2: {  	v7 =	vadd.f32 v7, v35;
	v11 =	vadd.f32 v23, v11;
	v9 =	vnsel vm14, $0x0, v9  }
0xf3: {  	v60 =	vld [tilespmem:s0+$0x14100];
	v8 =	vadd.f32 v50, v8;
	v6 =	vadd.f32 v57, v6;
	v19 =	vperm.xlane v15, v4  }
0xf4: {  	v62 =	vperm.xlane v10, v5;
	v13 =	vnsel vm15, $0x0, v13;
	v9 =	vadd.f32 v9, v38  }
0xf5: {  	v30 =	vld [tilespmem:s0+$0x14000];
	v12 =	vadd.f32 v12, v14;
	v28 =	vperm.xlane v11, v5;
	v15 =	vadd.f32 v19, v15  }
0xf6: {  	v7 =	vadd.f32 v13, v7;
	v8 =	vnsel vm14, $0x0, v8;
	v63 =	vperm.xlane v6, v5  }
0xf7: {  	v10 =	vadd.f32 v62, v10;
	v11 =	vadd.f32 v28, v11;
	v56 =	vperm.xlane v15, v5  }
0xf8: {  	v8 =	vadd.f32 v8, v60;
	v6 =	vadd.f32 v63, v6  }
0xf9: {  	v10 =	vnsel vm15, $0x0, v10;
	v11 =	vnsel vm14, $0x0, v11;
	v15 =	vadd.f32 v56, v15  }
.Ltmp4:
0xfa: {  	[tilespmem:s0+$0x14040] =	vst v12;
	v9 =	vadd.f32 v10, v9;
	v6 =	vnsel vm15, $0x0, v6;
	v11 =	vadd.f32 v11, v30;
	(pc) =	sbr.rel @p0 .LBB2_8-.Ltmp4, $4  }
0xfb: {  	[tilespmem:s0+$0x14080] =	vst v7;
	v6 =	vadd.f32 v6, v8;
	v15 =	vnsel vm15, $0x0, v15  }
0xfc: {  	[tilespmem:s0+$0x140C0] =	vst v9;
	v11 =	vadd.f32 v15, v11  }
0xfd: {  	[tilespmem:s0+$0x14100] =	vst v6  }
0xfe: {  	[tilespmem:s0+$0x14000] =	vst v11  }
0xff: {  	s0 =	sadd.s32 s31, s11  }
0x100: {  	s0 =	sshll.u32 s0, $0xB  }
0x101: {  	s0 =	sand.u32 $0x1FFFF000, s0  }
0x102: {  	s0 =	sadd.s32 s2, s0  }
0x103: {  	[tilespmem:s22], [sflag:$0x3] =	stream.linear.gather [hbm4b:s0+s3], $0x4000, $0x38;
	[tilespmem:$0x14180] =	vst v63  }
.Ltmp5:
0x104: {  	s31 =	sadd.s32 s31, s12;
	(pc) =	sbr.rel .LBB2_2-.Ltmp5, $4  }
0x105: {  	s0 =	sshll.u32 s31, $0xB  }
0x106: {  	s0 =	sand.u32 $0x1FFFF800, s0  }
0x107: {  	s29 =	sadd.s32 $0x1, s29;
	s0 =	sadd.s32 s2, s0  }
0x108: {  	[tilespmem:s23], [sflag:$0x4] =	stream.linear.gather [hbm4b:s0+s3], $0x4000, $0x38;
	[tilespmem:$0x14180] =	vst v63  }
.LBB2_9:
0x109: {  	_ =	sfence.sel $0x180000  }
0x10a: {  	[bflag:$0x0] =	sbarrier.arrive $0xFFFF  }
0x10b: {  	_ =	strace $0x90000047  }
0x10c: {  	s0 =	stileid.u32;
	[bflag:$0x2] =	sbarrier.arrive $0xFFFF  }
0x10d: {  	p0 =	sne.s32 s0, $0x0;
	s0 =	rddreg [dreg:$0x2]  }
0x10e: {  	s0 =	sadd.s32 @!p0 $0x100000, s0  }
0x10f: {  	[sflag:s0] =	ssyncadd.tile.s32 @!p0 $0x1;
	_ =	shalt  }
.Lfunc_end2:
_tile_overlayer_lowered:
.L_overlay_start_2:
0x110: {  	(tag) =	ssettag $0x2  }
0x111: {  	s0 =	rddreg [dreg:$0x0];
	s2 =	stileid.u32  }
0x112: {  	s1 =	rddreg [dreg:$0x1];
	p0 =	sne.s32 s2, $0x0  }
0x113: {  	s3 =	rddreg [dreg:$0x2];
	[bflag:$0x3] =	sbarrier.arrive $0xFFFF;
	s2 =	simm.s32 @!p0 $0x1C06  }
0x114: {  	[timem:s3], [sflag:s2] =	dma.local @!p0 [hbm:s0], s1  }
0x115: {  	s0 =	simm.s32 @!p0 $0x6  }
0x116: {  	_ =	swait.ge @!p0 [sflag:s0], s1  }
0x117: {  	s1 =	ssub.s32 @!p0 $0x0, s1;
	[sflag:s0] =	ssyncset.done @!p0 $0x0  }
0x118: {  	[sflag:s0] =	ssyncadd.s32 @!p0 s1  }
0x119: {  	[bflag:$0x3] =	sbarrier.arrive $0xFFFF  }
0x11a: {  	_ =	shalt  }

</sc_bundles>
